<compile_context>
chip_gen: v7x
topology: tpu7x:2x2x1
jax: 0.10.2.dev20260603
libtpu: 0.0.44.dev20260713+nightly
codegen_flags: <defaults>
</compile_context>

<pallas_src>
import functools

import jax
import jax.numpy as jnp
from jax import lax
from jax.experimental import pallas as pl
from jax.experimental.pallas import tpu as pltpu
from jax.experimental.pallas import tpu_sc as plsc

NC = 2
NS = 16
NW = NC * NS
C = 256
NBUF = 4
L = 16

D_MODEL = 64


def _make_gather(total, d):
    assert total % (NW * C) == 0
    b_per_w = total // NW
    nchunk = b_per_w // C
    assert nchunk % NBUF == 0
    mesh = plsc.VectorSubcoreMesh(core_axis_name="c", subcore_axis_name="s")

    @functools.partial(
        pl.kernel,
        mesh=mesh,
        compiler_params=pltpu.CompilerParams(
            use_tc_tiling_on_sc=False,
            disable_bounds_checks=True,
        ),
        out_type=jax.ShapeDtypeStruct((total, d), jnp.float32),
        scratch_types=[
            pltpu.VMEM((b_per_w,), jnp.int32),
            pltpu.VMEM((NBUF, C, d), jnp.float32),
            [pltpu.SemaphoreType.DMA] * NBUF,
            [pltpu.SemaphoreType.DMA] * NBUF,
        ],
    )
    def gather_kernel(idx_hbm, table_hbm, out_hbm, idx_v, rows_v, gsems, ssems):
        cid = lax.axis_index("c")
        sid = lax.axis_index("s")
        wid = sid * NC + cid
        base = wid * b_per_w
        pltpu.sync_copy(idx_hbm.at[pl.ds(base, b_per_w)], idx_v)

        def fire(j, b):
            for k in range(C // L):
                iv = idx_v[pl.ds(j * C + k * L, L)]
                pltpu.async_copy(
                    table_hbm.at[iv], rows_v.at[b, pl.ds(k * L, L)], gsems[b]
                )

        for b in range(NBUF):
            fire(b, b)

        def round_body(r, carry):
            j0 = r * NBUF
            for b in range(NBUF):
                j = j0 + b
                pltpu.make_async_copy(
                    table_hbm.at[idx_v[pl.ds(j * C, C)]], rows_v.at[b], gsems[b]
                ).wait()
                out_slice = out_hbm.at[pl.ds(base + j * C, C)]
                pltpu.async_copy(rows_v.at[b], out_slice, ssems[b])

                @pl.when(j + NBUF < nchunk)
                def _():
                    pltpu.make_async_copy(
                        rows_v.at[b], out_slice, ssems[b]
                    ).wait()
                    fire(j + NBUF, b)
            return carry

        lax.fori_loop(0, nchunk // NBUF, round_body, 0)

        for b in range(NBUF):
            j = nchunk - NBUF + b
            pltpu.make_async_copy(
                rows_v.at[b], out_hbm.at[pl.ds(base + j * C, C)], ssems[b]
            ).wait()

    return gather_kernel


def kernel(token_ids, weight):
    b, s = token_ids.shape
    d = weight.shape[1]
    total = b * s
    idx = token_ids.reshape(total).astype(jnp.int32)
    out = _make_gather(total, d)(idx, weight)
    return out.reshape(b, s, d)

# --- scband reference (transcript-rebuilt; emitter-appended) ---
"""Pipeline reference for scband-embedding-55559696941128 (READ-ONLY COPY).

The authoritative reference and input builder live on the scoring server;
editing this copy changes nothing except your own understanding.
"""

import jax, jax.numpy as jnp
import numpy as np

VOCAB = 1000000
D_MODEL = 64

def setup_inputs(seed: int = 0) -> dict:
    key = jax.random.key(seed)
    k_idx, k_w = jax.random.split(key)
    token_ids = jax.random.randint(k_idx, (16384, 20), 0, VOCAB, dtype=jnp.int64 if jax.config.jax_enable_x64 else jnp.int32)
    # truncated normal init with std=1.0, clipped to [-3, 3]
    weight = jax.random.truncated_normal(k_w, -3.0, 3.0, (VOCAB, D_MODEL), dtype=jnp.float32)
    return {"token_ids": token_ids, "weight": weight}

def reference(token_ids, weight):
    # weight[token_ids, :] gather
    return jnp.take(weight, token_ids, axis=0)

if __name__ == "__main__":
    import jax
    _d = setup_inputs()
    print(jax.jit(kernel)(*tuple(_d.values())))

</pallas_src>

<mosaic_0001>
#map = affine_map<(d0, d1) -> (0)>
#map1 = affine_map<(d0, d1) -> (0, 0)>
module attributes {stable_mosaic.version = 14 : i64} {
  func.func @gather_kernel(%arg0: i32, %arg1: i32, %arg2: memref<327680xi32, #tpu.memory_space<hbm>>, %arg3: memref<1000000x64xf32, #tpu.memory_space<hbm>>, %arg4: memref<327680x64xf32, #tpu.memory_space<hbm>>, %arg5: memref<10240xi32, #tpu.memory_space<vmem>>, %arg6: memref<4x256x64xf32, #tpu.memory_space<vmem>>, %arg7: memref<!tpu.dma_semaphore, #tpu.memory_space<semaphore_mem>>, %arg8: memref<!tpu.dma_semaphore, #tpu.memory_space<semaphore_mem>>, %arg9: memref<!tpu.dma_semaphore, #tpu.memory_space<semaphore_mem>>, %arg10: memref<!tpu.dma_semaphore, #tpu.memory_space<semaphore_mem>>, %arg11: memref<!tpu.dma_semaphore, #tpu.memory_space<semaphore_mem>>, %arg12: memref<!tpu.dma_semaphore, #tpu.memory_space<semaphore_mem>>, %arg13: memref<!tpu.dma_semaphore, #tpu.memory_space<semaphore_mem>>, %arg14: memref<!tpu.dma_semaphore, #tpu.memory_space<semaphore_mem>>) attributes {dimension_semantics = [#tpu.dimension_semantics<core_parallel>, #tpu.dimension_semantics<subcore_parallel>], iteration_bounds = array<i64: 2, 16>, scalar_prefetch = 0 : i64, scratch_operands = 10 : i64, tpu.core_type = #tpu.core_type<sc_vector_subcore>, window_params = [{transform_indices = #map}, {transform_indices = #map1}, {transform_indices = #map1}]} {
    %mul3A = arith.constant 2 : i32
    %mul3A_0 = arith.muli %arg1, %mul3A : i32
    %add3A = arith.addi %mul3A_0, %arg0 : i32
    %mul3A_1 = arith.constant 10240 : i32
    %mul3A_2 = arith.muli %add3A, %mul3A_1 : i32
    "tpu.region"() ({
      %run_scoped3A = tpu.sem_alloc : memref<!tpu.dma_semaphore, #tpu.memory_space<semaphore_mem>>
      %dma_start3A_769 = tpu.memref_slice %arg2[%mul3A_2] : memref<327680xi32, #tpu.memory_space<hbm>> -> memref<10240xi32, #tpu.memory_space<hbm>>
      %dma_start3A_770 = tpu.memref_slice %arg2[%mul3A_2] : memref<327680xi32, #tpu.memory_space<hbm>> -> memref<10240xi32, #tpu.memory_space<hbm>>
      tpu.enqueue_dma source(%dma_start3A_770 : memref<10240xi32, #tpu.memory_space<hbm>>) target(%arg5 : memref<10240xi32, #tpu.memory_space<vmem>>) target_semaphore(%run_scoped3A : memref<!tpu.dma_semaphore, #tpu.memory_space<semaphore_mem>>)
      %dma_wait3A_771 = tpu.memref_slice %arg2[%mul3A_2] : memref<327680xi32, #tpu.memory_space<hbm>> -> memref<10240xi32, #tpu.memory_space<hbm>>
      %dma_wait3A_772 = tpu.memref_slice %arg2[%mul3A_2] : memref<327680xi32, #tpu.memory_space<hbm>> -> memref<10240xi32, #tpu.memory_space<hbm>>
      tpu.wait_dma2 semaphore(%run_scoped3A : memref<!tpu.dma_semaphore, #tpu.memory_space<semaphore_mem>>) src(%dma_wait3A_772 : memref<10240xi32, #tpu.memory_space<hbm>>) dst(%arg5 : memref<10240xi32, #tpu.memory_space<vmem>>)
      tpu.yield
    }) : () -> ()
    %get3A = arith.constant 0 : index
    %get3A_3 = tpu.vector_load %arg5[%get3A] {strides = array<i32>} : memref<10240xi32, #tpu.memory_space<vmem>>, vector<16xi32>,
    %get3A_4 = vector.shape_cast %get3A_3 : vector<16xi32> to vector<16xi32>
    %dma_start3A = arith.constant 0 : i32
    %dma_start3A_5 = arith.constant 0 : i32
    %dma_start3A_6 = arith.constant 0 : i32
    %dma_start3A_7 = tpu.memref_slice %arg6[%dma_start3A, %dma_start3A_5, %dma_start3A_6] : memref<4x256x64xf32, #tpu.memory_space<vmem>> -> memref<1x16x64xf32, #tpu.memory_space<vmem>>
    %dma_start3A_8 = tpu.memref_squeeze %dma_start3A_7 : memref<1x16x64xf32, #tpu.memory_space<vmem>> -> memref<16x64xf32, #tpu.memory_space<vmem>>
    %dma_start3A_9 = arith.constant 0 : i32
    %dma_start3A_10 = arith.constant 0 : i32
    %dma_start3A_11 = tpu.memref_slice %arg3[%dma_start3A_9, %dma_start3A_10] : memref<1000000x64xf32, #tpu.memory_space<hbm>> -> memref<1000000x64xf32, #tpu.memory_space<hbm>>
    tpu.enqueue_indirect_dma source(%dma_start3A_11 : memref<1000000x64xf32, #tpu.memory_space<hbm>>) target(%dma_start3A_8 : memref<16x64xf32, #tpu.memory_space<vmem>>) offsets(%get3A_4 : vector<16xi32>) semaphore(%arg7 : memref<!tpu.dma_semaphore, #tpu.memory_space<semaphore_mem>>)
    %get3A_12 = arith.constant 16 : index
    %get3A_13 = tpu.vector_load %arg5[%get3A_12] {strides = array<i32>} : memref<10240xi32, #tpu.memory_space<vmem>>, vector<16xi32>,
    %get3A_14 = vector.shape_cast %get3A_13 : vector<16xi32> to vector<16xi32>
    %dma_start3A_15 = arith.constant 0 : i32
    %dma_start3A_16 = arith.constant 16 : i32
    %dma_start3A_17 = arith.constant 0 : i32
    %dma_start3A_18 = tpu.memref_slice %arg6[%dma_start3A_15, %dma_start3A_16, %dma_start3A_17] : memref<4x256x64xf32, #tpu.memory_space<vmem>> -> memref<1x16x64xf32, #tpu.memory_space<vmem>>
    %dma_start3A_19 = tpu.memref_squeeze %dma_start3A_18 : memref<1x16x64xf32, #tpu.memory_space<vmem>> -> memref<16x64xf32, #tpu.memory_space<vmem>>
    %dma_start3A_20 = arith.constant 0 : i32
    %dma_start3A_21 = arith.constant 0 : i32
    %dma_start3A_22 = tpu.memref_slice %arg3[%dma_start3A_20, %dma_start3A_21] : memref<1000000x64xf32, #tpu.memory_space<hbm>> -> memref<1000000x64xf32, #tpu.memory_space<hbm>>
    tpu.enqueue_indirect_dma source(%dma_start3A_22 : memref<1000000x64xf32, #tpu.memory_space<hbm>>) target(%dma_start3A_19 : memref<16x64xf32, #tpu.memory_space<vmem>>) offsets(%get3A_14 : vector<16xi32>) semaphore(%arg7 : memref<!tpu.dma_semaphore, #tpu.memory_space<semaphore_mem>>)
    %get3A_23 = arith.constant 32 : index
    %get3A_24 = tpu.vector_load %arg5[%get3A_23] {strides = array<i32>} : memref<10240xi32, #tpu.memory_space<vmem>>, vector<16xi32>,
    %get3A_25 = vector.shape_cast %get3A_24 : vector<16xi32> to vector<16xi32>
    %dma_start3A_26 = arith.constant 0 : i32
    %dma_start3A_27 = arith.constant 32 : i32
    %dma_start3A_28 = arith.constant 0 : i32
    %dma_start3A_29 = tpu.memref_slice %arg6[%dma_start3A_26, %dma_start3A_27, %dma_start3A_28] : memref<4x256x64xf32, #tpu.memory_space<vmem>> -> memref<1x16x64xf32, #tpu.memory_space<vmem>>
    %dma_start3A_30 = tpu.memref_squeeze %dma_start3A_29 : memref<1x16x64xf32, #tpu.memory_space<vmem>> -> memref<16x64xf32, #tpu.memory_space<vmem>>
    %dma_start3A_31 = arith.constant 0 : i32
    %dma_start3A_32 = arith.constant 0 : i32
    %dma_start3A_33 = tpu.memref_slice %arg3[%dma_start3A_31, %dma_start3A_32] : memref<1000000x64xf32, #tpu.memory_space<hbm>> -> memref<1000000x64xf32, #tpu.memory_space<hbm>>
    tpu.enqueue_indirect_dma source(%dma_start3A_33 : memref<1000000x64xf32, #tpu.memory_space<hbm>>) target(%dma_start3A_30 : memref<16x64xf32, #tpu.memory_space<vmem>>) offsets(%get3A_25 : vector<16xi32>) semaphore(%arg7 : memref<!tpu.dma_semaphore, #tpu.memory_space<semaphore_mem>>)
    %get3A_34 = arith.constant 48 : index
    %get3A_35 = tpu.vector_load %arg5[%get3A_34] {strides = array<i32>} : memref<10240xi32, #tpu.memory_space<vmem>>, vector<16xi32>,
    %get3A_36 = vector.shape_cast %get3A_35 : vector<16xi32> to vector<16xi32>
    %dma_start3A_37 = arith.constant 0 : i32
    %dma_start3A_38 = arith.constant 48 : i32
    %dma_start3A_39 = arith.constant 0 : i32
    %dma_start3A_40 = tpu.memref_slice %arg6[%dma_start3A_37, %dma_start3A_38, %dma_start3A_39] : memref<4x256x64xf32, #tpu.memory_space<vmem>> -> memref<1x16x64xf32, #tpu.memory_space<vmem>>
    %dma_start3A_41 = tpu.memref_squeeze %dma_start3A_40 : memref<1x16x64xf32, #tpu.memory_space<vmem>> -> memref<16x64xf32, #tpu.memory_space<vmem>>
    %dma_start3A_42 = arith.constant 0 : i32
    %dma_start3A_43 = arith.constant 0 : i32
    %dma_start3A_44 = tpu.memref_slice %arg3[%dma_start3A_42, %dma_start3A_43] : memref<1000000x64xf32, #tpu.memory_space<hbm>> -> memref<1000000x64xf32, #tpu.memory_space<hbm>>
    tpu.enqueue_indirect_dma source(%dma_start3A_44 : memref<1000000x64xf32, #tpu.memory_space<hbm>>) target(%dma_start3A_41 : memref<16x64xf32, #tpu.memory_space<vmem>>) offsets(%get3A_36 : vector<16xi32>) semaphore(%arg7 : memref<!tpu.dma_semaphore, #tpu.memory_space<semaphore_mem>>)
    %get3A_45 = arith.constant 64 : index
    %get3A_46 = tpu.vector_load %arg5[%get3A_45] {strides = array<i32>} : memref<10240xi32, #tpu.memory_space<vmem>>, vector<16xi32>,
    %get3A_47 = vector.shape_cast %get3A_46 : vector<16xi32> to vector<16xi32>
    %dma_start3A_48 = arith.constant 0 : i32
    %dma_start3A_49 = arith.constant 64 : i32
    %dma_start3A_50 = arith.constant 0 : i32
    %dma_start3A_51 = tpu.memref_slice %arg6[%dma_start3A_48, %dma_start3A_49, %dma_start3A_50] : memref<4x256x64xf32, #tpu.memory_space<vmem>> -> memref<1x16x64xf32, #tpu.memory_space<vmem>>
    %dma_start3A_52 = tpu.memref_squeeze %dma_start3A_51 : memref<1x16x64xf32, #tpu.memory_space<vmem>> -> memref<16x64xf32, #tpu.memory_space<vmem>>
    %dma_start3A_53 = arith.constant 0 : i32
    %dma_start3A_54 = arith.constant 0 : i32
    %dma_start3A_55 = tpu.memref_slice %arg3[%dma_start3A_53, %dma_start3A_54] : memref<1000000x64xf32, #tpu.memory_space<hbm>> -> memref<1000000x64xf32, #tpu.memory_space<hbm>>
    tpu.enqueue_indirect_dma source(%dma_start3A_55 : memref<1000000x64xf32, #tpu.memory_space<hbm>>) target(%dma_start3A_52 : memref<16x64xf32, #tpu.memory_space<vmem>>) offsets(%get3A_47 : vector<16xi32>) semaphore(%arg7 : memref<!tpu.dma_semaphore, #tpu.memory_space<semaphore_mem>>)
    %get3A_56 = arith.constant 80 : index
    %get3A_57 = tpu.vector_load %arg5[%get3A_56] {strides = array<i32>} : memref<10240xi32, #tpu.memory_space<vmem>>, vector<16xi32>,
    %get3A_58 = vector.shape_cast %get3A_57 : vector<16xi32> to vector<16xi32>
    %dma_start3A_59 = arith.constant 0 : i32
    %dma_start3A_60 = arith.constant 80 : i32
    %dma_start3A_61 = arith.constant 0 : i32
    %dma_start3A_62 = tpu.memref_slice %arg6[%dma_start3A_59, %dma_start3A_60, %dma_start3A_61] : memref<4x256x64xf32, #tpu.memory_space<vmem>> -> memref<1x16x64xf32, #tpu.memory_space<vmem>>
    %dma_start3A_63 = tpu.memref_squeeze %dma_start3A_62 : memref<1x16x64xf32, #tpu.memory_space<vmem>> -> memref<16x64xf32, #tpu.memory_space<vmem>>
    %dma_start3A_64 = arith.constant 0 : i32
    %dma_start3A_65 = arith.constant 0 : i32
    %dma_start3A_66 = tpu.memref_slice %arg3[%dma_start3A_64, %dma_start3A_65] : memref<1000000x64xf32, #tpu.memory_space<hbm>> -> memref<1000000x64xf32, #tpu.memory_space<hbm>>
    tpu.enqueue_indirect_dma source(%dma_start3A_66 : memref<1000000x64xf32, #tpu.memory_space<hbm>>) target(%dma_start3A_63 : memref<16x64xf32, #tpu.memory_space<vmem>>) offsets(%get3A_58 : vector<16xi32>) semaphore(%arg7 : memref<!tpu.dma_semaphore, #tpu.memory_space<semaphore_mem>>)
    %get3A_67 = arith.constant 96 : index
    %get3A_68 = tpu.vector_load %arg5[%get3A_67] {strides = array<i32>} : memref<10240xi32, #tpu.memory_space<vmem>>, vector<16xi32>,
    %get3A_69 = vector.shape_cast %get3A_68 : vector<16xi32> to vector<16xi32>
    %dma_start3A_70 = arith.constant 0 : i32
    %dma_start3A_71 = arith.constant 96 : i32
    %dma_start3A_72 = arith.constant 0 : i32
    %dma_start3A_73 = tpu.memref_slice %arg6[%dma_start3A_70, %dma_start3A_71, %dma_start3A_72] : memref<4x256x64xf32, #tpu.memory_space<vmem>> -> memref<1x16x64xf32, #tpu.memory_space<vmem>>
    %dma_start3A_74 = tpu.memref_squeeze %dma_start3A_73 : memref<1x16x64xf32, #tpu.memory_space<vmem>> -> memref<16x64xf32, #tpu.memory_space<vmem>>
    %dma_start3A_75 = arith.constant 0 : i32
    %dma_start3A_76 = arith.constant 0 : i32
    %dma_start3A_77 = tpu.memref_slice %arg3[%dma_start3A_75, %dma_start3A_76] : memref<1000000x64xf32, #tpu.memory_space<hbm>> -> memref<1000000x64xf32, #tpu.memory_space<hbm>>
    tpu.enqueue_indirect_dma source(%dma_start3A_77 : memref<1000000x64xf32, #tpu.memory_space<hbm>>) target(%dma_start3A_74 : memref<16x64xf32, #tpu.memory_space<vmem>>) offsets(%get3A_69 : vector<16xi32>) semaphore(%arg7 : memref<!tpu.dma_semaphore, #tpu.memory_space<semaphore_mem>>)
    %get3A_78 = arith.constant 112 : index
    %get3A_79 = tpu.vector_load %arg5[%get3A_78] {strides = array<i32>} : memref<10240xi32, #tpu.memory_space<vmem>>, vector<16xi32>,
    %get3A_80 = vector.shape_cast %get3A_79 : vector<16xi32> to vector<16xi32>
    %dma_start3A_81 = arith.constant 0 : i32
    %dma_start3A_82 = arith.constant 112 : i32
    %dma_start3A_83 = arith.constant 0 : i32
    %dma_start3A_84 = tpu.memref_slice %arg6[%dma_start3A_81, %dma_start3A_82, %dma_start3A_83] : memref<4x256x64xf32, #tpu.memory_space<vmem>> -> memref<1x16x64xf32, #tpu.memory_space<vmem>>
    %dma_start3A_85 = tpu.memref_squeeze %dma_start3A_84 : memref<1x16x64xf32, #tpu.memory_space<vmem>> -> memref<16x64xf32, #tpu.memory_space<vmem>>
    %dma_start3A_86 = arith.constant 0 : i32
    %dma_start3A_87 = arith.constant 0 : i32
    %dma_start3A_88 = tpu.memref_slice %arg3[%dma_start3A_86, %dma_start3A_87] : memref<1000000x64xf32, #tpu.memory_space<hbm>> -> memref<1000000x64xf32, #tpu.memory_space<hbm>>
    tpu.enqueue_indirect_dma source(%dma_start3A_88 : memref<1000000x64xf32, #tpu.memory_space<hbm>>) target(%dma_start3A_85 : memref<16x64xf32, #tpu.memory_space<vmem>>) offsets(%get3A_80 : vector<16xi32>) semaphore(%arg7 : memref<!tpu.dma_semaphore, #tpu.memory_space<semaphore_mem>>)
    %get3A_89 = arith.constant 128 : index
    %get3A_90 = tpu.vector_load %arg5[%get3A_89] {strides = array<i32>} : memref<10240xi32, #tpu.memory_space<vmem>>, vector<16xi32>,
    %get3A_91 = vector.shape_cast %get3A_90 : vector<16xi32> to vector<16xi32>
    %dma_start3A_92 = arith.constant 0 : i32
    %dma_start3A_93 = arith.constant 128 : i32
    %dma_start3A_94 = arith.constant 0 : i32
    %dma_start3A_95 = tpu.memref_slice %arg6[%dma_start3A_92, %dma_start3A_93, %dma_start3A_94] : memref<4x256x64xf32, #tpu.memory_space<vmem>> -> memref<1x16x64xf32, #tpu.memory_space<vmem>>
    %dma_start3A_96 = tpu.memref_squeeze %dma_start3A_95 : memref<1x16x64xf32, #tpu.memory_space<vmem>> -> memref<16x64xf32, #tpu.memory_space<vmem>>
    %dma_start3A_97 = arith.constant 0 : i32
    %dma_start3A_98 = arith.constant 0 : i32
    %dma_start3A_99 = tpu.memref_slice %arg3[%dma_start3A_97, %dma_start3A_98] : memref<1000000x64xf32, #tpu.memory_space<hbm>> -> memref<1000000x64xf32, #tpu.memory_space<hbm>>
    tpu.enqueue_indirect_dma source(%dma_start3A_99 : memref<1000000x64xf32, #tpu.memory_space<hbm>>) target(%dma_start3A_96 : memref<16x64xf32, #tpu.memory_space<vmem>>) offsets(%get3A_91 : vector<16xi32>) semaphore(%arg7 : memref<!tpu.dma_semaphore, #tpu.memory_space<semaphore_mem>>)
    %get3A_100 = arith.constant 144 : index
    %get3A_101 = tpu.vector_load %arg5[%get3A_100] {strides = array<i32>} : memref<10240xi32, #tpu.memory_space<vmem>>, vector<16xi32>,
    %get3A_102 = vector.shape_cast %get3A_101 : vector<16xi32> to vector<16xi32>
    %dma_start3A_103 = arith.constant 0 : i32
    %dma_start3A_104 = arith.constant 144 : i32
    %dma_start3A_105 = arith.constant 0 : i32
    %dma_start3A_106 = tpu.memref_slice %arg6[%dma_start3A_103, %dma_start3A_104, %dma_start3A_105] : memref<4x256x64xf32, #tpu.memory_space<vmem>> -> memref<1x16x64xf32, #tpu.memory_space<vmem>>
    %dma_start3A_107 = tpu.memref_squeeze %dma_start3A_106 : memref<1x16x64xf32, #tpu.memory_space<vmem>> -> memref<16x64xf32, #tpu.memory_space<vmem>>
    %dma_start3A_108 = arith.constant 0 : i32
    %dma_start3A_109 = arith.constant 0 : i32
    %dma_start3A_110 = tpu.memref_slice %arg3[%dma_start3A_108, %dma_start3A_109] : memref<1000000x64xf32, #tpu.memory_space<hbm>> -> memref<1000000x64xf32, #tpu.memory_space<hbm>>
    tpu.enqueue_indirect_dma source(%dma_start3A_110 : memref<1000000x64xf32, #tpu.memory_space<hbm>>) target(%dma_start3A_107 : memref<16x64xf32, #tpu.memory_space<vmem>>) offsets(%get3A_102 : vector<16xi32>) semaphore(%arg7 : memref<!tpu.dma_semaphore, #tpu.memory_space<semaphore_mem>>)
    %get3A_111 = arith.constant 160 : index
    %get3A_112 = tpu.vector_load %arg5[%get3A_111] {strides = array<i32>} : memref<10240xi32, #tpu.memory_space<vmem>>, vector<16xi32>,
    %get3A_113 = vector.shape_cast %get3A_112 : vector<16xi32> to vector<16xi32>
    %dma_start3A_114 = arith.constant 0 : i32
    %dma_start3A_115 = arith.constant 160 : i32
    %dma_start3A_116 = arith.constant 0 : i32
    %dma_start3A_117 = tpu.memref_slice %arg6[%dma_start3A_114, %dma_start3A_115, %dma_start3A_116] : memref<4x256x64xf32, #tpu.memory_space<vmem>> -> memref<1x16x64xf32, #tpu.memory_space<vmem>>
    %dma_start3A_118 = tpu.memref_squeeze %dma_start3A_117 : memref<1x16x64xf32, #tpu.memory_space<vmem>> -> memref<16x64xf32, #tpu.memory_space<vmem>>
    %dma_start3A_119 = arith.constant 0 : i32
    %dma_start3A_120 = arith.constant 0 : i32
    %dma_start3A_121 = tpu.memref_slice %arg3[%dma_start3A_119, %dma_start3A_120] : memref<1000000x64xf32, #tpu.memory_space<hbm>> -> memref<1000000x64xf32, #tpu.memory_space<hbm>>
    tpu.enqueue_indirect_dma source(%dma_start3A_121 : memref<1000000x64xf32, #tpu.memory_space<hbm>>) target(%dma_start3A_118 : memref<16x64xf32, #tpu.memory_space<vmem>>) offsets(%get3A_113 : vector<16xi32>) semaphore(%arg7 : memref<!tpu.dma_semaphore, #tpu.memory_space<semaphore_mem>>)
    %get3A_122 = arith.constant 176 : index
    %get3A_123 = tpu.vector_load %arg5[%get3A_122] {strides = array<i32>} : memref<10240xi32, #tpu.memory_space<vmem>>, vector<16xi32>,
    %get3A_124 = vector.shape_cast %get3A_123 : vector<16xi32> to vector<16xi32>
    %dma_start3A_125 = arith.constant 0 : i32
    %dma_start3A_126 = arith.constant 176 : i32
    %dma_start3A_127 = arith.constant 0 : i32
    %dma_start3A_128 = tpu.memref_slice %arg6[%dma_start3A_125, %dma_start3A_126, %dma_start3A_127] : memref<4x256x64xf32, #tpu.memory_space<vmem>> -> memref<1x16x64xf32, #tpu.memory_space<vmem>>
    %dma_start3A_129 = tpu.memref_squeeze %dma_start3A_128 : memref<1x16x64xf32, #tpu.memory_space<vmem>> -> memref<16x64xf32, #tpu.memory_space<vmem>>
    %dma_start3A_130 = arith.constant 0 : i32
    %dma_start3A_131 = arith.constant 0 : i32
    %dma_start3A_132 = tpu.memref_slice %arg3[%dma_start3A_130, %dma_start3A_131] : memref<1000000x64xf32, #tpu.memory_space<hbm>> -> memref<1000000x64xf32, #tpu.memory_space<hbm>>
    tpu.enqueue_indirect_dma source(%dma_start3A_132 : memref<1000000x64xf32, #tpu.memory_space<hbm>>) target(%dma_start3A_129 : memref<16x64xf32, #tpu.memory_space<vmem>>) offsets(%get3A_124 : vector<16xi32>) semaphore(%arg7 : memref<!tpu.dma_semaphore, #tpu.memory_space<semaphore_mem>>)
    %get3A_133 = arith.constant 192 : index
    %get3A_134 = tpu.vector_load %arg5[%get3A_133] {strides = array<i32>} : memref<10240xi32, #tpu.memory_space<vmem>>, vector<16xi32>,
    %get3A_135 = vector.shape_cast %get3A_134 : vector<16xi32> to vector<16xi32>
    %dma_start3A_136 = arith.constant 0 : i32
    %dma_start3A_137 = arith.constant 192 : i32
    %dma_start3A_138 = arith.constant 0 : i32
    %dma_start3A_139 = tpu.memref_slice %arg6[%dma_start3A_136, %dma_start3A_137, %dma_start3A_138] : memref<4x256x64xf32, #tpu.memory_space<vmem>> -> memref<1x16x64xf32, #tpu.memory_space<vmem>>
    %dma_start3A_140 = tpu.memref_squeeze %dma_start3A_139 : memref<1x16x64xf32, #tpu.memory_space<vmem>> -> memref<16x64xf32, #tpu.memory_space<vmem>>
    %dma_start3A_141 = arith.constant 0 : i32
    %dma_start3A_142 = arith.constant 0 : i32
    %dma_start3A_143 = tpu.memref_slice %arg3[%dma_start3A_141, %dma_start3A_142] : memref<1000000x64xf32, #tpu.memory_space<hbm>> -> memref<1000000x64xf32, #tpu.memory_space<hbm>>
    tpu.enqueue_indirect_dma source(%dma_start3A_143 : memref<1000000x64xf32, #tpu.memory_space<hbm>>) target(%dma_start3A_140 : memref<16x64xf32, #tpu.memory_space<vmem>>) offsets(%get3A_135 : vector<16xi32>) semaphore(%arg7 : memref<!tpu.dma_semaphore, #tpu.memory_space<semaphore_mem>>)
    %get3A_144 = arith.constant 208 : index
    %get3A_145 = tpu.vector_load %arg5[%get3A_144] {strides = array<i32>} : memref<10240xi32, #tpu.memory_space<vmem>>, vector<16xi32>,
    %get3A_146 = vector.shape_cast %get3A_145 : vector<16xi32> to vector<16xi32>
    %dma_start3A_147 = arith.constant 0 : i32
    %dma_start3A_148 = arith.constant 208 : i32
    %dma_start3A_149 = arith.constant 0 : i32
    %dma_start3A_150 = tpu.memref_slice %arg6[%dma_start3A_147, %dma_start3A_148, %dma_start3A_149] : memref<4x256x64xf32, #tpu.memory_space<vmem>> -> memref<1x16x64xf32, #tpu.memory_space<vmem>>
    %dma_start3A_151 = tpu.memref_squeeze %dma_start3A_150 : memref<1x16x64xf32, #tpu.memory_space<vmem>> -> memref<16x64xf32, #tpu.memory_space<vmem>>
    %dma_start3A_152 = arith.constant 0 : i32
    %dma_start3A_153 = arith.constant 0 : i32
    %dma_start3A_154 = tpu.memref_slice %arg3[%dma_start3A_152, %dma_start3A_153] : memref<1000000x64xf32, #tpu.memory_space<hbm>> -> memref<1000000x64xf32, #tpu.memory_space<hbm>>
    tpu.enqueue_indirect_dma source(%dma_start3A_154 : memref<1000000x64xf32, #tpu.memory_space<hbm>>) target(%dma_start3A_151 : memref<16x64xf32, #tpu.memory_space<vmem>>) offsets(%get3A_146 : vector<16xi32>) semaphore(%arg7 : memref<!tpu.dma_semaphore, #tpu.memory_space<semaphore_mem>>)
    %get3A_155 = arith.constant 224 : index
    %get3A_156 = tpu.vector_load %arg5[%get3A_155] {strides = array<i32>} : memref<10240xi32, #tpu.memory_space<vmem>>, vector<16xi32>,
    %get3A_157 = vector.shape_cast %get3A_156 : vector<16xi32> to vector<16xi32>
    %dma_start3A_158 = arith.constant 0 : i32
    %dma_start3A_159 = arith.constant 224 : i32
    %dma_start3A_160 = arith.constant 0 : i32
    %dma_start3A_161 = tpu.memref_slice %arg6[%dma_start3A_158, %dma_start3A_159, %dma_start3A_160] : memref<4x256x64xf32, #tpu.memory_space<vmem>> -> memref<1x16x64xf32, #tpu.memory_space<vmem>>
    %dma_start3A_162 = tpu.memref_squeeze %dma_start3A_161 : memref<1x16x64xf32, #tpu.memory_space<vmem>> -> memref<16x64xf32, #tpu.memory_space<vmem>>
    %dma_start3A_163 = arith.constant 0 : i32
    %dma_start3A_164 = arith.constant 0 : i32
    %dma_start3A_165 = tpu.memref_slice %arg3[%dma_start3A_163, %dma_start3A_164] : memref<1000000x64xf32, #tpu.memory_space<hbm>> -> memref<1000000x64xf32, #tpu.memory_space<hbm>>
    tpu.enqueue_indirect_dma source(%dma_start3A_165 : memref<1000000x64xf32, #tpu.memory_space<hbm>>) target(%dma_start3A_162 : memref<16x64xf32, #tpu.memory_space<vmem>>) offsets(%get3A_157 : vector<16xi32>) semaphore(%arg7 : memref<!tpu.dma_semaphore, #tpu.memory_space<semaphore_mem>>)
    %get3A_166 = arith.constant 240 : index
    %get3A_167 = tpu.vector_load %arg5[%get3A_166] {strides = array<i32>} : memref<10240xi32, #tpu.memory_space<vmem>>, vector<16xi32>,
    %get3A_168 = vector.shape_cast %get3A_167 : vector<16xi32> to vector<16xi32>
    %dma_start3A_169 = arith.constant 0 : i32
    %dma_start3A_170 = arith.constant 240 : i32
    %dma_start3A_171 = arith.constant 0 : i32
    %dma_start3A_172 = tpu.memref_slice %arg6[%dma_start3A_169, %dma_start3A_170, %dma_start3A_171] : memref<4x256x64xf32, #tpu.memory_space<vmem>> -> memref<1x16x64xf32, #tpu.memory_space<vmem>>
    %dma_start3A_173 = tpu.memref_squeeze %dma_start3A_172 : memref<1x16x64xf32, #tpu.memory_space<vmem>> -> memref<16x64xf32, #tpu.memory_space<vmem>>
    %dma_start3A_174 = arith.constant 0 : i32
    %dma_start3A_175 = arith.constant 0 : i32
    %dma_start3A_176 = tpu.memref_slice %arg3[%dma_start3A_174, %dma_start3A_175] : memref<1000000x64xf32, #tpu.memory_space<hbm>> -> memref<1000000x64xf32, #tpu.memory_space<hbm>>
    tpu.enqueue_indirect_dma source(%dma_start3A_176 : memref<1000000x64xf32, #tpu.memory_space<hbm>>) target(%dma_start3A_173 : memref<16x64xf32, #tpu.memory_space<vmem>>) offsets(%get3A_168 : vector<16xi32>) semaphore(%arg7 : memref<!tpu.dma_semaphore, #tpu.memory_space<semaphore_mem>>)
    %get3A_177 = arith.constant 256 : index
    %get3A_178 = tpu.vector_load %arg5[%get3A_177] {strides = array<i32>} : memref<10240xi32, #tpu.memory_space<vmem>>, vector<16xi32>,
    %get3A_179 = vector.shape_cast %get3A_178 : vector<16xi32> to vector<16xi32>
    %dma_start3A_180 = arith.constant 1 : i32
    %dma_start3A_181 = arith.constant 0 : i32
    %dma_start3A_182 = arith.constant 0 : i32
    %dma_start3A_183 = tpu.memref_slice %arg6[%dma_start3A_180, %dma_start3A_181, %dma_start3A_182] : memref<4x256x64xf32, #tpu.memory_space<vmem>> -> memref<1x16x64xf32, #tpu.memory_space<vmem>>
    %dma_start3A_184 = tpu.memref_squeeze %dma_start3A_183 : memref<1x16x64xf32, #tpu.memory_space<vmem>> -> memref<16x64xf32, #tpu.memory_space<vmem>>
    %dma_start3A_185 = arith.constant 0 : i32
    %dma_start3A_186 = arith.constant 0 : i32
    %dma_start3A_187 = tpu.memref_slice %arg3[%dma_start3A_185, %dma_start3A_186] : memref<1000000x64xf32, #tpu.memory_space<hbm>> -> memref<1000000x64xf32, #tpu.memory_space<hbm>>
    tpu.enqueue_indirect_dma source(%dma_start3A_187 : memref<1000000x64xf32, #tpu.memory_space<hbm>>) target(%dma_start3A_184 : memref<16x64xf32, #tpu.memory_space<vmem>>) offsets(%get3A_179 : vector<16xi32>) semaphore(%arg8 : memref<!tpu.dma_semaphore, #tpu.memory_space<semaphore_mem>>)
    %get3A_188 = arith.constant 272 : index
    %get3A_189 = tpu.vector_load %arg5[%get3A_188] {strides = array<i32>} : memref<10240xi32, #tpu.memory_space<vmem>>, vector<16xi32>,
    %get3A_190 = vector.shape_cast %get3A_189 : vector<16xi32> to vector<16xi32>
    %dma_start3A_191 = arith.constant 1 : i32
    %dma_start3A_192 = arith.constant 16 : i32
    %dma_start3A_193 = arith.constant 0 : i32
    %dma_start3A_194 = tpu.memref_slice %arg6[%dma_start3A_191, %dma_start3A_192, %dma_start3A_193] : memref<4x256x64xf32, #tpu.memory_space<vmem>> -> memref<1x16x64xf32, #tpu.memory_space<vmem>>
    %dma_start3A_195 = tpu.memref_squeeze %dma_start3A_194 : memref<1x16x64xf32, #tpu.memory_space<vmem>> -> memref<16x64xf32, #tpu.memory_space<vmem>>
    %dma_start3A_196 = arith.constant 0 : i32
    %dma_start3A_197 = arith.constant 0 : i32
    %dma_start3A_198 = tpu.memref_slice %arg3[%dma_start3A_196, %dma_start3A_197] : memref<1000000x64xf32, #tpu.memory_space<hbm>> -> memref<1000000x64xf32, #tpu.memory_space<hbm>>
    tpu.enqueue_indirect_dma source(%dma_start3A_198 : memref<1000000x64xf32, #tpu.memory_space<hbm>>) target(%dma_start3A_195 : memref<16x64xf32, #tpu.memory_space<vmem>>) offsets(%get3A_190 : vector<16xi32>) semaphore(%arg8 : memref<!tpu.dma_semaphore, #tpu.memory_space<semaphore_mem>>)
    %get3A_199 = arith.constant 288 : index
    %get3A_200 = tpu.vector_load %arg5[%get3A_199] {strides = array<i32>} : memref<10240xi32, #tpu.memory_space<vmem>>, vector<16xi32>,
    %get3A_201 = vector.shape_cast %get3A_200 : vector<16xi32> to vector<16xi32>
    %dma_start3A_202 = arith.constant 1 : i32
    %dma_start3A_203 = arith.constant 32 : i32
    %dma_start3A_204 = arith.constant 0 : i32
    %dma_start3A_205 = tpu.memref_slice %arg6[%dma_start3A_202, %dma_start3A_203, %dma_start3A_204] : memref<4x256x64xf32, #tpu.memory_space<vmem>> -> memref<1x16x64xf32, #tpu.memory_space<vmem>>
    %dma_start3A_206 = tpu.memref_squeeze %dma_start3A_205 : memref<1x16x64xf32, #tpu.memory_space<vmem>> -> memref<16x64xf32, #tpu.memory_space<vmem>>
    %dma_start3A_207 = arith.constant 0 : i32
    %dma_start3A_208 = arith.constant 0 : i32
    %dma_start3A_209 = tpu.memref_slice %arg3[%dma_start3A_207, %dma_start3A_208] : memref<1000000x64xf32, #tpu.memory_space<hbm>> -> memref<1000000x64xf32, #tpu.memory_space<hbm>>
    tpu.enqueue_indirect_dma source(%dma_start3A_209 : memref<1000000x64xf32, #tpu.memory_space<hbm>>) target(%dma_start3A_206 : memref<16x64xf32, #tpu.memory_space<vmem>>) offsets(%get3A_201 : vector<16xi32>) semaphore(%arg8 : memref<!tpu.dma_semaphore, #tpu.memory_space<semaphore_mem>>)
    %get3A_210 = arith.constant 304 : index
    %get3A_211 = tpu.vector_load %arg5[%get3A_210] {strides = array<i32>} : memref<10240xi32, #tpu.memory_space<vmem>>, vector<16xi32>,
    %get3A_212 = vector.shape_cast %get3A_211 : vector<16xi32> to vector<16xi32>
    %dma_start3A_213 = arith.constant 1 : i32
    %dma_start3A_214 = arith.constant 48 : i32
    %dma_start3A_215 = arith.constant 0 : i32
    %dma_start3A_216 = tpu.memref_slice %arg6[%dma_start3A_213, %dma_start3A_214, %dma_start3A_215] : memref<4x256x64xf32, #tpu.memory_space<vmem>> -> memref<1x16x64xf32, #tpu.memory_space<vmem>>
    %dma_start3A_217 = tpu.memref_squeeze %dma_start3A_216 : memref<1x16x64xf32, #tpu.memory_space<vmem>> -> memref<16x64xf32, #tpu.memory_space<vmem>>
    %dma_start3A_218 = arith.constant 0 : i32
    %dma_start3A_219 = arith.constant 0 : i32
    %dma_start3A_220 = tpu.memref_slice %arg3[%dma_start3A_218, %dma_start3A_219] : memref<1000000x64xf32, #tpu.memory_space<hbm>> -> memref<1000000x64xf32, #tpu.memory_space<hbm>>
    tpu.enqueue_indirect_dma source(%dma_start3A_220 : memref<1000000x64xf32, #tpu.memory_space<hbm>>) target(%dma_start3A_217 : memref<16x64xf32, #tpu.memory_space<vmem>>) offsets(%get3A_212 : vector<16xi32>) semaphore(%arg8 : memref<!tpu.dma_semaphore, #tpu.memory_space<semaphore_mem>>)
    %get3A_221 = arith.constant 320 : index
    %get3A_222 = tpu.vector_load %arg5[%get3A_221] {strides = array<i32>} : memref<10240xi32, #tpu.memory_space<vmem>>, vector<16xi32>,
    %get3A_223 = vector.shape_cast %get3A_222 : vector<16xi32> to vector<16xi32>
    %dma_start3A_224 = arith.constant 1 : i32
    %dma_start3A_225 = arith.constant 64 : i32
    %dma_start3A_226 = arith.constant 0 : i32
    %dma_start3A_227 = tpu.memref_slice %arg6[%dma_start3A_224, %dma_start3A_225, %dma_start3A_226] : memref<4x256x64xf32, #tpu.memory_space<vmem>> -> memref<1x16x64xf32, #tpu.memory_space<vmem>>
    %dma_start3A_228 = tpu.memref_squeeze %dma_start3A_227 : memref<1x16x64xf32, #tpu.memory_space<vmem>> -> memref<16x64xf32, #tpu.memory_space<vmem>>
    %dma_start3A_229 = arith.constant 0 : i32
    %dma_start3A_230 = arith.constant 0 : i32
    %dma_start3A_231 = tpu.memref_slice %arg3[%dma_start3A_229, %dma_start3A_230] : memref<1000000x64xf32, #tpu.memory_space<hbm>> -> memref<1000000x64xf32, #tpu.memory_space<hbm>>
    tpu.enqueue_indirect_dma source(%dma_start3A_231 : memref<1000000x64xf32, #tpu.memory_space<hbm>>) target(%dma_start3A_228 : memref<16x64xf32, #tpu.memory_space<vmem>>) offsets(%get3A_223 : vector<16xi32>) semaphore(%arg8 : memref<!tpu.dma_semaphore, #tpu.memory_space<semaphore_mem>>)
    %get3A_232 = arith.constant 336 : index
    %get3A_233 = tpu.vector_load %arg5[%get3A_232] {strides = array<i32>} : memref<10240xi32, #tpu.memory_space<vmem>>, vector<16xi32>,
    %get3A_234 = vector.shape_cast %get3A_233 : vector<16xi32> to vector<16xi32>
    %dma_start3A_235 = arith.constant 1 : i32
    %dma_start3A_236 = arith.constant 80 : i32
    %dma_start3A_237 = arith.constant 0 : i32
    %dma_start3A_238 = tpu.memref_slice %arg6[%dma_start3A_235, %dma_start3A_236, %dma_start3A_237] : memref<4x256x64xf32, #tpu.memory_space<vmem>> -> memref<1x16x64xf32, #tpu.memory_space<vmem>>
    %dma_start3A_239 = tpu.memref_squeeze %dma_start3A_238 : memref<1x16x64xf32, #tpu.memory_space<vmem>> -> memref<16x64xf32, #tpu.memory_space<vmem>>
    %dma_start3A_240 = arith.constant 0 : i32
    %dma_start3A_241 = arith.constant 0 : i32
    %dma_start3A_242 = tpu.memref_slice %arg3[%dma_start3A_240, %dma_start3A_241] : memref<1000000x64xf32, #tpu.memory_space<hbm>> -> memref<1000000x64xf32, #tpu.memory_space<hbm>>
    tpu.enqueue_indirect_dma source(%dma_start3A_242 : memref<1000000x64xf32, #tpu.memory_space<hbm>>) target(%dma_start3A_239 : memref<16x64xf32, #tpu.memory_space<vmem>>) offsets(%get3A_234 : vector<16xi32>) semaphore(%arg8 : memref<!tpu.dma_semaphore, #tpu.memory_space<semaphore_mem>>)
    %get3A_243 = arith.constant 352 : index
    %get3A_244 = tpu.vector_load %arg5[%get3A_243] {strides = array<i32>} : memref<10240xi32, #tpu.memory_space<vmem>>, vector<16xi32>,
    %get3A_245 = vector.shape_cast %get3A_244 : vector<16xi32> to vector<16xi32>
    %dma_start3A_246 = arith.constant 1 : i32
    %dma_start3A_247 = arith.constant 96 : i32
    %dma_start3A_248 = arith.constant 0 : i32
    %dma_start3A_249 = tpu.memref_slice %arg6[%dma_start3A_246, %dma_start3A_247, %dma_start3A_248] : memref<4x256x64xf32, #tpu.memory_space<vmem>> -> memref<1x16x64xf32, #tpu.memory_space<vmem>>
    %dma_start3A_250 = tpu.memref_squeeze %dma_start3A_249 : memref<1x16x64xf32, #tpu.memory_space<vmem>> -> memref<16x64xf32, #tpu.memory_space<vmem>>
    %dma_start3A_251 = arith.constant 0 : i32
    %dma_start3A_252 = arith.constant 0 : i32
    %dma_start3A_253 = tpu.memref_slice %arg3[%dma_start3A_251, %dma_start3A_252] : memref<1000000x64xf32, #tpu.memory_space<hbm>> -> memref<1000000x64xf32, #tpu.memory_space<hbm>>
    tpu.enqueue_indirect_dma source(%dma_start3A_253 : memref<1000000x64xf32, #tpu.memory_space<hbm>>) target(%dma_start3A_250 : memref<16x64xf32, #tpu.memory_space<vmem>>) offsets(%get3A_245 : vector<16xi32>) semaphore(%arg8 : memref<!tpu.dma_semaphore, #tpu.memory_space<semaphore_mem>>)
    %get3A_254 = arith.constant 368 : index
    %get3A_255 = tpu.vector_load %arg5[%get3A_254] {strides = array<i32>} : memref<10240xi32, #tpu.memory_space<vmem>>, vector<16xi32>,
    %get3A_256 = vector.shape_cast %get3A_255 : vector<16xi32> to vector<16xi32>
    %dma_start3A_257 = arith.constant 1 : i32
    %dma_start3A_258 = arith.constant 112 : i32
    %dma_start3A_259 = arith.constant 0 : i32
    %dma_start3A_260 = tpu.memref_slice %arg6[%dma_start3A_257, %dma_start3A_258, %dma_start3A_259] : memref<4x256x64xf32, #tpu.memory_space<vmem>> -> memref<1x16x64xf32, #tpu.memory_space<vmem>>
    %dma_start3A_261 = tpu.memref_squeeze %dma_start3A_260 : memref<1x16x64xf32, #tpu.memory_space<vmem>> -> memref<16x64xf32, #tpu.memory_space<vmem>>
    %dma_start3A_262 = arith.constant 0 : i32
    %dma_start3A_263 = arith.constant 0 : i32
    %dma_start3A_264 = tpu.memref_slice %arg3[%dma_start3A_262, %dma_start3A_263] : memref<1000000x64xf32, #tpu.memory_space<hbm>> -> memref<1000000x64xf32, #tpu.memory_space<hbm>>
    tpu.enqueue_indirect_dma source(%dma_start3A_264 : memref<1000000x64xf32, #tpu.memory_space<hbm>>) target(%dma_start3A_261 : memref<16x64xf32, #tpu.memory_space<vmem>>) offsets(%get3A_256 : vector<16xi32>) semaphore(%arg8 : memref<!tpu.dma_semaphore, #tpu.memory_space<semaphore_mem>>)
    %get3A_265 = arith.constant 384 : index
    %get3A_266 = tpu.vector_load %arg5[%get3A_265] {strides = array<i32>} : memref<10240xi32, #tpu.memory_space<vmem>>, vector<16xi32>,
    %get3A_267 = vector.shape_cast %get3A_266 : vector<16xi32> to vector<16xi32>
    %dma_start3A_268 = arith.constant 1 : i32
    %dma_start3A_269 = arith.constant 128 : i32
    %dma_start3A_270 = arith.constant 0 : i32
    %dma_start3A_271 = tpu.memref_slice %arg6[%dma_start3A_268, %dma_start3A_269, %dma_start3A_270] : memref<4x256x64xf32, #tpu.memory_space<vmem>> -> memref<1x16x64xf32, #tpu.memory_space<vmem>>
    %dma_start3A_272 = tpu.memref_squeeze %dma_start3A_271 : memref<1x16x64xf32, #tpu.memory_space<vmem>> -> memref<16x64xf32, #tpu.memory_space<vmem>>
    %dma_start3A_273 = arith.constant 0 : i32
    %dma_start3A_274 = arith.constant 0 : i32
    %dma_start3A_275 = tpu.memref_slice %arg3[%dma_start3A_273, %dma_start3A_274] : memref<1000000x64xf32, #tpu.memory_space<hbm>> -> memref<1000000x64xf32, #tpu.memory_space<hbm>>
    tpu.enqueue_indirect_dma source(%dma_start3A_275 : memref<1000000x64xf32, #tpu.memory_space<hbm>>) target(%dma_start3A_272 : memref<16x64xf32, #tpu.memory_space<vmem>>) offsets(%get3A_267 : vector<16xi32>) semaphore(%arg8 : memref<!tpu.dma_semaphore, #tpu.memory_space<semaphore_mem>>)
    %get3A_276 = arith.constant 400 : index
    %get3A_277 = tpu.vector_load %arg5[%get3A_276] {strides = array<i32>} : memref<10240xi32, #tpu.memory_space<vmem>>, vector<16xi32>,
    %get3A_278 = vector.shape_cast %get3A_277 : vector<16xi32> to vector<16xi32>
    %dma_start3A_279 = arith.constant 1 : i32
    %dma_start3A_280 = arith.constant 144 : i32
    %dma_start3A_281 = arith.constant 0 : i32
    %dma_start3A_282 = tpu.memref_slice %arg6[%dma_start3A_279, %dma_start3A_280, %dma_start3A_281] : memref<4x256x64xf32, #tpu.memory_space<vmem>> -> memref<1x16x64xf32, #tpu.memory_space<vmem>>
    %dma_start3A_283 = tpu.memref_squeeze %dma_start3A_282 : memref<1x16x64xf32, #tpu.memory_space<vmem>> -> memref<16x64xf32, #tpu.memory_space<vmem>>
    %dma_start3A_284 = arith.constant 0 : i32
    %dma_start3A_285 = arith.constant 0 : i32
    %dma_start3A_286 = tpu.memref_slice %arg3[%dma_start3A_284, %dma_start3A_285] : memref<1000000x64xf32, #tpu.memory_space<hbm>> -> memref<1000000x64xf32, #tpu.memory_space<hbm>>
    tpu.enqueue_indirect_dma source(%dma_start3A_286 : memref<1000000x64xf32, #tpu.memory_space<hbm>>) target(%dma_start3A_283 : memref<16x64xf32, #tpu.memory_space<vmem>>) offsets(%get3A_278 : vector<16xi32>) semaphore(%arg8 : memref<!tpu.dma_semaphore, #tpu.memory_space<semaphore_mem>>)
    %get3A_287 = arith.constant 416 : index
    %get3A_288 = tpu.vector_load %arg5[%get3A_287] {strides = array<i32>} : memref<10240xi32, #tpu.memory_space<vmem>>, vector<16xi32>,
    %get3A_289 = vector.shape_cast %get3A_288 : vector<16xi32> to vector<16xi32>
    %dma_start3A_290 = arith.constant 1 : i32
    %dma_start3A_291 = arith.constant 160 : i32
    %dma_start3A_292 = arith.constant 0 : i32
    %dma_start3A_293 = tpu.memref_slice %arg6[%dma_start3A_290, %dma_start3A_291, %dma_start3A_292] : memref<4x256x64xf32, #tpu.memory_space<vmem>> -> memref<1x16x64xf32, #tpu.memory_space<vmem>>
    %dma_start3A_294 = tpu.memref_squeeze %dma_start3A_293 : memref<1x16x64xf32, #tpu.memory_space<vmem>> -> memref<16x64xf32, #tpu.memory_space<vmem>>
    %dma_start3A_295 = arith.constant 0 : i32
    %dma_start3A_296 = arith.constant 0 : i32
    %dma_start3A_297 = tpu.memref_slice %arg3[%dma_start3A_295, %dma_start3A_296] : memref<1000000x64xf32, #tpu.memory_space<hbm>> -> memref<1000000x64xf32, #tpu.memory_space<hbm>>
    tpu.enqueue_indirect_dma source(%dma_start3A_297 : memref<1000000x64xf32, #tpu.memory_space<hbm>>) target(%dma_start3A_294 : memref<16x64xf32, #tpu.memory_space<vmem>>) offsets(%get3A_289 : vector<16xi32>) semaphore(%arg8 : memref<!tpu.dma_semaphore, #tpu.memory_space<semaphore_mem>>)
    %get3A_298 = arith.constant 432 : index
    %get3A_299 = tpu.vector_load %arg5[%get3A_298] {strides = array<i32>} : memref<10240xi32, #tpu.memory_space<vmem>>, vector<16xi32>,
    %get3A_300 = vector.shape_cast %get3A_299 : vector<16xi32> to vector<16xi32>
    %dma_start3A_301 = arith.constant 1 : i32
    %dma_start3A_302 = arith.constant 176 : i32
    %dma_start3A_303 = arith.constant 0 : i32
    %dma_start3A_304 = tpu.memref_slice %arg6[%dma_start3A_301, %dma_start3A_302, %dma_start3A_303] : memref<4x256x64xf32, #tpu.memory_space<vmem>> -> memref<1x16x64xf32, #tpu.memory_space<vmem>>
    %dma_start3A_305 = tpu.memref_squeeze %dma_start3A_304 : memref<1x16x64xf32, #tpu.memory_space<vmem>> -> memref<16x64xf32, #tpu.memory_space<vmem>>
    %dma_start3A_306 = arith.constant 0 : i32
    %dma_start3A_307 = arith.constant 0 : i32
    %dma_start3A_308 = tpu.memref_slice %arg3[%dma_start3A_306, %dma_start3A_307] : memref<1000000x64xf32, #tpu.memory_space<hbm>> -> memref<1000000x64xf32, #tpu.memory_space<hbm>>
    tpu.enqueue_indirect_dma source(%dma_start3A_308 : memref<1000000x64xf32, #tpu.memory_space<hbm>>) target(%dma_start3A_305 : memref<16x64xf32, #tpu.memory_space<vmem>>) offsets(%get3A_300 : vector<16xi32>) semaphore(%arg8 : memref<!tpu.dma_semaphore, #tpu.memory_space<semaphore_mem>>)
    %get3A_309 = arith.constant 448 : index
    %get3A_310 = tpu.vector_load %arg5[%get3A_309] {strides = array<i32>} : memref<10240xi32, #tpu.memory_space<vmem>>, vector<16xi32>,
    %get3A_311 = vector.shape_cast %get3A_310 : vector<16xi32> to vector<16xi32>
    %dma_start3A_312 = arith.constant 1 : i32
    %dma_start3A_313 = arith.constant 192 : i32
    %dma_start3A_314 = arith.constant 0 : i32
    %dma_start3A_315 = tpu.memref_slice %arg6[%dma_start3A_312, %dma_start3A_313, %dma_start3A_314] : memref<4x256x64xf32, #tpu.memory_space<vmem>> -> memref<1x16x64xf32, #tpu.memory_space<vmem>>
    %dma_start3A_316 = tpu.memref_squeeze %dma_start3A_315 : memref<1x16x64xf32, #tpu.memory_space<vmem>> -> memref<16x64xf32, #tpu.memory_space<vmem>>
    %dma_start3A_317 = arith.constant 0 : i32
    %dma_start3A_318 = arith.constant 0 : i32
    %dma_start3A_319 = tpu.memref_slice %arg3[%dma_start3A_317, %dma_start3A_318] : memref<1000000x64xf32, #tpu.memory_space<hbm>> -> memref<1000000x64xf32, #tpu.memory_space<hbm>>
    tpu.enqueue_indirect_dma source(%dma_start3A_319 : memref<1000000x64xf32, #tpu.memory_space<hbm>>) target(%dma_start3A_316 : memref<16x64xf32, #tpu.memory_space<vmem>>) offsets(%get3A_311 : vector<16xi32>) semaphore(%arg8 : memref<!tpu.dma_semaphore, #tpu.memory_space<semaphore_mem>>)
    %get3A_320 = arith.constant 464 : index
    %get3A_321 = tpu.vector_load %arg5[%get3A_320] {strides = array<i32>} : memref<10240xi32, #tpu.memory_space<vmem>>, vector<16xi32>,
    %get3A_322 = vector.shape_cast %get3A_321 : vector<16xi32> to vector<16xi32>
    %dma_start3A_323 = arith.constant 1 : i32
    %dma_start3A_324 = arith.constant 208 : i32
    %dma_start3A_325 = arith.constant 0 : i32
    %dma_start3A_326 = tpu.memref_slice %arg6[%dma_start3A_323, %dma_start3A_324, %dma_start3A_325] : memref<4x256x64xf32, #tpu.memory_space<vmem>> -> memref<1x16x64xf32, #tpu.memory_space<vmem>>
    %dma_start3A_327 = tpu.memref_squeeze %dma_start3A_326 : memref<1x16x64xf32, #tpu.memory_space<vmem>> -> memref<16x64xf32, #tpu.memory_space<vmem>>
    %dma_start3A_328 = arith.constant 0 : i32
    %dma_start3A_329 = arith.constant 0 : i32
    %dma_start3A_330 = tpu.memref_slice %arg3[%dma_start3A_328, %dma_start3A_329] : memref<1000000x64xf32, #tpu.memory_space<hbm>> -> memref<1000000x64xf32, #tpu.memory_space<hbm>>
    tpu.enqueue_indirect_dma source(%dma_start3A_330 : memref<1000000x64xf32, #tpu.memory_space<hbm>>) target(%dma_start3A_327 : memref<16x64xf32, #tpu.memory_space<vmem>>) offsets(%get3A_322 : vector<16xi32>) semaphore(%arg8 : memref<!tpu.dma_semaphore, #tpu.memory_space<semaphore_mem>>)
    %get3A_331 = arith.constant 480 : index
    %get3A_332 = tpu.vector_load %arg5[%get3A_331] {strides = array<i32>} : memref<10240xi32, #tpu.memory_space<vmem>>, vector<16xi32>,
    %get3A_333 = vector.shape_cast %get3A_332 : vector<16xi32> to vector<16xi32>
    %dma_start3A_334 = arith.constant 1 : i32
    %dma_start3A_335 = arith.constant 224 : i32
    %dma_start3A_336 = arith.constant 0 : i32
    %dma_start3A_337 = tpu.memref_slice %arg6[%dma_start3A_334, %dma_start3A_335, %dma_start3A_336] : memref<4x256x64xf32, #tpu.memory_space<vmem>> -> memref<1x16x64xf32, #tpu.memory_space<vmem>>
    %dma_start3A_338 = tpu.memref_squeeze %dma_start3A_337 : memref<1x16x64xf32, #tpu.memory_space<vmem>> -> memref<16x64xf32, #tpu.memory_space<vmem>>
    %dma_start3A_339 = arith.constant 0 : i32
    %dma_start3A_340 = arith.constant 0 : i32
    %dma_start3A_341 = tpu.memref_slice %arg3[%dma_start3A_339, %dma_start3A_340] : memref<1000000x64xf32, #tpu.memory_space<hbm>> -> memref<1000000x64xf32, #tpu.memory_space<hbm>>
    tpu.enqueue_indirect_dma source(%dma_start3A_341 : memref<1000000x64xf32, #tpu.memory_space<hbm>>) target(%dma_start3A_338 : memref<16x64xf32, #tpu.memory_space<vmem>>) offsets(%get3A_333 : vector<16xi32>) semaphore(%arg8 : memref<!tpu.dma_semaphore, #tpu.memory_space<semaphore_mem>>)
    %get3A_342 = arith.constant 496 : index
    %get3A_343 = tpu.vector_load %arg5[%get3A_342] {strides = array<i32>} : memref<10240xi32, #tpu.memory_space<vmem>>, vector<16xi32>,
    %get3A_344 = vector.shape_cast %get3A_343 : vector<16xi32> to vector<16xi32>
    %dma_start3A_345 = arith.constant 1 : i32
    %dma_start3A_346 = arith.constant 240 : i32
    %dma_start3A_347 = arith.constant 0 : i32
    %dma_start3A_348 = tpu.memref_slice %arg6[%dma_start3A_345, %dma_start3A_346, %dma_start3A_347] : memref<4x256x64xf32, #tpu.memory_space<vmem>> -> memref<1x16x64xf32, #tpu.memory_space<vmem>>
    %dma_start3A_349 = tpu.memref_squeeze %dma_start3A_348 : memref<1x16x64xf32, #tpu.memory_space<vmem>> -> memref<16x64xf32, #tpu.memory_space<vmem>>
    %dma_start3A_350 = arith.constant 0 : i32
    %dma_start3A_351 = arith.constant 0 : i32
    %dma_start3A_352 = tpu.memref_slice %arg3[%dma_start3A_350, %dma_start3A_351] : memref<1000000x64xf32, #tpu.memory_space<hbm>> -> memref<1000000x64xf32, #tpu.memory_space<hbm>>
    tpu.enqueue_indirect_dma source(%dma_start3A_352 : memref<1000000x64xf32, #tpu.memory_space<hbm>>) target(%dma_start3A_349 : memref<16x64xf32, #tpu.memory_space<vmem>>) offsets(%get3A_344 : vector<16xi32>) semaphore(%arg8 : memref<!tpu.dma_semaphore, #tpu.memory_space<semaphore_mem>>)
    %get3A_353 = arith.constant 512 : index
    %get3A_354 = tpu.vector_load %arg5[%get3A_353] {strides = array<i32>} : memref<10240xi32, #tpu.memory_space<vmem>>, vector<16xi32>,
    %get3A_355 = vector.shape_cast %get3A_354 : vector<16xi32> to vector<16xi32>
    %dma_start3A_356 = arith.constant 2 : i32
    %dma_start3A_357 = arith.constant 0 : i32
    %dma_start3A_358 = arith.constant 0 : i32
    %dma_start3A_359 = tpu.memref_slice %arg6[%dma_start3A_356, %dma_start3A_357, %dma_start3A_358] : memref<4x256x64xf32, #tpu.memory_space<vmem>> -> memref<1x16x64xf32, #tpu.memory_space<vmem>>
    %dma_start3A_360 = tpu.memref_squeeze %dma_start3A_359 : memref<1x16x64xf32, #tpu.memory_space<vmem>> -> memref<16x64xf32, #tpu.memory_space<vmem>>
    %dma_start3A_361 = arith.constant 0 : i32
    %dma_start3A_362 = arith.constant 0 : i32
    %dma_start3A_363 = tpu.memref_slice %arg3[%dma_start3A_361, %dma_start3A_362] : memref<1000000x64xf32, #tpu.memory_space<hbm>> -> memref<1000000x64xf32, #tpu.memory_space<hbm>>
    tpu.enqueue_indirect_dma source(%dma_start3A_363 : memref<1000000x64xf32, #tpu.memory_space<hbm>>) target(%dma_start3A_360 : memref<16x64xf32, #tpu.memory_space<vmem>>) offsets(%get3A_355 : vector<16xi32>) semaphore(%arg9 : memref<!tpu.dma_semaphore, #tpu.memory_space<semaphore_mem>>)
    %get3A_364 = arith.constant 528 : index
    %get3A_365 = tpu.vector_load %arg5[%get3A_364] {strides = array<i32>} : memref<10240xi32, #tpu.memory_space<vmem>>, vector<16xi32>,
    %get3A_366 = vector.shape_cast %get3A_365 : vector<16xi32> to vector<16xi32>
    %dma_start3A_367 = arith.constant 2 : i32
    %dma_start3A_368 = arith.constant 16 : i32
    %dma_start3A_369 = arith.constant 0 : i32
    %dma_start3A_370 = tpu.memref_slice %arg6[%dma_start3A_367, %dma_start3A_368, %dma_start3A_369] : memref<4x256x64xf32, #tpu.memory_space<vmem>> -> memref<1x16x64xf32, #tpu.memory_space<vmem>>
    %dma_start3A_371 = tpu.memref_squeeze %dma_start3A_370 : memref<1x16x64xf32, #tpu.memory_space<vmem>> -> memref<16x64xf32, #tpu.memory_space<vmem>>
    %dma_start3A_372 = arith.constant 0 : i32
    %dma_start3A_373 = arith.constant 0 : i32
    %dma_start3A_374 = tpu.memref_slice %arg3[%dma_start3A_372, %dma_start3A_373] : memref<1000000x64xf32, #tpu.memory_space<hbm>> -> memref<1000000x64xf32, #tpu.memory_space<hbm>>
    tpu.enqueue_indirect_dma source(%dma_start3A_374 : memref<1000000x64xf32, #tpu.memory_space<hbm>>) target(%dma_start3A_371 : memref<16x64xf32, #tpu.memory_space<vmem>>) offsets(%get3A_366 : vector<16xi32>) semaphore(%arg9 : memref<!tpu.dma_semaphore, #tpu.memory_space<semaphore_mem>>)
    %get3A_375 = arith.constant 544 : index
    %get3A_376 = tpu.vector_load %arg5[%get3A_375] {strides = array<i32>} : memref<10240xi32, #tpu.memory_space<vmem>>, vector<16xi32>,
    %get3A_377 = vector.shape_cast %get3A_376 : vector<16xi32> to vector<16xi32>
    %dma_start3A_378 = arith.constant 2 : i32
    %dma_start3A_379 = arith.constant 32 : i32
    %dma_start3A_380 = arith.constant 0 : i32
    %dma_start3A_381 = tpu.memref_slice %arg6[%dma_start3A_378, %dma_start3A_379, %dma_start3A_380] : memref<4x256x64xf32, #tpu.memory_space<vmem>> -> memref<1x16x64xf32, #tpu.memory_space<vmem>>
    %dma_start3A_382 = tpu.memref_squeeze %dma_start3A_381 : memref<1x16x64xf32, #tpu.memory_space<vmem>> -> memref<16x64xf32, #tpu.memory_space<vmem>>
    %dma_start3A_383 = arith.constant 0 : i32
    %dma_start3A_384 = arith.constant 0 : i32
    %dma_start3A_385 = tpu.memref_slice %arg3[%dma_start3A_383, %dma_start3A_384] : memref<1000000x64xf32, #tpu.memory_space<hbm>> -> memref<1000000x64xf32, #tpu.memory_space<hbm>>
    tpu.enqueue_indirect_dma source(%dma_start3A_385 : memref<1000000x64xf32, #tpu.memory_space<hbm>>) target(%dma_start3A_382 : memref<16x64xf32, #tpu.memory_space<vmem>>) offsets(%get3A_377 : vector<16xi32>) semaphore(%arg9 : memref<!tpu.dma_semaphore, #tpu.memory_space<semaphore_mem>>)
    %get3A_386 = arith.constant 560 : index
    %get3A_387 = tpu.vector_load %arg5[%get3A_386] {strides = array<i32>} : memref<10240xi32, #tpu.memory_space<vmem>>, vector<16xi32>,
    %get3A_388 = vector.shape_cast %get3A_387 : vector<16xi32> to vector<16xi32>
    %dma_start3A_389 = arith.constant 2 : i32
    %dma_start3A_390 = arith.constant 48 : i32
    %dma_start3A_391 = arith.constant 0 : i32
    %dma_start3A_392 = tpu.memref_slice %arg6[%dma_start3A_389, %dma_start3A_390, %dma_start3A_391] : memref<4x256x64xf32, #tpu.memory_space<vmem>> -> memref<1x16x64xf32, #tpu.memory_space<vmem>>
    %dma_start3A_393 = tpu.memref_squeeze %dma_start3A_392 : memref<1x16x64xf32, #tpu.memory_space<vmem>> -> memref<16x64xf32, #tpu.memory_space<vmem>>
    %dma_start3A_394 = arith.constant 0 : i32
    %dma_start3A_395 = arith.constant 0 : i32
    %dma_start3A_396 = tpu.memref_slice %arg3[%dma_start3A_394, %dma_start3A_395] : memref<1000000x64xf32, #tpu.memory_space<hbm>> -> memref<1000000x64xf32, #tpu.memory_space<hbm>>
    tpu.enqueue_indirect_dma source(%dma_start3A_396 : memref<1000000x64xf32, #tpu.memory_space<hbm>>) target(%dma_start3A_393 : memref<16x64xf32, #tpu.memory_space<vmem>>) offsets(%get3A_388 : vector<16xi32>) semaphore(%arg9 : memref<!tpu.dma_semaphore, #tpu.memory_space<semaphore_mem>>)
    %get3A_397 = arith.constant 576 : index
    %get3A_398 = tpu.vector_load %arg5[%get3A_397] {strides = array<i32>} : memref<10240xi32, #tpu.memory_space<vmem>>, vector<16xi32>,
    %get3A_399 = vector.shape_cast %get3A_398 : vector<16xi32> to vector<16xi32>
    %dma_start3A_400 = arith.constant 2 : i32
    %dma_start3A_401 = arith.constant 64 : i32
    %dma_start3A_402 = arith.constant 0 : i32
    %dma_start3A_403 = tpu.memref_slice %arg6[%dma_start3A_400, %dma_start3A_401, %dma_start3A_402] : memref<4x256x64xf32, #tpu.memory_space<vmem>> -> memref<1x16x64xf32, #tpu.memory_space<vmem>>
    %dma_start3A_404 = tpu.memref_squeeze %dma_start3A_403 : memref<1x16x64xf32, #tpu.memory_space<vmem>> -> memref<16x64xf32, #tpu.memory_space<vmem>>
    %dma_start3A_405 = arith.constant 0 : i32
    %dma_start3A_406 = arith.constant 0 : i32
    %dma_start3A_407 = tpu.memref_slice %arg3[%dma_start3A_405, %dma_start3A_406] : memref<1000000x64xf32, #tpu.memory_space<hbm>> -> memref<1000000x64xf32, #tpu.memory_space<hbm>>
    tpu.enqueue_indirect_dma source(%dma_start3A_407 : memref<1000000x64xf32, #tpu.memory_space<hbm>>) target(%dma_start3A_404 : memref<16x64xf32, #tpu.memory_space<vmem>>) offsets(%get3A_399 : vector<16xi32>) semaphore(%arg9 : memref<!tpu.dma_semaphore, #tpu.memory_space<semaphore_mem>>)
    %get3A_408 = arith.constant 592 : index
    %get3A_409 = tpu.vector_load %arg5[%get3A_408] {strides = array<i32>} : memref<10240xi32, #tpu.memory_space<vmem>>, vector<16xi32>,
    %get3A_410 = vector.shape_cast %get3A_409 : vector<16xi32> to vector<16xi32>
    %dma_start3A_411 = arith.constant 2 : i32
    %dma_start3A_412 = arith.constant 80 : i32
    %dma_start3A_413 = arith.constant 0 : i32
    %dma_start3A_414 = tpu.memref_slice %arg6[%dma_start3A_411, %dma_start3A_412, %dma_start3A_413] : memref<4x256x64xf32, #tpu.memory_space<vmem>> -> memref<1x16x64xf32, #tpu.memory_space<vmem>>
    %dma_start3A_415 = tpu.memref_squeeze %dma_start3A_414 : memref<1x16x64xf32, #tpu.memory_space<vmem>> -> memref<16x64xf32, #tpu.memory_space<vmem>>
    %dma_start3A_416 = arith.constant 0 : i32
    %dma_start3A_417 = arith.constant 0 : i32
    %dma_start3A_418 = tpu.memref_slice %arg3[%dma_start3A_416, %dma_start3A_417] : memref<1000000x64xf32, #tpu.memory_space<hbm>> -> memref<1000000x64xf32, #tpu.memory_space<hbm>>
    tpu.enqueue_indirect_dma source(%dma_start3A_418 : memref<1000000x64xf32, #tpu.memory_space<hbm>>) target(%dma_start3A_415 : memref<16x64xf32, #tpu.memory_space<vmem>>) offsets(%get3A_410 : vector<16xi32>) semaphore(%arg9 : memref<!tpu.dma_semaphore, #tpu.memory_space<semaphore_mem>>)
    %get3A_419 = arith.constant 608 : index
    %get3A_420 = tpu.vector_load %arg5[%get3A_419] {strides = array<i32>} : memref<10240xi32, #tpu.memory_space<vmem>>, vector<16xi32>,
    %get3A_421 = vector.shape_cast %get3A_420 : vector<16xi32> to vector<16xi32>
    %dma_start3A_422 = arith.constant 2 : i32
    %dma_start3A_423 = arith.constant 96 : i32
    %dma_start3A_424 = arith.constant 0 : i32
    %dma_start3A_425 = tpu.memref_slice %arg6[%dma_start3A_422, %dma_start3A_423, %dma_start3A_424] : memref<4x256x64xf32, #tpu.memory_space<vmem>> -> memref<1x16x64xf32, #tpu.memory_space<vmem>>
    %dma_start3A_426 = tpu.memref_squeeze %dma_start3A_425 : memref<1x16x64xf32, #tpu.memory_space<vmem>> -> memref<16x64xf32, #tpu.memory_space<vmem>>
    %dma_start3A_427 = arith.constant 0 : i32
    %dma_start3A_428 = arith.constant 0 : i32
    %dma_start3A_429 = tpu.memref_slice %arg3[%dma_start3A_427, %dma_start3A_428] : memref<1000000x64xf32, #tpu.memory_space<hbm>> -> memref<1000000x64xf32, #tpu.memory_space<hbm>>
    tpu.enqueue_indirect_dma source(%dma_start3A_429 : memref<1000000x64xf32, #tpu.memory_space<hbm>>) target(%dma_start3A_426 : memref<16x64xf32, #tpu.memory_space<vmem>>) offsets(%get3A_421 : vector<16xi32>) semaphore(%arg9 : memref<!tpu.dma_semaphore, #tpu.memory_space<semaphore_mem>>)
    %get3A_430 = arith.constant 624 : index
    %get3A_431 = tpu.vector_load %arg5[%get3A_430] {strides = array<i32>} : memref<10240xi32, #tpu.memory_space<vmem>>, vector<16xi32>,
    %get3A_432 = vector.shape_cast %get3A_431 : vector<16xi32> to vector<16xi32>
    %dma_start3A_433 = arith.constant 2 : i32
    %dma_start3A_434 = arith.constant 112 : i32
    %dma_start3A_435 = arith.constant 0 : i32
    %dma_start3A_436 = tpu.memref_slice %arg6[%dma_start3A_433, %dma_start3A_434, %dma_start3A_435] : memref<4x256x64xf32, #tpu.memory_space<vmem>> -> memref<1x16x64xf32, #tpu.memory_space<vmem>>
    %dma_start3A_437 = tpu.memref_squeeze %dma_start3A_436 : memref<1x16x64xf32, #tpu.memory_space<vmem>> -> memref<16x64xf32, #tpu.memory_space<vmem>>
    %dma_start3A_438 = arith.constant 0 : i32
    %dma_start3A_439 = arith.constant 0 : i32
    %dma_start3A_440 = tpu.memref_slice %arg3[%dma_start3A_438, %dma_start3A_439] : memref<1000000x64xf32, #tpu.memory_space<hbm>> -> memref<1000000x64xf32, #tpu.memory_space<hbm>>
    tpu.enqueue_indirect_dma source(%dma_start3A_440 : memref<1000000x64xf32, #tpu.memory_space<hbm>>) target(%dma_start3A_437 : memref<16x64xf32, #tpu.memory_space<vmem>>) offsets(%get3A_432 : vector<16xi32>) semaphore(%arg9 : memref<!tpu.dma_semaphore, #tpu.memory_space<semaphore_mem>>)
    %get3A_441 = arith.constant 640 : index
    %get3A_442 = tpu.vector_load %arg5[%get3A_441] {strides = array<i32>} : memref<10240xi32, #tpu.memory_space<vmem>>, vector<16xi32>,
    %get3A_443 = vector.shape_cast %get3A_442 : vector<16xi32> to vector<16xi32>
    %dma_start3A_444 = arith.constant 2 : i32
    %dma_start3A_445 = arith.constant 128 : i32
    %dma_start3A_446 = arith.constant 0 : i32
    %dma_start3A_447 = tpu.memref_slice %arg6[%dma_start3A_444, %dma_start3A_445, %dma_start3A_446] : memref<4x256x64xf32, #tpu.memory_space<vmem>> -> memref<1x16x64xf32, #tpu.memory_space<vmem>>
    %dma_start3A_448 = tpu.memref_squeeze %dma_start3A_447 : memref<1x16x64xf32, #tpu.memory_space<vmem>> -> memref<16x64xf32, #tpu.memory_space<vmem>>
    %dma_start3A_449 = arith.constant 0 : i32
    %dma_start3A_450 = arith.constant 0 : i32
    %dma_start3A_451 = tpu.memref_slice %arg3[%dma_start3A_449, %dma_start3A_450] : memref<1000000x64xf32, #tpu.memory_space<hbm>> -> memref<1000000x64xf32, #tpu.memory_space<hbm>>
    tpu.enqueue_indirect_dma source(%dma_start3A_451 : memref<1000000x64xf32, #tpu.memory_space<hbm>>) target(%dma_start3A_448 : memref<16x64xf32, #tpu.memory_space<vmem>>) offsets(%get3A_443 : vector<16xi32>) semaphore(%arg9 : memref<!tpu.dma_semaphore, #tpu.memory_space<semaphore_mem>>)
    %get3A_452 = arith.constant 656 : index
    %get3A_453 = tpu.vector_load %arg5[%get3A_452] {strides = array<i32>} : memref<10240xi32, #tpu.memory_space<vmem>>, vector<16xi32>,
    %get3A_454 = vector.shape_cast %get3A_453 : vector<16xi32> to vector<16xi32>
    %dma_start3A_455 = arith.constant 2 : i32
    %dma_start3A_456 = arith.constant 144 : i32
    %dma_start3A_457 = arith.constant 0 : i32
    %dma_start3A_458 = tpu.memref_slice %arg6[%dma_start3A_455, %dma_start3A_456, %dma_start3A_457] : memref<4x256x64xf32, #tpu.memory_space<vmem>> -> memref<1x16x64xf32, #tpu.memory_space<vmem>>
    %dma_start3A_459 = tpu.memref_squeeze %dma_start3A_458 : memref<1x16x64xf32, #tpu.memory_space<vmem>> -> memref<16x64xf32, #tpu.memory_space<vmem>>
    %dma_start3A_460 = arith.constant 0 : i32
    %dma_start3A_461 = arith.constant 0 : i32
    %dma_start3A_462 = tpu.memref_slice %arg3[%dma_start3A_460, %dma_start3A_461] : memref<1000000x64xf32, #tpu.memory_space<hbm>> -> memref<1000000x64xf32, #tpu.memory_space<hbm>>
    tpu.enqueue_indirect_dma source(%dma_start3A_462 : memref<1000000x64xf32, #tpu.memory_space<hbm>>) target(%dma_start3A_459 : memref<16x64xf32, #tpu.memory_space<vmem>>) offsets(%get3A_454 : vector<16xi32>) semaphore(%arg9 : memref<!tpu.dma_semaphore, #tpu.memory_space<semaphore_mem>>)
    %get3A_463 = arith.constant 672 : index
    %get3A_464 = tpu.vector_load %arg5[%get3A_463] {strides = array<i32>} : memref<10240xi32, #tpu.memory_space<vmem>>, vector<16xi32>,
    %get3A_465 = vector.shape_cast %get3A_464 : vector<16xi32> to vector<16xi32>
    %dma_start3A_466 = arith.constant 2 : i32
    %dma_start3A_467 = arith.constant 160 : i32
    %dma_start3A_468 = arith.constant 0 : i32
    %dma_start3A_469 = tpu.memref_slice %arg6[%dma_start3A_466, %dma_start3A_467, %dma_start3A_468] : memref<4x256x64xf32, #tpu.memory_space<vmem>> -> memref<1x16x64xf32, #tpu.memory_space<vmem>>
    %dma_start3A_470 = tpu.memref_squeeze %dma_start3A_469 : memref<1x16x64xf32, #tpu.memory_space<vmem>> -> memref<16x64xf32, #tpu.memory_space<vmem>>
    %dma_start3A_471 = arith.constant 0 : i32
    %dma_start3A_472 = arith.constant 0 : i32
    %dma_start3A_473 = tpu.memref_slice %arg3[%dma_start3A_471, %dma_start3A_472] : memref<1000000x64xf32, #tpu.memory_space<hbm>> -> memref<1000000x64xf32, #tpu.memory_space<hbm>>
    tpu.enqueue_indirect_dma source(%dma_start3A_473 : memref<1000000x64xf32, #tpu.memory_space<hbm>>) target(%dma_start3A_470 : memref<16x64xf32, #tpu.memory_space<vmem>>) offsets(%get3A_465 : vector<16xi32>) semaphore(%arg9 : memref<!tpu.dma_semaphore, #tpu.memory_space<semaphore_mem>>)
    %get3A_474 = arith.constant 688 : index
    %get3A_475 = tpu.vector_load %arg5[%get3A_474] {strides = array<i32>} : memref<10240xi32, #tpu.memory_space<vmem>>, vector<16xi32>,
    %get3A_476 = vector.shape_cast %get3A_475 : vector<16xi32> to vector<16xi32>
    %dma_start3A_477 = arith.constant 2 : i32
    %dma_start3A_478 = arith.constant 176 : i32
    %dma_start3A_479 = arith.constant 0 : i32
    %dma_start3A_480 = tpu.memref_slice %arg6[%dma_start3A_477, %dma_start3A_478, %dma_start3A_479] : memref<4x256x64xf32, #tpu.memory_space<vmem>> -> memref<1x16x64xf32, #tpu.memory_space<vmem>>
    %dma_start3A_481 = tpu.memref_squeeze %dma_start3A_480 : memref<1x16x64xf32, #tpu.memory_space<vmem>> -> memref<16x64xf32, #tpu.memory_space<vmem>>
    %dma_start3A_482 = arith.constant 0 : i32
    %dma_start3A_483 = arith.constant 0 : i32
    %dma_start3A_484 = tpu.memref_slice %arg3[%dma_start3A_482, %dma_start3A_483] : memref<1000000x64xf32, #tpu.memory_space<hbm>> -> memref<1000000x64xf32, #tpu.memory_space<hbm>>
    tpu.enqueue_indirect_dma source(%dma_start3A_484 : memref<1000000x64xf32, #tpu.memory_space<hbm>>) target(%dma_start3A_481 : memref<16x64xf32, #tpu.memory_space<vmem>>) offsets(%get3A_476 : vector<16xi32>) semaphore(%arg9 : memref<!tpu.dma_semaphore, #tpu.memory_space<semaphore_mem>>)
    %get3A_485 = arith.constant 704 : index
    %get3A_486 = tpu.vector_load %arg5[%get3A_485] {strides = array<i32>} : memref<10240xi32, #tpu.memory_space<vmem>>, vector<16xi32>,
    %get3A_487 = vector.shape_cast %get3A_486 : vector<16xi32> to vector<16xi32>
    %dma_start3A_488 = arith.constant 2 : i32
    %dma_start3A_489 = arith.constant 192 : i32
    %dma_start3A_490 = arith.constant 0 : i32
    %dma_start3A_491 = tpu.memref_slice %arg6[%dma_start3A_488, %dma_start3A_489, %dma_start3A_490] : memref<4x256x64xf32, #tpu.memory_space<vmem>> -> memref<1x16x64xf32, #tpu.memory_space<vmem>>
    %dma_start3A_492 = tpu.memref_squeeze %dma_start3A_491 : memref<1x16x64xf32, #tpu.memory_space<vmem>> -> memref<16x64xf32, #tpu.memory_space<vmem>>
    %dma_start3A_493 = arith.constant 0 : i32
    %dma_start3A_494 = arith.constant 0 : i32
    %dma_start3A_495 = tpu.memref_slice %arg3[%dma_start3A_493, %dma_start3A_494] : memref<1000000x64xf32, #tpu.memory_space<hbm>> -> memref<1000000x64xf32, #tpu.memory_space<hbm>>
    tpu.enqueue_indirect_dma source(%dma_start3A_495 : memref<1000000x64xf32, #tpu.memory_space<hbm>>) target(%dma_start3A_492 : memref<16x64xf32, #tpu.memory_space<vmem>>) offsets(%get3A_487 : vector<16xi32>) semaphore(%arg9 : memref<!tpu.dma_semaphore, #tpu.memory_space<semaphore_mem>>)
    %get3A_496 = arith.constant 720 : index
    %get3A_497 = tpu.vector_load %arg5[%get3A_496] {strides = array<i32>} : memref<10240xi32, #tpu.memory_space<vmem>>, vector<16xi32>,
    %get3A_498 = vector.shape_cast %get3A_497 : vector<16xi32> to vector<16xi32>
    %dma_start3A_499 = arith.constant 2 : i32
    %dma_start3A_500 = arith.constant 208 : i32
    %dma_start3A_501 = arith.constant 0 : i32
    %dma_start3A_502 = tpu.memref_slice %arg6[%dma_start3A_499, %dma_start3A_500, %dma_start3A_501] : memref<4x256x64xf32, #tpu.memory_space<vmem>> -> memref<1x16x64xf32, #tpu.memory_space<vmem>>
    %dma_start3A_503 = tpu.memref_squeeze %dma_start3A_502 : memref<1x16x64xf32, #tpu.memory_space<vmem>> -> memref<16x64xf32, #tpu.memory_space<vmem>>
    %dma_start3A_504 = arith.constant 0 : i32
    %dma_start3A_505 = arith.constant 0 : i32
    %dma_start3A_506 = tpu.memref_slice %arg3[%dma_start3A_504, %dma_start3A_505] : memref<1000000x64xf32, #tpu.memory_space<hbm>> -> memref<1000000x64xf32, #tpu.memory_space<hbm>>
    tpu.enqueue_indirect_dma source(%dma_start3A_506 : memref<1000000x64xf32, #tpu.memory_space<hbm>>) target(%dma_start3A_503 : memref<16x64xf32, #tpu.memory_space<vmem>>) offsets(%get3A_498 : vector<16xi32>) semaphore(%arg9 : memref<!tpu.dma_semaphore, #tpu.memory_space<semaphore_mem>>)
    %get3A_507 = arith.constant 736 : index
    %get3A_508 = tpu.vector_load %arg5[%get3A_507] {strides = array<i32>} : memref<10240xi32, #tpu.memory_space<vmem>>, vector<16xi32>,
    %get3A_509 = vector.shape_cast %get3A_508 : vector<16xi32> to vector<16xi32>
    %dma_start3A_510 = arith.constant 2 : i32
    %dma_start3A_511 = arith.constant 224 : i32
    %dma_start3A_512 = arith.constant 0 : i32
    %dma_start3A_513 = tpu.memref_slice %arg6[%dma_start3A_510, %dma_start3A_511, %dma_start3A_512] : memref<4x256x64xf32, #tpu.memory_space<vmem>> -> memref<1x16x64xf32, #tpu.memory_space<vmem>>
    %dma_start3A_514 = tpu.memref_squeeze %dma_start3A_513 : memref<1x16x64xf32, #tpu.memory_space<vmem>> -> memref<16x64xf32, #tpu.memory_space<vmem>>
    %dma_start3A_515 = arith.constant 0 : i32
    %dma_start3A_516 = arith.constant 0 : i32
    %dma_start3A_517 = tpu.memref_slice %arg3[%dma_start3A_515, %dma_start3A_516] : memref<1000000x64xf32, #tpu.memory_space<hbm>> -> memref<1000000x64xf32, #tpu.memory_space<hbm>>
    tpu.enqueue_indirect_dma source(%dma_start3A_517 : memref<1000000x64xf32, #tpu.memory_space<hbm>>) target(%dma_start3A_514 : memref<16x64xf32, #tpu.memory_space<vmem>>) offsets(%get3A_509 : vector<16xi32>) semaphore(%arg9 : memref<!tpu.dma_semaphore, #tpu.memory_space<semaphore_mem>>)
    %get3A_518 = arith.constant 752 : index
    %get3A_519 = tpu.vector_load %arg5[%get3A_518] {strides = array<i32>} : memref<10240xi32, #tpu.memory_space<vmem>>, vector<16xi32>,
    %get3A_520 = vector.shape_cast %get3A_519 : vector<16xi32> to vector<16xi32>
    %dma_start3A_521 = arith.constant 2 : i32
    %dma_start3A_522 = arith.constant 240 : i32
    %dma_start3A_523 = arith.constant 0 : i32
    %dma_start3A_524 = tpu.memref_slice %arg6[%dma_start3A_521, %dma_start3A_522, %dma_start3A_523] : memref<4x256x64xf32, #tpu.memory_space<vmem>> -> memref<1x16x64xf32, #tpu.memory_space<vmem>>
    %dma_start3A_525 = tpu.memref_squeeze %dma_start3A_524 : memref<1x16x64xf32, #tpu.memory_space<vmem>> -> memref<16x64xf32, #tpu.memory_space<vmem>>
    %dma_start3A_526 = arith.constant 0 : i32
    %dma_start3A_527 = arith.constant 0 : i32
    %dma_start3A_528 = tpu.memref_slice %arg3[%dma_start3A_526, %dma_start3A_527] : memref<1000000x64xf32, #tpu.memory_space<hbm>> -> memref<1000000x64xf32, #tpu.memory_space<hbm>>
    tpu.enqueue_indirect_dma source(%dma_start3A_528 : memref<1000000x64xf32, #tpu.memory_space<hbm>>) target(%dma_start3A_525 : memref<16x64xf32, #tpu.memory_space<vmem>>) offsets(%get3A_520 : vector<16xi32>) semaphore(%arg9 : memref<!tpu.dma_semaphore, #tpu.memory_space<semaphore_mem>>)
    %get3A_529 = arith.constant 768 : index
    %get3A_530 = tpu.vector_load %arg5[%get3A_529] {strides = array<i32>} : memref<10240xi32, #tpu.memory_space<vmem>>, vector<16xi32>,
    %get3A_531 = vector.shape_cast %get3A_530 : vector<16xi32> to vector<16xi32>
    %dma_start3A_532 = arith.constant 3 : i32
    %dma_start3A_533 = arith.constant 0 : i32
    %dma_start3A_534 = arith.constant 0 : i32
    %dma_start3A_535 = tpu.memref_slice %arg6[%dma_start3A_532, %dma_start3A_533, %dma_start3A_534] : memref<4x256x64xf32, #tpu.memory_space<vmem>> -> memref<1x16x64xf32, #tpu.memory_space<vmem>>
    %dma_start3A_536 = tpu.memref_squeeze %dma_start3A_535 : memref<1x16x64xf32, #tpu.memory_space<vmem>> -> memref<16x64xf32, #tpu.memory_space<vmem>>
    %dma_start3A_537 = arith.constant 0 : i32
    %dma_start3A_538 = arith.constant 0 : i32
    %dma_start3A_539 = tpu.memref_slice %arg3[%dma_start3A_537, %dma_start3A_538] : memref<1000000x64xf32, #tpu.memory_space<hbm>> -> memref<1000000x64xf32, #tpu.memory_space<hbm>>
    tpu.enqueue_indirect_dma source(%dma_start3A_539 : memref<1000000x64xf32, #tpu.memory_space<hbm>>) target(%dma_start3A_536 : memref<16x64xf32, #tpu.memory_space<vmem>>) offsets(%get3A_531 : vector<16xi32>) semaphore(%arg10 : memref<!tpu.dma_semaphore, #tpu.memory_space<semaphore_mem>>)
    %get3A_540 = arith.constant 784 : index
    %get3A_541 = tpu.vector_load %arg5[%get3A_540] {strides = array<i32>} : memref<10240xi32, #tpu.memory_space<vmem>>, vector<16xi32>,
    %get3A_542 = vector.shape_cast %get3A_541 : vector<16xi32> to vector<16xi32>
    %dma_start3A_543 = arith.constant 3 : i32
    %dma_start3A_544 = arith.constant 16 : i32
    %dma_start3A_545 = arith.constant 0 : i32
    %dma_start3A_546 = tpu.memref_slice %arg6[%dma_start3A_543, %dma_start3A_544, %dma_start3A_545] : memref<4x256x64xf32, #tpu.memory_space<vmem>> -> memref<1x16x64xf32, #tpu.memory_space<vmem>>
    %dma_start3A_547 = tpu.memref_squeeze %dma_start3A_546 : memref<1x16x64xf32, #tpu.memory_space<vmem>> -> memref<16x64xf32, #tpu.memory_space<vmem>>
    %dma_start3A_548 = arith.constant 0 : i32
    %dma_start3A_549 = arith.constant 0 : i32
    %dma_start3A_550 = tpu.memref_slice %arg3[%dma_start3A_548, %dma_start3A_549] : memref<1000000x64xf32, #tpu.memory_space<hbm>> -> memref<1000000x64xf32, #tpu.memory_space<hbm>>
    tpu.enqueue_indirect_dma source(%dma_start3A_550 : memref<1000000x64xf32, #tpu.memory_space<hbm>>) target(%dma_start3A_547 : memref<16x64xf32, #tpu.memory_space<vmem>>) offsets(%get3A_542 : vector<16xi32>) semaphore(%arg10 : memref<!tpu.dma_semaphore, #tpu.memory_space<semaphore_mem>>)
    %get3A_551 = arith.constant 800 : index
    %get3A_552 = tpu.vector_load %arg5[%get3A_551] {strides = array<i32>} : memref<10240xi32, #tpu.memory_space<vmem>>, vector<16xi32>,
    %get3A_553 = vector.shape_cast %get3A_552 : vector<16xi32> to vector<16xi32>
    %dma_start3A_554 = arith.constant 3 : i32
    %dma_start3A_555 = arith.constant 32 : i32
    %dma_start3A_556 = arith.constant 0 : i32
    %dma_start3A_557 = tpu.memref_slice %arg6[%dma_start3A_554, %dma_start3A_555, %dma_start3A_556] : memref<4x256x64xf32, #tpu.memory_space<vmem>> -> memref<1x16x64xf32, #tpu.memory_space<vmem>>
    %dma_start3A_558 = tpu.memref_squeeze %dma_start3A_557 : memref<1x16x64xf32, #tpu.memory_space<vmem>> -> memref<16x64xf32, #tpu.memory_space<vmem>>
    %dma_start3A_559 = arith.constant 0 : i32
    %dma_start3A_560 = arith.constant 0 : i32
    %dma_start3A_561 = tpu.memref_slice %arg3[%dma_start3A_559, %dma_start3A_560] : memref<1000000x64xf32, #tpu.memory_space<hbm>> -> memref<1000000x64xf32, #tpu.memory_space<hbm>>
    tpu.enqueue_indirect_dma source(%dma_start3A_561 : memref<1000000x64xf32, #tpu.memory_space<hbm>>) target(%dma_start3A_558 : memref<16x64xf32, #tpu.memory_space<vmem>>) offsets(%get3A_553 : vector<16xi32>) semaphore(%arg10 : memref<!tpu.dma_semaphore, #tpu.memory_space<semaphore_mem>>)
    %get3A_562 = arith.constant 816 : index
    %get3A_563 = tpu.vector_load %arg5[%get3A_562] {strides = array<i32>} : memref<10240xi32, #tpu.memory_space<vmem>>, vector<16xi32>,
    %get3A_564 = vector.shape_cast %get3A_563 : vector<16xi32> to vector<16xi32>
    %dma_start3A_565 = arith.constant 3 : i32
    %dma_start3A_566 = arith.constant 48 : i32
    %dma_start3A_567 = arith.constant 0 : i32
    %dma_start3A_568 = tpu.memref_slice %arg6[%dma_start3A_565, %dma_start3A_566, %dma_start3A_567] : memref<4x256x64xf32, #tpu.memory_space<vmem>> -> memref<1x16x64xf32, #tpu.memory_space<vmem>>
    %dma_start3A_569 = tpu.memref_squeeze %dma_start3A_568 : memref<1x16x64xf32, #tpu.memory_space<vmem>> -> memref<16x64xf32, #tpu.memory_space<vmem>>
    %dma_start3A_570 = arith.constant 0 : i32
    %dma_start3A_571 = arith.constant 0 : i32
    %dma_start3A_572 = tpu.memref_slice %arg3[%dma_start3A_570, %dma_start3A_571] : memref<1000000x64xf32, #tpu.memory_space<hbm>> -> memref<1000000x64xf32, #tpu.memory_space<hbm>>
    tpu.enqueue_indirect_dma source(%dma_start3A_572 : memref<1000000x64xf32, #tpu.memory_space<hbm>>) target(%dma_start3A_569 : memref<16x64xf32, #tpu.memory_space<vmem>>) offsets(%get3A_564 : vector<16xi32>) semaphore(%arg10 : memref<!tpu.dma_semaphore, #tpu.memory_space<semaphore_mem>>)
    %get3A_573 = arith.constant 832 : index
    %get3A_574 = tpu.vector_load %arg5[%get3A_573] {strides = array<i32>} : memref<10240xi32, #tpu.memory_space<vmem>>, vector<16xi32>,
    %get3A_575 = vector.shape_cast %get3A_574 : vector<16xi32> to vector<16xi32>
    %dma_start3A_576 = arith.constant 3 : i32
    %dma_start3A_577 = arith.constant 64 : i32
    %dma_start3A_578 = arith.constant 0 : i32
    %dma_start3A_579 = tpu.memref_slice %arg6[%dma_start3A_576, %dma_start3A_577, %dma_start3A_578] : memref<4x256x64xf32, #tpu.memory_space<vmem>> -> memref<1x16x64xf32, #tpu.memory_space<vmem>>
    %dma_start3A_580 = tpu.memref_squeeze %dma_start3A_579 : memref<1x16x64xf32, #tpu.memory_space<vmem>> -> memref<16x64xf32, #tpu.memory_space<vmem>>
    %dma_start3A_581 = arith.constant 0 : i32
    %dma_start3A_582 = arith.constant 0 : i32
    %dma_start3A_583 = tpu.memref_slice %arg3[%dma_start3A_581, %dma_start3A_582] : memref<1000000x64xf32, #tpu.memory_space<hbm>> -> memref<1000000x64xf32, #tpu.memory_space<hbm>>
    tpu.enqueue_indirect_dma source(%dma_start3A_583 : memref<1000000x64xf32, #tpu.memory_space<hbm>>) target(%dma_start3A_580 : memref<16x64xf32, #tpu.memory_space<vmem>>) offsets(%get3A_575 : vector<16xi32>) semaphore(%arg10 : memref<!tpu.dma_semaphore, #tpu.memory_space<semaphore_mem>>)
    %get3A_584 = arith.constant 848 : index
    %get3A_585 = tpu.vector_load %arg5[%get3A_584] {strides = array<i32>} : memref<10240xi32, #tpu.memory_space<vmem>>, vector<16xi32>,
    %get3A_586 = vector.shape_cast %get3A_585 : vector<16xi32> to vector<16xi32>
    %dma_start3A_587 = arith.constant 3 : i32
    %dma_start3A_588 = arith.constant 80 : i32
    %dma_start3A_589 = arith.constant 0 : i32
    %dma_start3A_590 = tpu.memref_slice %arg6[%dma_start3A_587, %dma_start3A_588, %dma_start3A_589] : memref<4x256x64xf32, #tpu.memory_space<vmem>> -> memref<1x16x64xf32, #tpu.memory_space<vmem>>
    %dma_start3A_591 = tpu.memref_squeeze %dma_start3A_590 : memref<1x16x64xf32, #tpu.memory_space<vmem>> -> memref<16x64xf32, #tpu.memory_space<vmem>>
    %dma_start3A_592 = arith.constant 0 : i32
    %dma_start3A_593 = arith.constant 0 : i32
    %dma_start3A_594 = tpu.memref_slice %arg3[%dma_start3A_592, %dma_start3A_593] : memref<1000000x64xf32, #tpu.memory_space<hbm>> -> memref<1000000x64xf32, #tpu.memory_space<hbm>>
    tpu.enqueue_indirect_dma source(%dma_start3A_594 : memref<1000000x64xf32, #tpu.memory_space<hbm>>) target(%dma_start3A_591 : memref<16x64xf32, #tpu.memory_space<vmem>>) offsets(%get3A_586 : vector<16xi32>) semaphore(%arg10 : memref<!tpu.dma_semaphore, #tpu.memory_space<semaphore_mem>>)
    %get3A_595 = arith.constant 864 : index
    %get3A_596 = tpu.vector_load %arg5[%get3A_595] {strides = array<i32>} : memref<10240xi32, #tpu.memory_space<vmem>>, vector<16xi32>,
    %get3A_597 = vector.shape_cast %get3A_596 : vector<16xi32> to vector<16xi32>
    %dma_start3A_598 = arith.constant 3 : i32
    %dma_start3A_599 = arith.constant 96 : i32
    %dma_start3A_600 = arith.constant 0 : i32
    %dma_start3A_601 = tpu.memref_slice %arg6[%dma_start3A_598, %dma_start3A_599, %dma_start3A_600] : memref<4x256x64xf32, #tpu.memory_space<vmem>> -> memref<1x16x64xf32, #tpu.memory_space<vmem>>
    %dma_start3A_602 = tpu.memref_squeeze %dma_start3A_601 : memref<1x16x64xf32, #tpu.memory_space<vmem>> -> memref<16x64xf32, #tpu.memory_space<vmem>>
    %dma_start3A_603 = arith.constant 0 : i32
    %dma_start3A_604 = arith.constant 0 : i32
    %dma_start3A_605 = tpu.memref_slice %arg3[%dma_start3A_603, %dma_start3A_604] : memref<1000000x64xf32, #tpu.memory_space<hbm>> -> memref<1000000x64xf32, #tpu.memory_space<hbm>>
    tpu.enqueue_indirect_dma source(%dma_start3A_605 : memref<1000000x64xf32, #tpu.memory_space<hbm>>) target(%dma_start3A_602 : memref<16x64xf32, #tpu.memory_space<vmem>>) offsets(%get3A_597 : vector<16xi32>) semaphore(%arg10 : memref<!tpu.dma_semaphore, #tpu.memory_space<semaphore_mem>>)
    %get3A_606 = arith.constant 880 : index
    %get3A_607 = tpu.vector_load %arg5[%get3A_606] {strides = array<i32>} : memref<10240xi32, #tpu.memory_space<vmem>>, vector<16xi32>,
    %get3A_608 = vector.shape_cast %get3A_607 : vector<16xi32> to vector<16xi32>
    %dma_start3A_609 = arith.constant 3 : i32
    %dma_start3A_610 = arith.constant 112 : i32
    %dma_start3A_611 = arith.constant 0 : i32
    %dma_start3A_612 = tpu.memref_slice %arg6[%dma_start3A_609, %dma_start3A_610, %dma_start3A_611] : memref<4x256x64xf32, #tpu.memory_space<vmem>> -> memref<1x16x64xf32, #tpu.memory_space<vmem>>
    %dma_start3A_613 = tpu.memref_squeeze %dma_start3A_612 : memref<1x16x64xf32, #tpu.memory_space<vmem>> -> memref<16x64xf32, #tpu.memory_space<vmem>>
    %dma_start3A_614 = arith.constant 0 : i32
    %dma_start3A_615 = arith.constant 0 : i32
    %dma_start3A_616 = tpu.memref_slice %arg3[%dma_start3A_614, %dma_start3A_615] : memref<1000000x64xf32, #tpu.memory_space<hbm>> -> memref<1000000x64xf32, #tpu.memory_space<hbm>>
    tpu.enqueue_indirect_dma source(%dma_start3A_616 : memref<1000000x64xf32, #tpu.memory_space<hbm>>) target(%dma_start3A_613 : memref<16x64xf32, #tpu.memory_space<vmem>>) offsets(%get3A_608 : vector<16xi32>) semaphore(%arg10 : memref<!tpu.dma_semaphore, #tpu.memory_space<semaphore_mem>>)
    %get3A_617 = arith.constant 896 : index
    %get3A_618 = tpu.vector_load %arg5[%get3A_617] {strides = array<i32>} : memref<10240xi32, #tpu.memory_space<vmem>>, vector<16xi32>,
    %get3A_619 = vector.shape_cast %get3A_618 : vector<16xi32> to vector<16xi32>
    %dma_start3A_620 = arith.constant 3 : i32
    %dma_start3A_621 = arith.constant 128 : i32
    %dma_start3A_622 = arith.constant 0 : i32
    %dma_start3A_623 = tpu.memref_slice %arg6[%dma_start3A_620, %dma_start3A_621, %dma_start3A_622] : memref<4x256x64xf32, #tpu.memory_space<vmem>> -> memref<1x16x64xf32, #tpu.memory_space<vmem>>
    %dma_start3A_624 = tpu.memref_squeeze %dma_start3A_623 : memref<1x16x64xf32, #tpu.memory_space<vmem>> -> memref<16x64xf32, #tpu.memory_space<vmem>>
    %dma_start3A_625 = arith.constant 0 : i32
    %dma_start3A_626 = arith.constant 0 : i32
    %dma_start3A_627 = tpu.memref_slice %arg3[%dma_start3A_625, %dma_start3A_626] : memref<1000000x64xf32, #tpu.memory_space<hbm>> -> memref<1000000x64xf32, #tpu.memory_space<hbm>>
    tpu.enqueue_indirect_dma source(%dma_start3A_627 : memref<1000000x64xf32, #tpu.memory_space<hbm>>) target(%dma_start3A_624 : memref<16x64xf32, #tpu.memory_space<vmem>>) offsets(%get3A_619 : vector<16xi32>) semaphore(%arg10 : memref<!tpu.dma_semaphore, #tpu.memory_space<semaphore_mem>>)
    %get3A_628 = arith.constant 912 : index
    %get3A_629 = tpu.vector_load %arg5[%get3A_628] {strides = array<i32>} : memref<10240xi32, #tpu.memory_space<vmem>>, vector<16xi32>,
    %get3A_630 = vector.shape_cast %get3A_629 : vector<16xi32> to vector<16xi32>
    %dma_start3A_631 = arith.constant 3 : i32
    %dma_start3A_632 = arith.constant 144 : i32
    %dma_start3A_633 = arith.constant 0 : i32
    %dma_start3A_634 = tpu.memref_slice %arg6[%dma_start3A_631, %dma_start3A_632, %dma_start3A_633] : memref<4x256x64xf32, #tpu.memory_space<vmem>> -> memref<1x16x64xf32, #tpu.memory_space<vmem>>
    %dma_start3A_635 = tpu.memref_squeeze %dma_start3A_634 : memref<1x16x64xf32, #tpu.memory_space<vmem>> -> memref<16x64xf32, #tpu.memory_space<vmem>>
    %dma_start3A_636 = arith.constant 0 : i32
    %dma_start3A_637 = arith.constant 0 : i32
    %dma_start3A_638 = tpu.memref_slice %arg3[%dma_start3A_636, %dma_start3A_637] : memref<1000000x64xf32, #tpu.memory_space<hbm>> -> memref<1000000x64xf32, #tpu.memory_space<hbm>>
    tpu.enqueue_indirect_dma source(%dma_start3A_638 : memref<1000000x64xf32, #tpu.memory_space<hbm>>) target(%dma_start3A_635 : memref<16x64xf32, #tpu.memory_space<vmem>>) offsets(%get3A_630 : vector<16xi32>) semaphore(%arg10 : memref<!tpu.dma_semaphore, #tpu.memory_space<semaphore_mem>>)
    %get3A_639 = arith.constant 928 : index
    %get3A_640 = tpu.vector_load %arg5[%get3A_639] {strides = array<i32>} : memref<10240xi32, #tpu.memory_space<vmem>>, vector<16xi32>,
    %get3A_641 = vector.shape_cast %get3A_640 : vector<16xi32> to vector<16xi32>
    %dma_start3A_642 = arith.constant 3 : i32
    %dma_start3A_643 = arith.constant 160 : i32
    %dma_start3A_644 = arith.constant 0 : i32
    %dma_start3A_645 = tpu.memref_slice %arg6[%dma_start3A_642, %dma_start3A_643, %dma_start3A_644] : memref<4x256x64xf32, #tpu.memory_space<vmem>> -> memref<1x16x64xf32, #tpu.memory_space<vmem>>
    %dma_start3A_646 = tpu.memref_squeeze %dma_start3A_645 : memref<1x16x64xf32, #tpu.memory_space<vmem>> -> memref<16x64xf32, #tpu.memory_space<vmem>>
    %dma_start3A_647 = arith.constant 0 : i32
    %dma_start3A_648 = arith.constant 0 : i32
    %dma_start3A_649 = tpu.memref_slice %arg3[%dma_start3A_647, %dma_start3A_648] : memref<1000000x64xf32, #tpu.memory_space<hbm>> -> memref<1000000x64xf32, #tpu.memory_space<hbm>>
    tpu.enqueue_indirect_dma source(%dma_start3A_649 : memref<1000000x64xf32, #tpu.memory_space<hbm>>) target(%dma_start3A_646 : memref<16x64xf32, #tpu.memory_space<vmem>>) offsets(%get3A_641 : vector<16xi32>) semaphore(%arg10 : memref<!tpu.dma_semaphore, #tpu.memory_space<semaphore_mem>>)
    %get3A_650 = arith.constant 944 : index
    %get3A_651 = tpu.vector_load %arg5[%get3A_650] {strides = array<i32>} : memref<10240xi32, #tpu.memory_space<vmem>>, vector<16xi32>,
    %get3A_652 = vector.shape_cast %get3A_651 : vector<16xi32> to vector<16xi32>
    %dma_start3A_653 = arith.constant 3 : i32
    %dma_start3A_654 = arith.constant 176 : i32
    %dma_start3A_655 = arith.constant 0 : i32
    %dma_start3A_656 = tpu.memref_slice %arg6[%dma_start3A_653, %dma_start3A_654, %dma_start3A_655] : memref<4x256x64xf32, #tpu.memory_space<vmem>> -> memref<1x16x64xf32, #tpu.memory_space<vmem>>
    %dma_start3A_657 = tpu.memref_squeeze %dma_start3A_656 : memref<1x16x64xf32, #tpu.memory_space<vmem>> -> memref<16x64xf32, #tpu.memory_space<vmem>>
    %dma_start3A_658 = arith.constant 0 : i32
    %dma_start3A_659 = arith.constant 0 : i32
    %dma_start3A_660 = tpu.memref_slice %arg3[%dma_start3A_658, %dma_start3A_659] : memref<1000000x64xf32, #tpu.memory_space<hbm>> -> memref<1000000x64xf32, #tpu.memory_space<hbm>>
    tpu.enqueue_indirect_dma source(%dma_start3A_660 : memref<1000000x64xf32, #tpu.memory_space<hbm>>) target(%dma_start3A_657 : memref<16x64xf32, #tpu.memory_space<vmem>>) offsets(%get3A_652 : vector<16xi32>) semaphore(%arg10 : memref<!tpu.dma_semaphore, #tpu.memory_space<semaphore_mem>>)
    %get3A_661 = arith.constant 960 : index
    %get3A_662 = tpu.vector_load %arg5[%get3A_661] {strides = array<i32>} : memref<10240xi32, #tpu.memory_space<vmem>>, vector<16xi32>,
    %get3A_663 = vector.shape_cast %get3A_662 : vector<16xi32> to vector<16xi32>
    %dma_start3A_664 = arith.constant 3 : i32
    %dma_start3A_665 = arith.constant 192 : i32
    %dma_start3A_666 = arith.constant 0 : i32
    %dma_start3A_667 = tpu.memref_slice %arg6[%dma_start3A_664, %dma_start3A_665, %dma_start3A_666] : memref<4x256x64xf32, #tpu.memory_space<vmem>> -> memref<1x16x64xf32, #tpu.memory_space<vmem>>
    %dma_start3A_668 = tpu.memref_squeeze %dma_start3A_667 : memref<1x16x64xf32, #tpu.memory_space<vmem>> -> memref<16x64xf32, #tpu.memory_space<vmem>>
    %dma_start3A_669 = arith.constant 0 : i32
    %dma_start3A_670 = arith.constant 0 : i32
    %dma_start3A_671 = tpu.memref_slice %arg3[%dma_start3A_669, %dma_start3A_670] : memref<1000000x64xf32, #tpu.memory_space<hbm>> -> memref<1000000x64xf32, #tpu.memory_space<hbm>>
    tpu.enqueue_indirect_dma source(%dma_start3A_671 : memref<1000000x64xf32, #tpu.memory_space<hbm>>) target(%dma_start3A_668 : memref<16x64xf32, #tpu.memory_space<vmem>>) offsets(%get3A_663 : vector<16xi32>) semaphore(%arg10 : memref<!tpu.dma_semaphore, #tpu.memory_space<semaphore_mem>>)
    %get3A_672 = arith.constant 976 : index
    %get3A_673 = tpu.vector_load %arg5[%get3A_672] {strides = array<i32>} : memref<10240xi32, #tpu.memory_space<vmem>>, vector<16xi32>,
    %get3A_674 = vector.shape_cast %get3A_673 : vector<16xi32> to vector<16xi32>
    %dma_start3A_675 = arith.constant 3 : i32
    %dma_start3A_676 = arith.constant 208 : i32
    %dma_start3A_677 = arith.constant 0 : i32
    %dma_start3A_678 = tpu.memref_slice %arg6[%dma_start3A_675, %dma_start3A_676, %dma_start3A_677] : memref<4x256x64xf32, #tpu.memory_space<vmem>> -> memref<1x16x64xf32, #tpu.memory_space<vmem>>
    %dma_start3A_679 = tpu.memref_squeeze %dma_start3A_678 : memref<1x16x64xf32, #tpu.memory_space<vmem>> -> memref<16x64xf32, #tpu.memory_space<vmem>>
    %dma_start3A_680 = arith.constant 0 : i32
    %dma_start3A_681 = arith.constant 0 : i32
    %dma_start3A_682 = tpu.memref_slice %arg3[%dma_start3A_680, %dma_start3A_681] : memref<1000000x64xf32, #tpu.memory_space<hbm>> -> memref<1000000x64xf32, #tpu.memory_space<hbm>>
    tpu.enqueue_indirect_dma source(%dma_start3A_682 : memref<1000000x64xf32, #tpu.memory_space<hbm>>) target(%dma_start3A_679 : memref<16x64xf32, #tpu.memory_space<vmem>>) offsets(%get3A_674 : vector<16xi32>) semaphore(%arg10 : memref<!tpu.dma_semaphore, #tpu.memory_space<semaphore_mem>>)
    %get3A_683 = arith.constant 992 : index
    %get3A_684 = tpu.vector_load %arg5[%get3A_683] {strides = array<i32>} : memref<10240xi32, #tpu.memory_space<vmem>>, vector<16xi32>,
    %get3A_685 = vector.shape_cast %get3A_684 : vector<16xi32> to vector<16xi32>
    %dma_start3A_686 = arith.constant 3 : i32
    %dma_start3A_687 = arith.constant 224 : i32
    %dma_start3A_688 = arith.constant 0 : i32
    %dma_start3A_689 = tpu.memref_slice %arg6[%dma_start3A_686, %dma_start3A_687, %dma_start3A_688] : memref<4x256x64xf32, #tpu.memory_space<vmem>> -> memref<1x16x64xf32, #tpu.memory_space<vmem>>
    %dma_start3A_690 = tpu.memref_squeeze %dma_start3A_689 : memref<1x16x64xf32, #tpu.memory_space<vmem>> -> memref<16x64xf32, #tpu.memory_space<vmem>>
    %dma_start3A_691 = arith.constant 0 : i32
    %dma_start3A_692 = arith.constant 0 : i32
    %dma_start3A_693 = tpu.memref_slice %arg3[%dma_start3A_691, %dma_start3A_692] : memref<1000000x64xf32, #tpu.memory_space<hbm>> -> memref<1000000x64xf32, #tpu.memory_space<hbm>>
    tpu.enqueue_indirect_dma source(%dma_start3A_693 : memref<1000000x64xf32, #tpu.memory_space<hbm>>) target(%dma_start3A_690 : memref<16x64xf32, #tpu.memory_space<vmem>>) offsets(%get3A_685 : vector<16xi32>) semaphore(%arg10 : memref<!tpu.dma_semaphore, #tpu.memory_space<semaphore_mem>>)
    %get3A_694 = arith.constant 1008 : index
    %get3A_695 = tpu.vector_load %arg5[%get3A_694] {strides = array<i32>} : memref<10240xi32, #tpu.memory_space<vmem>>, vector<16xi32>,
    %get3A_696 = vector.shape_cast %get3A_695 : vector<16xi32> to vector<16xi32>
    %dma_start3A_697 = arith.constant 3 : i32
    %dma_start3A_698 = arith.constant 240 : i32
    %dma_start3A_699 = arith.constant 0 : i32
    %dma_start3A_700 = tpu.memref_slice %arg6[%dma_start3A_697, %dma_start3A_698, %dma_start3A_699] : memref<4x256x64xf32, #tpu.memory_space<vmem>> -> memref<1x16x64xf32, #tpu.memory_space<vmem>>
    %dma_start3A_701 = tpu.memref_squeeze %dma_start3A_700 : memref<1x16x64xf32, #tpu.memory_space<vmem>> -> memref<16x64xf32, #tpu.memory_space<vmem>>
    %dma_start3A_702 = arith.constant 0 : i32
    %dma_start3A_703 = arith.constant 0 : i32
    %dma_start3A_704 = tpu.memref_slice %arg3[%dma_start3A_702, %dma_start3A_703] : memref<1000000x64xf32, #tpu.memory_space<hbm>> -> memref<1000000x64xf32, #tpu.memory_space<hbm>>
    tpu.enqueue_indirect_dma source(%dma_start3A_704 : memref<1000000x64xf32, #tpu.memory_space<hbm>>) target(%dma_start3A_701 : memref<16x64xf32, #tpu.memory_space<vmem>>) offsets(%get3A_696 : vector<16xi32>) semaphore(%arg10 : memref<!tpu.dma_semaphore, #tpu.memory_space<semaphore_mem>>)
    %scan3A = arith.constant 0 : i32
    %scan3A_705 = arith.constant 0 : i32
    %scan3A_706 = arith.constant 10 : i32
    %scan3A_707 = arith.addi %scan3A_705, %scan3A_706 : i32
    %scan3A_708 = arith.constant 1 : i32
    scf.for %scan3A_769 = %scan3A_705 to %scan3A_707 step %scan3A_708  : i32 {
      %mul3A_770 = arith.constant 4 : i32
      %mul3A_771 = arith.muli %scan3A_769, %mul3A_770 : i32
      %add3A_772 = arith.constant 0 : i32
      %add3A_773 = arith.addi %mul3A_771, %add3A_772 : i32
      %mul3A_774 = arith.constant 256 : i32
      %mul3A_775 = arith.muli %add3A_773, %mul3A_774 : i32
      %get3A_776 = arith.index_cast %mul3A_775 : i32 to index
      %get3A_777 = tpu.vector_load %arg5[%get3A_776] {strides = array<i32>} : memref<10240xi32, #tpu.memory_space<vmem>>, vector<256xi32>,
      %get3A_778 = vector.shape_cast %get3A_777 : vector<256xi32> to vector<256xi32>
      %dma_wait3A_779 = arith.constant 0 : i32
      %dma_wait3A_780 = arith.constant 0 : i32
      %dma_wait3A_781 = arith.constant 0 : i32
      %dma_wait3A_782 = tpu.memref_slice %arg6[%dma_wait3A_779, %dma_wait3A_780, %dma_wait3A_781] : memref<4x256x64xf32, #tpu.memory_space<vmem>> -> memref<1x256x64xf32, #tpu.memory_space<vmem>>
      %dma_wait3A_783 = tpu.memref_squeeze %dma_wait3A_782 : memref<1x256x64xf32, #tpu.memory_space<vmem>> -> memref<256x64xf32, #tpu.memory_space<vmem>>
      %dma_wait3A_784 = arith.constant 0 : i32
      %dma_wait3A_785 = arith.constant 0 : i32
      %dma_wait3A_786 = tpu.memref_slice %arg3[%dma_wait3A_784, %dma_wait3A_785] : memref<1000000x64xf32, #tpu.memory_space<hbm>> -> memref<1000000x64xf32, #tpu.memory_space<hbm>>
      tpu.wait_indirect_dma semaphore(%arg7 : memref<!tpu.dma_semaphore, #tpu.memory_space<semaphore_mem>>) src(%dma_wait3A_786 : memref<1000000x64xf32, #tpu.memory_space<hbm>>) dst(%dma_wait3A_783 : memref<256x64xf32, #tpu.memory_space<vmem>>)
      %mul3A_787 = arith.constant 256 : i32
      %mul3A_788 = arith.muli %add3A_773, %mul3A_787 : i32
      %add3A_789 = arith.addi %mul3A_2, %mul3A_788 : i32
      %dma_start3A_790 = arith.constant 0 : i32
      %dma_start3A_791 = arith.constant 0 : i32
      %dma_start3A_792 = arith.constant 0 : i32
      %dma_start3A_793 = tpu.memref_slice %arg6[%dma_start3A_790, %dma_start3A_791, %dma_start3A_792] : memref<4x256x64xf32, #tpu.memory_space<vmem>> -> memref<1x256x64xf32, #tpu.memory_space<vmem>>
      %dma_start3A_794 = tpu.memref_squeeze %dma_start3A_793 : memref<1x256x64xf32, #tpu.memory_space<vmem>> -> memref<256x64xf32, #tpu.memory_space<vmem>>
      %dma_start3A_795 = arith.constant 0 : i32
      %dma_start3A_796 = tpu.memref_slice %arg4[%add3A_789, %dma_start3A_795] : memref<327680x64xf32, #tpu.memory_space<hbm>> -> memref<256x64xf32, #tpu.memory_space<hbm>>
      %dma_start3A_797 = arith.constant 0 : i32
      %dma_start3A_798 = tpu.memref_slice %arg4[%add3A_789, %dma_start3A_797] : memref<327680x64xf32, #tpu.memory_space<hbm>> -> memref<256x64xf32, #tpu.memory_space<hbm>>
      %dma_start3A_799 = arith.constant 0 : i32
      %dma_start3A_800 = arith.constant 0 : i32
      %dma_start3A_801 = tpu.memref_slice %arg6[%dma_start3A_790, %dma_start3A_799, %dma_start3A_800] : memref<4x256x64xf32, #tpu.memory_space<vmem>> -> memref<1x256x64xf32, #tpu.memory_space<vmem>>
      %dma_start3A_802 = tpu.memref_squeeze %dma_start3A_801 : memref<1x256x64xf32, #tpu.memory_space<vmem>> -> memref<256x64xf32, #tpu.memory_space<vmem>>
      tpu.enqueue_dma source(%dma_start3A_802 : memref<256x64xf32, #tpu.memory_space<vmem>>) target(%dma_start3A_798 : memref<256x64xf32, #tpu.memory_space<hbm>>) target_semaphore(%arg11 : memref<!tpu.dma_semaphore, #tpu.memory_space<semaphore_mem>>)
      %add3A_803 = arith.constant 4 : i32
      %add3A_804 = arith.addi %add3A_773, %add3A_803 : i32
      %lt3A = arith.constant 40 : i32
      %lt3A_805 = arith.cmpi slt, %add3A_804, %lt3A : i32
      %convert_element_type3A = arith.extui %lt3A_805 : i1 to i32
      %cond3A = arith.constant 0 : i32
      %cond3A_806 = arith.cmpi ne, %convert_element_type3A, %cond3A : i32
      scf.if %cond3A_806 {
        %dma_wait3A_921 = arith.constant 0 : i32
        %dma_wait3A_922 = arith.constant 0 : i32
        %dma_wait3A_923 = arith.constant 0 : i32
        %dma_wait3A_924 = tpu.memref_slice %arg6[%dma_wait3A_921, %dma_wait3A_922, %dma_wait3A_923] : memref<4x256x64xf32, #tpu.memory_space<vmem>> -> memref<1x256x64xf32, #tpu.memory_space<vmem>>
        %dma_wait3A_925 = tpu.memref_squeeze %dma_wait3A_924 : memref<1x256x64xf32, #tpu.memory_space<vmem>> -> memref<256x64xf32, #tpu.memory_space<vmem>>
        %dma_wait3A_926 = arith.constant 0 : i32
        %dma_wait3A_927 = tpu.memref_slice %arg4[%add3A_789, %dma_wait3A_926] : memref<327680x64xf32, #tpu.memory_space<hbm>> -> memref<256x64xf32, #tpu.memory_space<hbm>>
        %dma_wait3A_928 = arith.constant 0 : i32
        %dma_wait3A_929 = tpu.memref_slice %arg4[%add3A_789, %dma_wait3A_928] : memref<327680x64xf32, #tpu.memory_space<hbm>> -> memref<256x64xf32, #tpu.memory_space<hbm>>
        %dma_wait3A_930 = arith.constant 0 : i32
        %dma_wait3A_931 = arith.constant 0 : i32
        %dma_wait3A_932 = tpu.memref_slice %arg6[%dma_wait3A_921, %dma_wait3A_930, %dma_wait3A_931] : memref<4x256x64xf32, #tpu.memory_space<vmem>> -> memref<1x256x64xf32, #tpu.memory_space<vmem>>
        %dma_wait3A_933 = tpu.memref_squeeze %dma_wait3A_932 : memref<1x256x64xf32, #tpu.memory_space<vmem>> -> memref<256x64xf32, #tpu.memory_space<vmem>>
        tpu.wait_dma2 semaphore(%arg11 : memref<!tpu.dma_semaphore, #tpu.memory_space<semaphore_mem>>) src(%dma_wait3A_933 : memref<256x64xf32, #tpu.memory_space<vmem>>) dst(%dma_wait3A_929 : memref<256x64xf32, #tpu.memory_space<hbm>>)
        %add3A_934 = arith.constant 4 : i32
        %add3A_935 = arith.addi %add3A_773, %add3A_934 : i32
        %mul3A_936 = arith.constant 256 : i32
        %mul3A_937 = arith.muli %add3A_935, %mul3A_936 : i32
        %add3A_938 = arith.constant 0 : i32
        %add3A_939 = arith.addi %mul3A_937, %add3A_938 : i32
        %get3A_940 = arith.index_cast %add3A_939 : i32 to index
        %get3A_941 = tpu.vector_load %arg5[%get3A_940] {strides = array<i32>} : memref<10240xi32, #tpu.memory_space<vmem>>, vector<16xi32>,
        %get3A_942 = vector.shape_cast %get3A_941 : vector<16xi32> to vector<16xi32>
        %dma_start3A_943 = arith.constant 0 : i32
        %dma_start3A_944 = arith.constant 0 : i32
        %dma_start3A_945 = arith.constant 0 : i32
        %dma_start3A_946 = tpu.memref_slice %arg6[%dma_start3A_943, %dma_start3A_944, %dma_start3A_945] : memref<4x256x64xf32, #tpu.memory_space<vmem>> -> memref<1x16x64xf32, #tpu.memory_space<vmem>>
        %dma_start3A_947 = tpu.memref_squeeze %dma_start3A_946 : memref<1x16x64xf32, #tpu.memory_space<vmem>> -> memref<16x64xf32, #tpu.memory_space<vmem>>
        %dma_start3A_948 = arith.constant 0 : i32
        %dma_start3A_949 = arith.constant 0 : i32
        %dma_start3A_950 = tpu.memref_slice %arg3[%dma_start3A_948, %dma_start3A_949] : memref<1000000x64xf32, #tpu.memory_space<hbm>> -> memref<1000000x64xf32, #tpu.memory_space<hbm>>
        tpu.enqueue_indirect_dma source(%dma_start3A_950 : memref<1000000x64xf32, #tpu.memory_space<hbm>>) target(%dma_start3A_947 : memref<16x64xf32, #tpu.memory_space<vmem>>) offsets(%get3A_942 : vector<16xi32>) semaphore(%arg7 : memref<!tpu.dma_semaphore, #tpu.memory_space<semaphore_mem>>)
        %mul3A_951 = arith.constant 256 : i32
        %mul3A_952 = arith.muli %add3A_935, %mul3A_951 : i32
        %add3A_953 = arith.constant 16 : i32
        %add3A_954 = arith.addi %mul3A_952, %add3A_953 : i32
        %get3A_955 = arith.index_cast %add3A_954 : i32 to index
        %get3A_956 = tpu.vector_load %arg5[%get3A_955] {strides = array<i32>} : memref<10240xi32, #tpu.memory_space<vmem>>, vector<16xi32>,
        %get3A_957 = vector.shape_cast %get3A_956 : vector<16xi32> to vector<16xi32>
        %dma_start3A_958 = arith.constant 0 : i32
        %dma_start3A_959 = arith.constant 16 : i32
        %dma_start3A_960 = arith.constant 0 : i32
        %dma_start3A_961 = tpu.memref_slice %arg6[%dma_start3A_958, %dma_start3A_959, %dma_start3A_960] : memref<4x256x64xf32, #tpu.memory_space<vmem>> -> memref<1x16x64xf32, #tpu.memory_space<vmem>>
        %dma_start3A_962 = tpu.memref_squeeze %dma_start3A_961 : memref<1x16x64xf32, #tpu.memory_space<vmem>> -> memref<16x64xf32, #tpu.memory_space<vmem>>
        %dma_start3A_963 = arith.constant 0 : i32
        %dma_start3A_964 = arith.constant 0 : i32
        %dma_start3A_965 = tpu.memref_slice %arg3[%dma_start3A_963, %dma_start3A_964] : memref<1000000x64xf32, #tpu.memory_space<hbm>> -> memref<1000000x64xf32, #tpu.memory_space<hbm>>
        tpu.enqueue_indirect_dma source(%dma_start3A_965 : memref<1000000x64xf32, #tpu.memory_space<hbm>>) target(%dma_start3A_962 : memref<16x64xf32, #tpu.memory_space<vmem>>) offsets(%get3A_957 : vector<16xi32>) semaphore(%arg7 : memref<!tpu.dma_semaphore, #tpu.memory_space<semaphore_mem>>)
        %mul3A_966 = arith.constant 256 : i32
        %mul3A_967 = arith.muli %add3A_935, %mul3A_966 : i32
        %add3A_968 = arith.constant 32 : i32
        %add3A_969 = arith.addi %mul3A_967, %add3A_968 : i32
        %get3A_970 = arith.index_cast %add3A_969 : i32 to index
        %get3A_971 = tpu.vector_load %arg5[%get3A_970] {strides = array<i32>} : memref<10240xi32, #tpu.memory_space<vmem>>, vector<16xi32>,
        %get3A_972 = vector.shape_cast %get3A_971 : vector<16xi32> to vector<16xi32>
        %dma_start3A_973 = arith.constant 0 : i32
        %dma_start3A_974 = arith.constant 32 : i32
        %dma_start3A_975 = arith.constant 0 : i32
        %dma_start3A_976 = tpu.memref_slice %arg6[%dma_start3A_973, %dma_start3A_974, %dma_start3A_975] : memref<4x256x64xf32, #tpu.memory_space<vmem>> -> memref<1x16x64xf32, #tpu.memory_space<vmem>>
        %dma_start3A_977 = tpu.memref_squeeze %dma_start3A_976 : memref<1x16x64xf32, #tpu.memory_space<vmem>> -> memref<16x64xf32, #tpu.memory_space<vmem>>
        %dma_start3A_978 = arith.constant 0 : i32
        %dma_start3A_979 = arith.constant 0 : i32
        %dma_start3A_980 = tpu.memref_slice %arg3[%dma_start3A_978, %dma_start3A_979] : memref<1000000x64xf32, #tpu.memory_space<hbm>> -> memref<1000000x64xf32, #tpu.memory_space<hbm>>
        tpu.enqueue_indirect_dma source(%dma_start3A_980 : memref<1000000x64xf32, #tpu.memory_space<hbm>>) target(%dma_start3A_977 : memref<16x64xf32, #tpu.memory_space<vmem>>) offsets(%get3A_972 : vector<16xi32>) semaphore(%arg7 : memref<!tpu.dma_semaphore, #tpu.memory_space<semaphore_mem>>)
        %mul3A_981 = arith.constant 256 : i32
        %mul3A_982 = arith.muli %add3A_935, %mul3A_981 : i32
        %add3A_983 = arith.constant 48 : i32
        %add3A_984 = arith.addi %mul3A_982, %add3A_983 : i32
        %get3A_985 = arith.index_cast %add3A_984 : i32 to index
        %get3A_986 = tpu.vector_load %arg5[%get3A_985] {strides = array<i32>} : memref<10240xi32, #tpu.memory_space<vmem>>, vector<16xi32>,
        %get3A_987 = vector.shape_cast %get3A_986 : vector<16xi32> to vector<16xi32>
        %dma_start3A_988 = arith.constant 0 : i32
        %dma_start3A_989 = arith.constant 48 : i32
        %dma_start3A_990 = arith.constant 0 : i32
        %dma_start3A_991 = tpu.memref_slice %arg6[%dma_start3A_988, %dma_start3A_989, %dma_start3A_990] : memref<4x256x64xf32, #tpu.memory_space<vmem>> -> memref<1x16x64xf32, #tpu.memory_space<vmem>>
        %dma_start3A_992 = tpu.memref_squeeze %dma_start3A_991 : memref<1x16x64xf32, #tpu.memory_space<vmem>> -> memref<16x64xf32, #tpu.memory_space<vmem>>
        %dma_start3A_993 = arith.constant 0 : i32
        %dma_start3A_994 = arith.constant 0 : i32
        %dma_start3A_995 = tpu.memref_slice %arg3[%dma_start3A_993, %dma_start3A_994] : memref<1000000x64xf32, #tpu.memory_space<hbm>> -> memref<1000000x64xf32, #tpu.memory_space<hbm>>
        tpu.enqueue_indirect_dma source(%dma_start3A_995 : memref<1000000x64xf32, #tpu.memory_space<hbm>>) target(%dma_start3A_992 : memref<16x64xf32, #tpu.memory_space<vmem>>) offsets(%get3A_987 : vector<16xi32>) semaphore(%arg7 : memref<!tpu.dma_semaphore, #tpu.memory_space<semaphore_mem>>)
        %mul3A_996 = arith.constant 256 : i32
        %mul3A_997 = arith.muli %add3A_935, %mul3A_996 : i32
        %add3A_998 = arith.constant 64 : i32
        %add3A_999 = arith.addi %mul3A_997, %add3A_998 : i32
        %get3A_1000 = arith.index_cast %add3A_999 : i32 to index
        %get3A_1001 = tpu.vector_load %arg5[%get3A_1000] {strides = array<i32>} : memref<10240xi32, #tpu.memory_space<vmem>>, vector<16xi32>,
        %get3A_1002 = vector.shape_cast %get3A_1001 : vector<16xi32> to vector<16xi32>
        %dma_start3A_1003 = arith.constant 0 : i32
        %dma_start3A_1004 = arith.constant 64 : i32
        %dma_start3A_1005 = arith.constant 0 : i32
        %dma_start3A_1006 = tpu.memref_slice %arg6[%dma_start3A_1003, %dma_start3A_1004, %dma_start3A_1005] : memref<4x256x64xf32, #tpu.memory_space<vmem>> -> memref<1x16x64xf32, #tpu.memory_space<vmem>>
        %dma_start3A_1007 = tpu.memref_squeeze %dma_start3A_1006 : memref<1x16x64xf32, #tpu.memory_space<vmem>> -> memref<16x64xf32, #tpu.memory_space<vmem>>
        %dma_start3A_1008 = arith.constant 0 : i32
        %dma_start3A_1009 = arith.constant 0 : i32
        %dma_start3A_1010 = tpu.memref_slice %arg3[%dma_start3A_1008, %dma_start3A_1009] : memref<1000000x64xf32, #tpu.memory_space<hbm>> -> memref<1000000x64xf32, #tpu.memory_space<hbm>>
        tpu.enqueue_indirect_dma source(%dma_start3A_1010 : memref<1000000x64xf32, #tpu.memory_space<hbm>>) target(%dma_start3A_1007 : memref<16x64xf32, #tpu.memory_space<vmem>>) offsets(%get3A_1002 : vector<16xi32>) semaphore(%arg7 : memref<!tpu.dma_semaphore, #tpu.memory_space<semaphore_mem>>)
        %mul3A_1011 = arith.constant 256 : i32
        %mul3A_1012 = arith.muli %add3A_935, %mul3A_1011 : i32
        %add3A_1013 = arith.constant 80 : i32
        %add3A_1014 = arith.addi %mul3A_1012, %add3A_1013 : i32
        %get3A_1015 = arith.index_cast %add3A_1014 : i32 to index
        %get3A_1016 = tpu.vector_load %arg5[%get3A_1015] {strides = array<i32>} : memref<10240xi32, #tpu.memory_space<vmem>>, vector<16xi32>,
        %get3A_1017 = vector.shape_cast %get3A_1016 : vector<16xi32> to vector<16xi32>
        %dma_start3A_1018 = arith.constant 0 : i32
        %dma_start3A_1019 = arith.constant 80 : i32
        %dma_start3A_1020 = arith.constant 0 : i32
        %dma_start3A_1021 = tpu.memref_slice %arg6[%dma_start3A_1018, %dma_start3A_1019, %dma_start3A_1020] : memref<4x256x64xf32, #tpu.memory_space<vmem>> -> memref<1x16x64xf32, #tpu.memory_space<vmem>>
        %dma_start3A_1022 = tpu.memref_squeeze %dma_start3A_1021 : memref<1x16x64xf32, #tpu.memory_space<vmem>> -> memref<16x64xf32, #tpu.memory_space<vmem>>
        %dma_start3A_1023 = arith.constant 0 : i32
        %dma_start3A_1024 = arith.constant 0 : i32
        %dma_start3A_1025 = tpu.memref_slice %arg3[%dma_start3A_1023, %dma_start3A_1024] : memref<1000000x64xf32, #tpu.memory_space<hbm>> -> memref<1000000x64xf32, #tpu.memory_space<hbm>>
        tpu.enqueue_indirect_dma source(%dma_start3A_1025 : memref<1000000x64xf32, #tpu.memory_space<hbm>>) target(%dma_start3A_1022 : memref<16x64xf32, #tpu.memory_space<vmem>>) offsets(%get3A_1017 : vector<16xi32>) semaphore(%arg7 : memref<!tpu.dma_semaphore, #tpu.memory_space<semaphore_mem>>)
        %mul3A_1026 = arith.constant 256 : i32
        %mul3A_1027 = arith.muli %add3A_935, %mul3A_1026 : i32
        %add3A_1028 = arith.constant 96 : i32
        %add3A_1029 = arith.addi %mul3A_1027, %add3A_1028 : i32
        %get3A_1030 = arith.index_cast %add3A_1029 : i32 to index
        %get3A_1031 = tpu.vector_load %arg5[%get3A_1030] {strides = array<i32>} : memref<10240xi32, #tpu.memory_space<vmem>>, vector<16xi32>,
        %get3A_1032 = vector.shape_cast %get3A_1031 : vector<16xi32> to vector<16xi32>
        %dma_start3A_1033 = arith.constant 0 : i32
        %dma_start3A_1034 = arith.constant 96 : i32
        %dma_start3A_1035 = arith.constant 0 : i32
        %dma_start3A_1036 = tpu.memref_slice %arg6[%dma_start3A_1033, %dma_start3A_1034, %dma_start3A_1035] : memref<4x256x64xf32, #tpu.memory_space<vmem>> -> memref<1x16x64xf32, #tpu.memory_space<vmem>>
        %dma_start3A_1037 = tpu.memref_squeeze %dma_start3A_1036 : memref<1x16x64xf32, #tpu.memory_space<vmem>> -> memref<16x64xf32, #tpu.memory_space<vmem>>
        %dma_start3A_1038 = arith.constant 0 : i32
        %dma_start3A_1039 = arith.constant 0 : i32
        %dma_start3A_1040 = tpu.memref_slice %arg3[%dma_start3A_1038, %dma_start3A_1039] : memref<1000000x64xf32, #tpu.memory_space<hbm>> -> memref<1000000x64xf32, #tpu.memory_space<hbm>>
        tpu.enqueue_indirect_dma source(%dma_start3A_1040 : memref<1000000x64xf32, #tpu.memory_space<hbm>>) target(%dma_start3A_1037 : memref<16x64xf32, #tpu.memory_space<vmem>>) offsets(%get3A_1032 : vector<16xi32>) semaphore(%arg7 : memref<!tpu.dma_semaphore, #tpu.memory_space<semaphore_mem>>)
        %mul3A_1041 = arith.constant 256 : i32
        %mul3A_1042 = arith.muli %add3A_935, %mul3A_1041 : i32
        %add3A_1043 = arith.constant 112 : i32
        %add3A_1044 = arith.addi %mul3A_1042, %add3A_1043 : i32
        %get3A_1045 = arith.index_cast %add3A_1044 : i32 to index
        %get3A_1046 = tpu.vector_load %arg5[%get3A_1045] {strides = array<i32>} : memref<10240xi32, #tpu.memory_space<vmem>>, vector<16xi32>,
        %get3A_1047 = vector.shape_cast %get3A_1046 : vector<16xi32> to vector<16xi32>
        %dma_start3A_1048 = arith.constant 0 : i32
        %dma_start3A_1049 = arith.constant 112 : i32
        %dma_start3A_1050 = arith.constant 0 : i32
        %dma_start3A_1051 = tpu.memref_slice %arg6[%dma_start3A_1048, %dma_start3A_1049, %dma_start3A_1050] : memref<4x256x64xf32, #tpu.memory_space<vmem>> -> memref<1x16x64xf32, #tpu.memory_space<vmem>>
        %dma_start3A_1052 = tpu.memref_squeeze %dma_start3A_1051 : memref<1x16x64xf32, #tpu.memory_space<vmem>> -> memref<16x64xf32, #tpu.memory_space<vmem>>
        %dma_start3A_1053 = arith.constant 0 : i32
        %dma_start3A_1054 = arith.constant 0 : i32
        %dma_start3A_1055 = tpu.memref_slice %arg3[%dma_start3A_1053, %dma_start3A_1054] : memref<1000000x64xf32, #tpu.memory_space<hbm>> -> memref<1000000x64xf32, #tpu.memory_space<hbm>>
        tpu.enqueue_indirect_dma source(%dma_start3A_1055 : memref<1000000x64xf32, #tpu.memory_space<hbm>>) target(%dma_start3A_1052 : memref<16x64xf32, #tpu.memory_space<vmem>>) offsets(%get3A_1047 : vector<16xi32>) semaphore(%arg7 : memref<!tpu.dma_semaphore, #tpu.memory_space<semaphore_mem>>)
        %mul3A_1056 = arith.constant 256 : i32
        %mul3A_1057 = arith.muli %add3A_935, %mul3A_1056 : i32
        %add3A_1058 = arith.constant 128 : i32
        %add3A_1059 = arith.addi %mul3A_1057, %add3A_1058 : i32
        %get3A_1060 = arith.index_cast %add3A_1059 : i32 to index
        %get3A_1061 = tpu.vector_load %arg5[%get3A_1060] {strides = array<i32>} : memref<10240xi32, #tpu.memory_space<vmem>>, vector<16xi32>,
        %get3A_1062 = vector.shape_cast %get3A_1061 : vector<16xi32> to vector<16xi32>
        %dma_start3A_1063 = arith.constant 0 : i32
        %dma_start3A_1064 = arith.constant 128 : i32
        %dma_start3A_1065 = arith.constant 0 : i32
        %dma_start3A_1066 = tpu.memref_slice %arg6[%dma_start3A_1063, %dma_start3A_1064, %dma_start3A_1065] : memref<4x256x64xf32, #tpu.memory_space<vmem>> -> memref<1x16x64xf32, #tpu.memory_space<vmem>>
        %dma_start3A_1067 = tpu.memref_squeeze %dma_start3A_1066 : memref<1x16x64xf32, #tpu.memory_space<vmem>> -> memref<16x64xf32, #tpu.memory_space<vmem>>
        %dma_start3A_1068 = arith.constant 0 : i32
        %dma_start3A_1069 = arith.constant 0 : i32
        %dma_start3A_1070 = tpu.memref_slice %arg3[%dma_start3A_1068, %dma_start3A_1069] : memref<1000000x64xf32, #tpu.memory_space<hbm>> -> memref<1000000x64xf32, #tpu.memory_space<hbm>>
        tpu.enqueue_indirect_dma source(%dma_start3A_1070 : memref<1000000x64xf32, #tpu.memory_space<hbm>>) target(%dma_start3A_1067 : memref<16x64xf32, #tpu.memory_space<vmem>>) offsets(%get3A_1062 : vector<16xi32>) semaphore(%arg7 : memref<!tpu.dma_semaphore, #tpu.memory_space<semaphore_mem>>)
        %mul3A_1071 = arith.constant 256 : i32
        %mul3A_1072 = arith.muli %add3A_935, %mul3A_1071 : i32
        %add3A_1073 = arith.constant 144 : i32
        %add3A_1074 = arith.addi %mul3A_1072, %add3A_1073 : i32
        %get3A_1075 = arith.index_cast %add3A_1074 : i32 to index
        %get3A_1076 = tpu.vector_load %arg5[%get3A_1075] {strides = array<i32>} : memref<10240xi32, #tpu.memory_space<vmem>>, vector<16xi32>,
        %get3A_1077 = vector.shape_cast %get3A_1076 : vector<16xi32> to vector<16xi32>
        %dma_start3A_1078 = arith.constant 0 : i32
        %dma_start3A_1079 = arith.constant 144 : i32
        %dma_start3A_1080 = arith.constant 0 : i32
        %dma_start3A_1081 = tpu.memref_slice %arg6[%dma_start3A_1078, %dma_start3A_1079, %dma_start3A_1080] : memref<4x256x64xf32, #tpu.memory_space<vmem>> -> memref<1x16x64xf32, #tpu.memory_space<vmem>>
        %dma_start3A_1082 = tpu.memref_squeeze %dma_start3A_1081 : memref<1x16x64xf32, #tpu.memory_space<vmem>> -> memref<16x64xf32, #tpu.memory_space<vmem>>
        %dma_start3A_1083 = arith.constant 0 : i32
        %dma_start3A_1084 = arith.constant 0 : i32
        %dma_start3A_1085 = tpu.memref_slice %arg3[%dma_start3A_1083, %dma_start3A_1084] : memref<1000000x64xf32, #tpu.memory_space<hbm>> -> memref<1000000x64xf32, #tpu.memory_space<hbm>>
        tpu.enqueue_indirect_dma source(%dma_start3A_1085 : memref<1000000x64xf32, #tpu.memory_space<hbm>>) target(%dma_start3A_1082 : memref<16x64xf32, #tpu.memory_space<vmem>>) offsets(%get3A_1077 : vector<16xi32>) semaphore(%arg7 : memref<!tpu.dma_semaphore, #tpu.memory_space<semaphore_mem>>)
        %mul3A_1086 = arith.constant 256 : i32
        %mul3A_1087 = arith.muli %add3A_935, %mul3A_1086 : i32
        %add3A_1088 = arith.constant 160 : i32
        %add3A_1089 = arith.addi %mul3A_1087, %add3A_1088 : i32
        %get3A_1090 = arith.index_cast %add3A_1089 : i32 to index
        %get3A_1091 = tpu.vector_load %arg5[%get3A_1090] {strides = array<i32>} : memref<10240xi32, #tpu.memory_space<vmem>>, vector<16xi32>,
        %get3A_1092 = vector.shape_cast %get3A_1091 : vector<16xi32> to vector<16xi32>
        %dma_start3A_1093 = arith.constant 0 : i32
        %dma_start3A_1094 = arith.constant 160 : i32
        %dma_start3A_1095 = arith.constant 0 : i32
        %dma_start3A_1096 = tpu.memref_slice %arg6[%dma_start3A_1093, %dma_start3A_1094, %dma_start3A_1095] : memref<4x256x64xf32, #tpu.memory_space<vmem>> -> memref<1x16x64xf32, #tpu.memory_space<vmem>>
        %dma_start3A_1097 = tpu.memref_squeeze %dma_start3A_1096 : memref<1x16x64xf32, #tpu.memory_space<vmem>> -> memref<16x64xf32, #tpu.memory_space<vmem>>
        %dma_start3A_1098 = arith.constant 0 : i32
        %dma_start3A_1099 = arith.constant 0 : i32
        %dma_start3A_1100 = tpu.memref_slice %arg3[%dma_start3A_1098, %dma_start3A_1099] : memref<1000000x64xf32, #tpu.memory_space<hbm>> -> memref<1000000x64xf32, #tpu.memory_space<hbm>>
        tpu.enqueue_indirect_dma source(%dma_start3A_1100 : memref<1000000x64xf32, #tpu.memory_space<hbm>>) target(%dma_start3A_1097 : memref<16x64xf32, #tpu.memory_space<vmem>>) offsets(%get3A_1092 : vector<16xi32>) semaphore(%arg7 : memref<!tpu.dma_semaphore, #tpu.memory_space<semaphore_mem>>)
        %mul3A_1101 = arith.constant 256 : i32
        %mul3A_1102 = arith.muli %add3A_935, %mul3A_1101 : i32
        %add3A_1103 = arith.constant 176 : i32
        %add3A_1104 = arith.addi %mul3A_1102, %add3A_1103 : i32
        %get3A_1105 = arith.index_cast %add3A_1104 : i32 to index
        %get3A_1106 = tpu.vector_load %arg5[%get3A_1105] {strides = array<i32>} : memref<10240xi32, #tpu.memory_space<vmem>>, vector<16xi32>,
        %get3A_1107 = vector.shape_cast %get3A_1106 : vector<16xi32> to vector<16xi32>
        %dma_start3A_1108 = arith.constant 0 : i32
        %dma_start3A_1109 = arith.constant 176 : i32
        %dma_start3A_1110 = arith.constant 0 : i32
        %dma_start3A_1111 = tpu.memref_slice %arg6[%dma_start3A_1108, %dma_start3A_1109, %dma_start3A_1110] : memref<4x256x64xf32, #tpu.memory_space<vmem>> -> memref<1x16x64xf32, #tpu.memory_space<vmem>>
        %dma_start3A_1112 = tpu.memref_squeeze %dma_start3A_1111 : memref<1x16x64xf32, #tpu.memory_space<vmem>> -> memref<16x64xf32, #tpu.memory_space<vmem>>
        %dma_start3A_1113 = arith.constant 0 : i32
        %dma_start3A_1114 = arith.constant 0 : i32
        %dma_start3A_1115 = tpu.memref_slice %arg3[%dma_start3A_1113, %dma_start3A_1114] : memref<1000000x64xf32, #tpu.memory_space<hbm>> -> memref<1000000x64xf32, #tpu.memory_space<hbm>>
        tpu.enqueue_indirect_dma source(%dma_start3A_1115 : memref<1000000x64xf32, #tpu.memory_space<hbm>>) target(%dma_start3A_1112 : memref<16x64xf32, #tpu.memory_space<vmem>>) offsets(%get3A_1107 : vector<16xi32>) semaphore(%arg7 : memref<!tpu.dma_semaphore, #tpu.memory_space<semaphore_mem>>)
        %mul3A_1116 = arith.constant 256 : i32
        %mul3A_1117 = arith.muli %add3A_935, %mul3A_1116 : i32
        %add3A_1118 = arith.constant 192 : i32
        %add3A_1119 = arith.addi %mul3A_1117, %add3A_1118 : i32
        %get3A_1120 = arith.index_cast %add3A_1119 : i32 to index
        %get3A_1121 = tpu.vector_load %arg5[%get3A_1120] {strides = array<i32>} : memref<10240xi32, #tpu.memory_space<vmem>>, vector<16xi32>,
        %get3A_1122 = vector.shape_cast %get3A_1121 : vector<16xi32> to vector<16xi32>
        %dma_start3A_1123 = arith.constant 0 : i32
        %dma_start3A_1124 = arith.constant 192 : i32
        %dma_start3A_1125 = arith.constant 0 : i32
        %dma_start3A_1126 = tpu.memref_slice %arg6[%dma_start3A_1123, %dma_start3A_1124, %dma_start3A_1125] : memref<4x256x64xf32, #tpu.memory_space<vmem>> -> memref<1x16x64xf32, #tpu.memory_space<vmem>>
        %dma_start3A_1127 = tpu.memref_squeeze %dma_start3A_1126 : memref<1x16x64xf32, #tpu.memory_space<vmem>> -> memref<16x64xf32, #tpu.memory_space<vmem>>
        %dma_start3A_1128 = arith.constant 0 : i32
        %dma_start3A_1129 = arith.constant 0 : i32
        %dma_start3A_1130 = tpu.memref_slice %arg3[%dma_start3A_1128, %dma_start3A_1129] : memref<1000000x64xf32, #tpu.memory_space<hbm>> -> memref<1000000x64xf32, #tpu.memory_space<hbm>>
        tpu.enqueue_indirect_dma source(%dma_start3A_1130 : memref<1000000x64xf32, #tpu.memory_space<hbm>>) target(%dma_start3A_1127 : memref<16x64xf32, #tpu.memory_space<vmem>>) offsets(%get3A_1122 : vector<16xi32>) semaphore(%arg7 : memref<!tpu.dma_semaphore, #tpu.memory_space<semaphore_mem>>)
        %mul3A_1131 = arith.constant 256 : i32
        %mul3A_1132 = arith.muli %add3A_935, %mul3A_1131 : i32
        %add3A_1133 = arith.constant 208 : i32
        %add3A_1134 = arith.addi %mul3A_1132, %add3A_1133 : i32
        %get3A_1135 = arith.index_cast %add3A_1134 : i32 to index
        %get3A_1136 = tpu.vector_load %arg5[%get3A_1135] {strides = array<i32>} : memref<10240xi32, #tpu.memory_space<vmem>>, vector<16xi32>,
        %get3A_1137 = vector.shape_cast %get3A_1136 : vector<16xi32> to vector<16xi32>
        %dma_start3A_1138 = arith.constant 0 : i32
        %dma_start3A_1139 = arith.constant 208 : i32
        %dma_start3A_1140 = arith.constant 0 : i32
        %dma_start3A_1141 = tpu.memref_slice %arg6[%dma_start3A_1138, %dma_start3A_1139, %dma_start3A_1140] : memref<4x256x64xf32, #tpu.memory_space<vmem>> -> memref<1x16x64xf32, #tpu.memory_space<vmem>>
        %dma_start3A_1142 = tpu.memref_squeeze %dma_start3A_1141 : memref<1x16x64xf32, #tpu.memory_space<vmem>> -> memref<16x64xf32, #tpu.memory_space<vmem>>
        %dma_start3A_1143 = arith.constant 0 : i32
        %dma_start3A_1144 = arith.constant 0 : i32
        %dma_start3A_1145 = tpu.memref_slice %arg3[%dma_start3A_1143, %dma_start3A_1144] : memref<1000000x64xf32, #tpu.memory_space<hbm>> -> memref<1000000x64xf32, #tpu.memory_space<hbm>>
        tpu.enqueue_indirect_dma source(%dma_start3A_1145 : memref<1000000x64xf32, #tpu.memory_space<hbm>>) target(%dma_start3A_1142 : memref<16x64xf32, #tpu.memory_space<vmem>>) offsets(%get3A_1137 : vector<16xi32>) semaphore(%arg7 : memref<!tpu.dma_semaphore, #tpu.memory_space<semaphore_mem>>)
        %mul3A_1146 = arith.constant 256 : i32
        %mul3A_1147 = arith.muli %add3A_935, %mul3A_1146 : i32
        %add3A_1148 = arith.constant 224 : i32
        %add3A_1149 = arith.addi %mul3A_1147, %add3A_1148 : i32
        %get3A_1150 = arith.index_cast %add3A_1149 : i32 to index
        %get3A_1151 = tpu.vector_load %arg5[%get3A_1150] {strides = array<i32>} : memref<10240xi32, #tpu.memory_space<vmem>>, vector<16xi32>,
        %get3A_1152 = vector.shape_cast %get3A_1151 : vector<16xi32> to vector<16xi32>
        %dma_start3A_1153 = arith.constant 0 : i32
        %dma_start3A_1154 = arith.constant 224 : i32
        %dma_start3A_1155 = arith.constant 0 : i32
        %dma_start3A_1156 = tpu.memref_slice %arg6[%dma_start3A_1153, %dma_start3A_1154, %dma_start3A_1155] : memref<4x256x64xf32, #tpu.memory_space<vmem>> -> memref<1x16x64xf32, #tpu.memory_space<vmem>>
        %dma_start3A_1157 = tpu.memref_squeeze %dma_start3A_1156 : memref<1x16x64xf32, #tpu.memory_space<vmem>> -> memref<16x64xf32, #tpu.memory_space<vmem>>
        %dma_start3A_1158 = arith.constant 0 : i32
        %dma_start3A_1159 = arith.constant 0 : i32
        %dma_start3A_1160 = tpu.memref_slice %arg3[%dma_start3A_1158, %dma_start3A_1159] : memref<1000000x64xf32, #tpu.memory_space<hbm>> -> memref<1000000x64xf32, #tpu.memory_space<hbm>>
        tpu.enqueue_indirect_dma source(%dma_start3A_1160 : memref<1000000x64xf32, #tpu.memory_space<hbm>>) target(%dma_start3A_1157 : memref<16x64xf32, #tpu.memory_space<vmem>>) offsets(%get3A_1152 : vector<16xi32>) semaphore(%arg7 : memref<!tpu.dma_semaphore, #tpu.memory_space<semaphore_mem>>)
        %mul3A_1161 = arith.constant 256 : i32
        %mul3A_1162 = arith.muli %add3A_935, %mul3A_1161 : i32
        %add3A_1163 = arith.constant 240 : i32
        %add3A_1164 = arith.addi %mul3A_1162, %add3A_1163 : i32
        %get3A_1165 = arith.index_cast %add3A_1164 : i32 to index
        %get3A_1166 = tpu.vector_load %arg5[%get3A_1165] {strides = array<i32>} : memref<10240xi32, #tpu.memory_space<vmem>>, vector<16xi32>,
        %get3A_1167 = vector.shape_cast %get3A_1166 : vector<16xi32> to vector<16xi32>
        %dma_start3A_1168 = arith.constant 0 : i32
        %dma_start3A_1169 = arith.constant 240 : i32
        %dma_start3A_1170 = arith.constant 0 : i32
        %dma_start3A_1171 = tpu.memref_slice %arg6[%dma_start3A_1168, %dma_start3A_1169, %dma_start3A_1170] : memref<4x256x64xf32, #tpu.memory_space<vmem>> -> memref<1x16x64xf32, #tpu.memory_space<vmem>>
        %dma_start3A_1172 = tpu.memref_squeeze %dma_start3A_1171 : memref<1x16x64xf32, #tpu.memory_space<vmem>> -> memref<16x64xf32, #tpu.memory_space<vmem>>
        %dma_start3A_1173 = arith.constant 0 : i32
        %dma_start3A_1174 = arith.constant 0 : i32
        %dma_start3A_1175 = tpu.memref_slice %arg3[%dma_start3A_1173, %dma_start3A_1174] : memref<1000000x64xf32, #tpu.memory_space<hbm>> -> memref<1000000x64xf32, #tpu.memory_space<hbm>>
        tpu.enqueue_indirect_dma source(%dma_start3A_1175 : memref<1000000x64xf32, #tpu.memory_space<hbm>>) target(%dma_start3A_1172 : memref<16x64xf32, #tpu.memory_space<vmem>>) offsets(%get3A_1167 : vector<16xi32>) semaphore(%arg7 : memref<!tpu.dma_semaphore, #tpu.memory_space<semaphore_mem>>)
      } else {
      }
      %add3A_807 = arith.constant 1 : i32
      %add3A_808 = arith.addi %mul3A_771, %add3A_807 : i32
      %mul3A_809 = arith.constant 256 : i32
      %mul3A_810 = arith.muli %add3A_808, %mul3A_809 : i32
      %get3A_811 = arith.index_cast %mul3A_810 : i32 to index
      %get3A_812 = tpu.vector_load %arg5[%get3A_811] {strides = array<i32>} : memref<10240xi32, #tpu.memory_space<vmem>>, vector<256xi32>,
      %get3A_813 = vector.shape_cast %get3A_812 : vector<256xi32> to vector<256xi32>
      %dma_wait3A_814 = arith.constant 1 : i32
      %dma_wait3A_815 = arith.constant 0 : i32
      %dma_wait3A_816 = arith.constant 0 : i32
      %dma_wait3A_817 = tpu.memref_slice %arg6[%dma_wait3A_814, %dma_wait3A_815, %dma_wait3A_816] : memref<4x256x64xf32, #tpu.memory_space<vmem>> -> memref<1x256x64xf32, #tpu.memory_space<vmem>>
      %dma_wait3A_818 = tpu.memref_squeeze %dma_wait3A_817 : memref<1x256x64xf32, #tpu.memory_space<vmem>> -> memref<256x64xf32, #tpu.memory_space<vmem>>
      %dma_wait3A_819 = arith.constant 0 : i32
      %dma_wait3A_820 = arith.constant 0 : i32
      %dma_wait3A_821 = tpu.memref_slice %arg3[%dma_wait3A_819, %dma_wait3A_820] : memref<1000000x64xf32, #tpu.memory_space<hbm>> -> memref<1000000x64xf32, #tpu.memory_space<hbm>>
      tpu.wait_indirect_dma semaphore(%arg8 : memref<!tpu.dma_semaphore, #tpu.memory_space<semaphore_mem>>) src(%dma_wait3A_821 : memref<1000000x64xf32, #tpu.memory_space<hbm>>) dst(%dma_wait3A_818 : memref<256x64xf32, #tpu.memory_space<vmem>>)
      %mul3A_822 = arith.constant 256 : i32
      %mul3A_823 = arith.muli %add3A_808, %mul3A_822 : i32
      %add3A_824 = arith.addi %mul3A_2, %mul3A_823 : i32
      %dma_start3A_825 = arith.constant 1 : i32
      %dma_start3A_826 = arith.constant 0 : i32
      %dma_start3A_827 = arith.constant 0 : i32
      %dma_start3A_828 = tpu.memref_slice %arg6[%dma_start3A_825, %dma_start3A_826, %dma_start3A_827] : memref<4x256x64xf32, #tpu.memory_space<vmem>> -> memref<1x256x64xf32, #tpu.memory_space<vmem>>
      %dma_start3A_829 = tpu.memref_squeeze %dma_start3A_828 : memref<1x256x64xf32, #tpu.memory_space<vmem>> -> memref<256x64xf32, #tpu.memory_space<vmem>>
      %dma_start3A_830 = arith.constant 0 : i32
      %dma_start3A_831 = tpu.memref_slice %arg4[%add3A_824, %dma_start3A_830] : memref<327680x64xf32, #tpu.memory_space<hbm>> -> memref<256x64xf32, #tpu.memory_space<hbm>>
      %dma_start3A_832 = arith.constant 0 : i32
      %dma_start3A_833 = tpu.memref_slice %arg4[%add3A_824, %dma_start3A_832] : memref<327680x64xf32, #tpu.memory_space<hbm>> -> memref<256x64xf32, #tpu.memory_space<hbm>>
      %dma_start3A_834 = arith.constant 0 : i32
      %dma_start3A_835 = arith.constant 0 : i32
      %dma_start3A_836 = tpu.memref_slice %arg6[%dma_start3A_825, %dma_start3A_834, %dma_start3A_835] : memref<4x256x64xf32, #tpu.memory_space<vmem>> -> memref<1x256x64xf32, #tpu.memory_space<vmem>>
      %dma_start3A_837 = tpu.memref_squeeze %dma_start3A_836 : memref<1x256x64xf32, #tpu.memory_space<vmem>> -> memref<256x64xf32, #tpu.memory_space<vmem>>
      tpu.enqueue_dma source(%dma_start3A_837 : memref<256x64xf32, #tpu.memory_space<vmem>>) target(%dma_start3A_833 : memref<256x64xf32, #tpu.memory_space<hbm>>) target_semaphore(%arg12 : memref<!tpu.dma_semaphore, #tpu.memory_space<semaphore_mem>>)
      %add3A_838 = arith.constant 4 : i32
      %add3A_839 = arith.addi %add3A_808, %add3A_838 : i32
      %lt3A_840 = arith.constant 40 : i32
      %lt3A_841 = arith.cmpi slt, %add3A_839, %lt3A_840 : i32
      %convert_element_type3A_842 = arith.extui %lt3A_841 : i1 to i32
      %cond3A_843 = arith.constant 0 : i32
      %cond3A_844 = arith.cmpi ne, %convert_element_type3A_842, %cond3A_843 : i32
      scf.if %cond3A_844 {
        %dma_wait3A_921 = arith.constant 1 : i32
        %dma_wait3A_922 = arith.constant 0 : i32
        %dma_wait3A_923 = arith.constant 0 : i32
        %dma_wait3A_924 = tpu.memref_slice %arg6[%dma_wait3A_921, %dma_wait3A_922, %dma_wait3A_923] : memref<4x256x64xf32, #tpu.memory_space<vmem>> -> memref<1x256x64xf32, #tpu.memory_space<vmem>>
        %dma_wait3A_925 = tpu.memref_squeeze %dma_wait3A_924 : memref<1x256x64xf32, #tpu.memory_space<vmem>> -> memref<256x64xf32, #tpu.memory_space<vmem>>
        %dma_wait3A_926 = arith.constant 0 : i32
        %dma_wait3A_927 = tpu.memref_slice %arg4[%add3A_824, %dma_wait3A_926] : memref<327680x64xf32, #tpu.memory_space<hbm>> -> memref<256x64xf32, #tpu.memory_space<hbm>>
        %dma_wait3A_928 = arith.constant 0 : i32
        %dma_wait3A_929 = tpu.memref_slice %arg4[%add3A_824, %dma_wait3A_928] : memref<327680x64xf32, #tpu.memory_space<hbm>> -> memref<256x64xf32, #tpu.memory_space<hbm>>
        %dma_wait3A_930 = arith.constant 0 : i32
        %dma_wait3A_931 = arith.constant 0 : i32
        %dma_wait3A_932 = tpu.memref_slice %arg6[%dma_wait3A_921, %dma_wait3A_930, %dma_wait3A_931] : memref<4x256x64xf32, #tpu.memory_space<vmem>> -> memref<1x256x64xf32, #tpu.memory_space<vmem>>
        %dma_wait3A_933 = tpu.memref_squeeze %dma_wait3A_932 : memref<1x256x64xf32, #tpu.memory_space<vmem>> -> memref<256x64xf32, #tpu.memory_space<vmem>>
        tpu.wait_dma2 semaphore(%arg12 : memref<!tpu.dma_semaphore, #tpu.memory_space<semaphore_mem>>) src(%dma_wait3A_933 : memref<256x64xf32, #tpu.memory_space<vmem>>) dst(%dma_wait3A_929 : memref<256x64xf32, #tpu.memory_space<hbm>>)
        %add3A_934 = arith.constant 4 : i32
        %add3A_935 = arith.addi %add3A_808, %add3A_934 : i32
        %mul3A_936 = arith.constant 256 : i32
        %mul3A_937 = arith.muli %add3A_935, %mul3A_936 : i32
        %add3A_938 = arith.constant 0 : i32
        %add3A_939 = arith.addi %mul3A_937, %add3A_938 : i32
        %get3A_940 = arith.index_cast %add3A_939 : i32 to index
        %get3A_941 = tpu.vector_load %arg5[%get3A_940] {strides = array<i32>} : memref<10240xi32, #tpu.memory_space<vmem>>, vector<16xi32>,
        %get3A_942 = vector.shape_cast %get3A_941 : vector<16xi32> to vector<16xi32>
        %dma_start3A_943 = arith.constant 1 : i32
        %dma_start3A_944 = arith.constant 0 : i32
        %dma_start3A_945 = arith.constant 0 : i32
        %dma_start3A_946 = tpu.memref_slice %arg6[%dma_start3A_943, %dma_start3A_944, %dma_start3A_945] : memref<4x256x64xf32, #tpu.memory_space<vmem>> -> memref<1x16x64xf32, #tpu.memory_space<vmem>>
        %dma_start3A_947 = tpu.memref_squeeze %dma_start3A_946 : memref<1x16x64xf32, #tpu.memory_space<vmem>> -> memref<16x64xf32, #tpu.memory_space<vmem>>
        %dma_start3A_948 = arith.constant 0 : i32
        %dma_start3A_949 = arith.constant 0 : i32
        %dma_start3A_950 = tpu.memref_slice %arg3[%dma_start3A_948, %dma_start3A_949] : memref<1000000x64xf32, #tpu.memory_space<hbm>> -> memref<1000000x64xf32, #tpu.memory_space<hbm>>
        tpu.enqueue_indirect_dma source(%dma_start3A_950 : memref<1000000x64xf32, #tpu.memory_space<hbm>>) target(%dma_start3A_947 : memref<16x64xf32, #tpu.memory_space<vmem>>) offsets(%get3A_942 : vector<16xi32>) semaphore(%arg8 : memref<!tpu.dma_semaphore, #tpu.memory_space<semaphore_mem>>)
        %mul3A_951 = arith.constant 256 : i32
        %mul3A_952 = arith.muli %add3A_935, %mul3A_951 : i32
        %add3A_953 = arith.constant 16 : i32
        %add3A_954 = arith.addi %mul3A_952, %add3A_953 : i32
        %get3A_955 = arith.index_cast %add3A_954 : i32 to index
        %get3A_956 = tpu.vector_load %arg5[%get3A_955] {strides = array<i32>} : memref<10240xi32, #tpu.memory_space<vmem>>, vector<16xi32>,
        %get3A_957 = vector.shape_cast %get3A_956 : vector<16xi32> to vector<16xi32>
        %dma_start3A_958 = arith.constant 1 : i32
        %dma_start3A_959 = arith.constant 16 : i32
        %dma_start3A_960 = arith.constant 0 : i32
        %dma_start3A_961 = tpu.memref_slice %arg6[%dma_start3A_958, %dma_start3A_959, %dma_start3A_960] : memref<4x256x64xf32, #tpu.memory_space<vmem>> -> memref<1x16x64xf32, #tpu.memory_space<vmem>>
        %dma_start3A_962 = tpu.memref_squeeze %dma_start3A_961 : memref<1x16x64xf32, #tpu.memory_space<vmem>> -> memref<16x64xf32, #tpu.memory_space<vmem>>
        %dma_start3A_963 = arith.constant 0 : i32
        %dma_start3A_964 = arith.constant 0 : i32
        %dma_start3A_965 = tpu.memref_slice %arg3[%dma_start3A_963, %dma_start3A_964] : memref<1000000x64xf32, #tpu.memory_space<hbm>> -> memref<1000000x64xf32, #tpu.memory_space<hbm>>
        tpu.enqueue_indirect_dma source(%dma_start3A_965 : memref<1000000x64xf32, #tpu.memory_space<hbm>>) target(%dma_start3A_962 : memref<16x64xf32, #tpu.memory_space<vmem>>) offsets(%get3A_957 : vector<16xi32>) semaphore(%arg8 : memref<!tpu.dma_semaphore, #tpu.memory_space<semaphore_mem>>)
        %mul3A_966 = arith.constant 256 : i32
        %mul3A_967 = arith.muli %add3A_935, %mul3A_966 : i32
        %add3A_968 = arith.constant 32 : i32
        %add3A_969 = arith.addi %mul3A_967, %add3A_968 : i32
        %get3A_970 = arith.index_cast %add3A_969 : i32 to index
        %get3A_971 = tpu.vector_load %arg5[%get3A_970] {strides = array<i32>} : memref<10240xi32, #tpu.memory_space<vmem>>, vector<16xi32>,
        %get3A_972 = vector.shape_cast %get3A_971 : vector<16xi32> to vector<16xi32>
        %dma_start3A_973 = arith.constant 1 : i32
        %dma_start3A_974 = arith.constant 32 : i32
        %dma_start3A_975 = arith.constant 0 : i32
        %dma_start3A_976 = tpu.memref_slice %arg6[%dma_start3A_973, %dma_start3A_974, %dma_start3A_975] : memref<4x256x64xf32, #tpu.memory_space<vmem>> -> memref<1x16x64xf32, #tpu.memory_space<vmem>>
        %dma_start3A_977 = tpu.memref_squeeze %dma_start3A_976 : memref<1x16x64xf32, #tpu.memory_space<vmem>> -> memref<16x64xf32, #tpu.memory_space<vmem>>
        %dma_start3A_978 = arith.constant 0 : i32
        %dma_start3A_979 = arith.constant 0 : i32
        %dma_start3A_980 = tpu.memref_slice %arg3[%dma_start3A_978, %dma_start3A_979] : memref<1000000x64xf32, #tpu.memory_space<hbm>> -> memref<1000000x64xf32, #tpu.memory_space<hbm>>
        tpu.enqueue_indirect_dma source(%dma_start3A_980 : memref<1000000x64xf32, #tpu.memory_space<hbm>>) target(%dma_start3A_977 : memref<16x64xf32, #tpu.memory_space<vmem>>) offsets(%get3A_972 : vector<16xi32>) semaphore(%arg8 : memref<!tpu.dma_semaphore, #tpu.memory_space<semaphore_mem>>)
        %mul3A_981 = arith.constant 256 : i32
        %mul3A_982 = arith.muli %add3A_935, %mul3A_981 : i32
        %add3A_983 = arith.constant 48 : i32
        %add3A_984 = arith.addi %mul3A_982, %add3A_983 : i32
        %get3A_985 = arith.index_cast %add3A_984 : i32 to index
        %get3A_986 = tpu.vector_load %arg5[%get3A_985] {strides = array<i32>} : memref<10240xi32, #tpu.memory_space<vmem>>, vector<16xi32>,
        %get3A_987 = vector.shape_cast %get3A_986 : vector<16xi32> to vector<16xi32>
        %dma_start3A_988 = arith.constant 1 : i32
        %dma_start3A_989 = arith.constant 48 : i32
        %dma_start3A_990 = arith.constant 0 : i32
        %dma_start3A_991 = tpu.memref_slice %arg6[%dma_start3A_988, %dma_start3A_989, %dma_start3A_990] : memref<4x256x64xf32, #tpu.memory_space<vmem>> -> memref<1x16x64xf32, #tpu.memory_space<vmem>>
        %dma_start3A_992 = tpu.memref_squeeze %dma_start3A_991 : memref<1x16x64xf32, #tpu.memory_space<vmem>> -> memref<16x64xf32, #tpu.memory_space<vmem>>
        %dma_start3A_993 = arith.constant 0 : i32
        %dma_start3A_994 = arith.constant 0 : i32
        %dma_start3A_995 = tpu.memref_slice %arg3[%dma_start3A_993, %dma_start3A_994] : memref<1000000x64xf32, #tpu.memory_space<hbm>> -> memref<1000000x64xf32, #tpu.memory_space<hbm>>
        tpu.enqueue_indirect_dma source(%dma_start3A_995 : memref<1000000x64xf32, #tpu.memory_space<hbm>>) target(%dma_start3A_992 : memref<16x64xf32, #tpu.memory_space<vmem>>) offsets(%get3A_987 : vector<16xi32>) semaphore(%arg8 : memref<!tpu.dma_semaphore, #tpu.memory_space<semaphore_mem>>)
        %mul3A_996 = arith.constant 256 : i32
        %mul3A_997 = arith.muli %add3A_935, %mul3A_996 : i32
        %add3A_998 = arith.constant 64 : i32
        %add3A_999 = arith.addi %mul3A_997, %add3A_998 : i32
        %get3A_1000 = arith.index_cast %add3A_999 : i32 to index
        %get3A_1001 = tpu.vector_load %arg5[%get3A_1000] {strides = array<i32>} : memref<10240xi32, #tpu.memory_space<vmem>>, vector<16xi32>,
        %get3A_1002 = vector.shape_cast %get3A_1001 : vector<16xi32> to vector<16xi32>
        %dma_start3A_1003 = arith.constant 1 : i32
        %dma_start3A_1004 = arith.constant 64 : i32
        %dma_start3A_1005 = arith.constant 0 : i32
        %dma_start3A_1006 = tpu.memref_slice %arg6[%dma_start3A_1003, %dma_start3A_1004, %dma_start3A_1005] : memref<4x256x64xf32, #tpu.memory_space<vmem>> -> memref<1x16x64xf32, #tpu.memory_space<vmem>>
        %dma_start3A_1007 = tpu.memref_squeeze %dma_start3A_1006 : memref<1x16x64xf32, #tpu.memory_space<vmem>> -> memref<16x64xf32, #tpu.memory_space<vmem>>
        %dma_start3A_1008 = arith.constant 0 : i32
        %dma_start3A_1009 = arith.constant 0 : i32
        %dma_start3A_1010 = tpu.memref_slice %arg3[%dma_start3A_1008, %dma_start3A_1009] : memref<1000000x64xf32, #tpu.memory_space<hbm>> -> memref<1000000x64xf32, #tpu.memory_space<hbm>>
        tpu.enqueue_indirect_dma source(%dma_start3A_1010 : memref<1000000x64xf32, #tpu.memory_space<hbm>>) target(%dma_start3A_1007 : memref<16x64xf32, #tpu.memory_space<vmem>>) offsets(%get3A_1002 : vector<16xi32>) semaphore(%arg8 : memref<!tpu.dma_semaphore, #tpu.memory_space<semaphore_mem>>)
        %mul3A_1011 = arith.constant 256 : i32
        %mul3A_1012 = arith.muli %add3A_935, %mul3A_1011 : i32
        %add3A_1013 = arith.constant 80 : i32
        %add3A_1014 = arith.addi %mul3A_1012, %add3A_1013 : i32
        %get3A_1015 = arith.index_cast %add3A_1014 : i32 to index
        %get3A_1016 = tpu.vector_load %arg5[%get3A_1015] {strides = array<i32>} : memref<10240xi32, #tpu.memory_space<vmem>>, vector<16xi32>,
        %get3A_1017 = vector.shape_cast %get3A_1016 : vector<16xi32> to vector<16xi32>
        %dma_start3A_1018 = arith.constant 1 : i32
        %dma_start3A_1019 = arith.constant 80 : i32
        %dma_start3A_1020 = arith.constant 0 : i32
        %dma_start3A_1021 = tpu.memref_slice %arg6[%dma_start3A_1018, %dma_start3A_1019, %dma_start3A_1020] : memref<4x256x64xf32, #tpu.memory_space<vmem>> -> memref<1x16x64xf32, #tpu.memory_space<vmem>>
        %dma_start3A_1022 = tpu.memref_squeeze %dma_start3A_1021 : memref<1x16x64xf32, #tpu.memory_space<vmem>> -> memref<16x64xf32, #tpu.memory_space<vmem>>
        %dma_start3A_1023 = arith.constant 0 : i32
        %dma_start3A_1024 = arith.constant 0 : i32
        %dma_start3A_1025 = tpu.memref_slice %arg3[%dma_start3A_1023, %dma_start3A_1024] : memref<1000000x64xf32, #tpu.memory_space<hbm>> -> memref<1000000x64xf32, #tpu.memory_space<hbm>>
        tpu.enqueue_indirect_dma source(%dma_start3A_1025 : memref<1000000x64xf32, #tpu.memory_space<hbm>>) target(%dma_start3A_1022 : memref<16x64xf32, #tpu.memory_space<vmem>>) offsets(%get3A_1017 : vector<16xi32>) semaphore(%arg8 : memref<!tpu.dma_semaphore, #tpu.memory_space<semaphore_mem>>)
        %mul3A_1026 = arith.constant 256 : i32
        %mul3A_1027 = arith.muli %add3A_935, %mul3A_1026 : i32
        %add3A_1028 = arith.constant 96 : i32
        %add3A_1029 = arith.addi %mul3A_1027, %add3A_1028 : i32
        %get3A_1030 = arith.index_cast %add3A_1029 : i32 to index
        %get3A_1031 = tpu.vector_load %arg5[%get3A_1030] {strides = array<i32>} : memref<10240xi32, #tpu.memory_space<vmem>>, vector<16xi32>,
        %get3A_1032 = vector.shape_cast %get3A_1031 : vector<16xi32> to vector<16xi32>
        %dma_start3A_1033 = arith.constant 1 : i32
        %dma_start3A_1034 = arith.constant 96 : i32
        %dma_start3A_1035 = arith.constant 0 : i32
        %dma_start3A_1036 = tpu.memref_slice %arg6[%dma_start3A_1033, %dma_start3A_1034, %dma_start3A_1035] : memref<4x256x64xf32, #tpu.memory_space<vmem>> -> memref<1x16x64xf32, #tpu.memory_space<vmem>>
        %dma_start3A_1037 = tpu.memref_squeeze %dma_start3A_1036 : memref<1x16x64xf32, #tpu.memory_space<vmem>> -> memref<16x64xf32, #tpu.memory_space<vmem>>
        %dma_start3A_1038 = arith.constant 0 : i32
        %dma_start3A_1039 = arith.constant 0 : i32
        %dma_start3A_1040 = tpu.memref_slice %arg3[%dma_start3A_1038, %dma_start3A_1039] : memref<1000000x64xf32, #tpu.memory_space<hbm>> -> memref<1000000x64xf32, #tpu.memory_space<hbm>>
        tpu.enqueue_indirect_dma source(%dma_start3A_1040 : memref<1000000x64xf32, #tpu.memory_space<hbm>>) target(%dma_start3A_1037 : memref<16x64xf32, #tpu.memory_space<vmem>>) offsets(%get3A_1032 : vector<16xi32>) semaphore(%arg8 : memref<!tpu.dma_semaphore, #tpu.memory_space<semaphore_mem>>)
        %mul3A_1041 = arith.constant 256 : i32
        %mul3A_1042 = arith.muli %add3A_935, %mul3A_1041 : i32
        %add3A_1043 = arith.constant 112 : i32
        %add3A_1044 = arith.addi %mul3A_1042, %add3A_1043 : i32
        %get3A_1045 = arith.index_cast %add3A_1044 : i32 to index
        %get3A_1046 = tpu.vector_load %arg5[%get3A_1045] {strides = array<i32>} : memref<10240xi32, #tpu.memory_space<vmem>>, vector<16xi32>,
        %get3A_1047 = vector.shape_cast %get3A_1046 : vector<16xi32> to vector<16xi32>
        %dma_start3A_1048 = arith.constant 1 : i32
        %dma_start3A_1049 = arith.constant 112 : i32
        %dma_start3A_1050 = arith.constant 0 : i32
        %dma_start3A_1051 = tpu.memref_slice %arg6[%dma_start3A_1048, %dma_start3A_1049, %dma_start3A_1050] : memref<4x256x64xf32, #tpu.memory_space<vmem>> -> memref<1x16x64xf32, #tpu.memory_space<vmem>>
        %dma_start3A_1052 = tpu.memref_squeeze %dma_start3A_1051 : memref<1x16x64xf32, #tpu.memory_space<vmem>> -> memref<16x64xf32, #tpu.memory_space<vmem>>
        %dma_start3A_1053 = arith.constant 0 : i32
        %dma_start3A_1054 = arith.constant 0 : i32
        %dma_start3A_1055 = tpu.memref_slice %arg3[%dma_start3A_1053, %dma_start3A_1054] : memref<1000000x64xf32, #tpu.memory_space<hbm>> -> memref<1000000x64xf32, #tpu.memory_space<hbm>>
        tpu.enqueue_indirect_dma source(%dma_start3A_1055 : memref<1000000x64xf32, #tpu.memory_space<hbm>>) target(%dma_start3A_1052 : memref<16x64xf32, #tpu.memory_space<vmem>>) offsets(%get3A_1047 : vector<16xi32>) semaphore(%arg8 : memref<!tpu.dma_semaphore, #tpu.memory_space<semaphore_mem>>)
        %mul3A_1056 = arith.constant 256 : i32
        %mul3A_1057 = arith.muli %add3A_935, %mul3A_1056 : i32
        %add3A_1058 = arith.constant 128 : i32
        %add3A_1059 = arith.addi %mul3A_1057, %add3A_1058 : i32
        %get3A_1060 = arith.index_cast %add3A_1059 : i32 to index
        %get3A_1061 = tpu.vector_load %arg5[%get3A_1060] {strides = array<i32>} : memref<10240xi32, #tpu.memory_space<vmem>>, vector<16xi32>,
        %get3A_1062 = vector.shape_cast %get3A_1061 : vector<16xi32> to vector<16xi32>
        %dma_start3A_1063 = arith.constant 1 : i32
        %dma_start3A_1064 = arith.constant 128 : i32
        %dma_start3A_1065 = arith.constant 0 : i32
        %dma_start3A_1066 = tpu.memref_slice %arg6[%dma_start3A_1063, %dma_start3A_1064, %dma_start3A_1065] : memref<4x256x64xf32, #tpu.memory_space<vmem>> -> memref<1x16x64xf32, #tpu.memory_space<vmem>>
        %dma_start3A_1067 = tpu.memref_squeeze %dma_start3A_1066 : memref<1x16x64xf32, #tpu.memory_space<vmem>> -> memref<16x64xf32, #tpu.memory_space<vmem>>
        %dma_start3A_1068 = arith.constant 0 : i32
        %dma_start3A_1069 = arith.constant 0 : i32
        %dma_start3A_1070 = tpu.memref_slice %arg3[%dma_start3A_1068, %dma_start3A_1069] : memref<1000000x64xf32, #tpu.memory_space<hbm>> -> memref<1000000x64xf32, #tpu.memory_space<hbm>>
        tpu.enqueue_indirect_dma source(%dma_start3A_1070 : memref<1000000x64xf32, #tpu.memory_space<hbm>>) target(%dma_start3A_1067 : memref<16x64xf32, #tpu.memory_space<vmem>>) offsets(%get3A_1062 : vector<16xi32>) semaphore(%arg8 : memref<!tpu.dma_semaphore, #tpu.memory_space<semaphore_mem>>)
        %mul3A_1071 = arith.constant 256 : i32
        %mul3A_1072 = arith.muli %add3A_935, %mul3A_1071 : i32
        %add3A_1073 = arith.constant 144 : i32
        %add3A_1074 = arith.addi %mul3A_1072, %add3A_1073 : i32
        %get3A_1075 = arith.index_cast %add3A_1074 : i32 to index
        %get3A_1076 = tpu.vector_load %arg5[%get3A_1075] {strides = array<i32>} : memref<10240xi32, #tpu.memory_space<vmem>>, vector<16xi32>,
        %get3A_1077 = vector.shape_cast %get3A_1076 : vector<16xi32> to vector<16xi32>
        %dma_start3A_1078 = arith.constant 1 : i32
        %dma_start3A_1079 = arith.constant 144 : i32
        %dma_start3A_1080 = arith.constant 0 : i32
        %dma_start3A_1081 = tpu.memref_slice %arg6[%dma_start3A_1078, %dma_start3A_1079, %dma_start3A_1080] : memref<4x256x64xf32, #tpu.memory_space<vmem>> -> memref<1x16x64xf32, #tpu.memory_space<vmem>>
        %dma_start3A_1082 = tpu.memref_squeeze %dma_start3A_1081 : memref<1x16x64xf32, #tpu.memory_space<vmem>> -> memref<16x64xf32, #tpu.memory_space<vmem>>
        %dma_start3A_1083 = arith.constant 0 : i32
        %dma_start3A_1084 = arith.constant 0 : i32
        %dma_start3A_1085 = tpu.memref_slice %arg3[%dma_start3A_1083, %dma_start3A_1084] : memref<1000000x64xf32, #tpu.memory_space<hbm>> -> memref<1000000x64xf32, #tpu.memory_space<hbm>>
        tpu.enqueue_indirect_dma source(%dma_start3A_1085 : memref<1000000x64xf32, #tpu.memory_space<hbm>>) target(%dma_start3A_1082 : memref<16x64xf32, #tpu.memory_space<vmem>>) offsets(%get3A_1077 : vector<16xi32>) semaphore(%arg8 : memref<!tpu.dma_semaphore, #tpu.memory_space<semaphore_mem>>)
        %mul3A_1086 = arith.constant 256 : i32
        %mul3A_1087 = arith.muli %add3A_935, %mul3A_1086 : i32
        %add3A_1088 = arith.constant 160 : i32
        %add3A_1089 = arith.addi %mul3A_1087, %add3A_1088 : i32
        %get3A_1090 = arith.index_cast %add3A_1089 : i32 to index
        %get3A_1091 = tpu.vector_load %arg5[%get3A_1090] {strides = array<i32>} : memref<10240xi32, #tpu.memory_space<vmem>>, vector<16xi32>,
        %get3A_1092 = vector.shape_cast %get3A_1091 : vector<16xi32> to vector<16xi32>
        %dma_start3A_1093 = arith.constant 1 : i32
        %dma_start3A_1094 = arith.constant 160 : i32
        %dma_start3A_1095 = arith.constant 0 : i32
        %dma_start3A_1096 = tpu.memref_slice %arg6[%dma_start3A_1093, %dma_start3A_1094, %dma_start3A_1095] : memref<4x256x64xf32, #tpu.memory_space<vmem>> -> memref<1x16x64xf32, #tpu.memory_space<vmem>>
        %dma_start3A_1097 = tpu.memref_squeeze %dma_start3A_1096 : memref<1x16x64xf32, #tpu.memory_space<vmem>> -> memref<16x64xf32, #tpu.memory_space<vmem>>
        %dma_start3A_1098 = arith.constant 0 : i32
        %dma_start3A_1099 = arith.constant 0 : i32
        %dma_start3A_1100 = tpu.memref_slice %arg3[%dma_start3A_1098, %dma_start3A_1099] : memref<1000000x64xf32, #tpu.memory_space<hbm>> -> memref<1000000x64xf32, #tpu.memory_space<hbm>>
        tpu.enqueue_indirect_dma source(%dma_start3A_1100 : memref<1000000x64xf32, #tpu.memory_space<hbm>>) target(%dma_start3A_1097 : memref<16x64xf32, #tpu.memory_space<vmem>>) offsets(%get3A_1092 : vector<16xi32>) semaphore(%arg8 : memref<!tpu.dma_semaphore, #tpu.memory_space<semaphore_mem>>)
        %mul3A_1101 = arith.constant 256 : i32
        %mul3A_1102 = arith.muli %add3A_935, %mul3A_1101 : i32
        %add3A_1103 = arith.constant 176 : i32
        %add3A_1104 = arith.addi %mul3A_1102, %add3A_1103 : i32
        %get3A_1105 = arith.index_cast %add3A_1104 : i32 to index
        %get3A_1106 = tpu.vector_load %arg5[%get3A_1105] {strides = array<i32>} : memref<10240xi32, #tpu.memory_space<vmem>>, vector<16xi32>,
        %get3A_1107 = vector.shape_cast %get3A_1106 : vector<16xi32> to vector<16xi32>
        %dma_start3A_1108 = arith.constant 1 : i32
        %dma_start3A_1109 = arith.constant 176 : i32
        %dma_start3A_1110 = arith.constant 0 : i32
        %dma_start3A_1111 = tpu.memref_slice %arg6[%dma_start3A_1108, %dma_start3A_1109, %dma_start3A_1110] : memref<4x256x64xf32, #tpu.memory_space<vmem>> -> memref<1x16x64xf32, #tpu.memory_space<vmem>>
        %dma_start3A_1112 = tpu.memref_squeeze %dma_start3A_1111 : memref<1x16x64xf32, #tpu.memory_space<vmem>> -> memref<16x64xf32, #tpu.memory_space<vmem>>
        %dma_start3A_1113 = arith.constant 0 : i32
        %dma_start3A_1114 = arith.constant 0 : i32
        %dma_start3A_1115 = tpu.memref_slice %arg3[%dma_start3A_1113, %dma_start3A_1114] : memref<1000000x64xf32, #tpu.memory_space<hbm>> -> memref<1000000x64xf32, #tpu.memory_space<hbm>>
        tpu.enqueue_indirect_dma source(%dma_start3A_1115 : memref<1000000x64xf32, #tpu.memory_space<hbm>>) target(%dma_start3A_1112 : memref<16x64xf32, #tpu.memory_space<vmem>>) offsets(%get3A_1107 : vector<16xi32>) semaphore(%arg8 : memref<!tpu.dma_semaphore, #tpu.memory_space<semaphore_mem>>)
        %mul3A_1116 = arith.constant 256 : i32
        %mul3A_1117 = arith.muli %add3A_935, %mul3A_1116 : i32
        %add3A_1118 = arith.constant 192 : i32
        %add3A_1119 = arith.addi %mul3A_1117, %add3A_1118 : i32
        %get3A_1120 = arith.index_cast %add3A_1119 : i32 to index
        %get3A_1121 = tpu.vector_load %arg5[%get3A_1120] {strides = array<i32>} : memref<10240xi32, #tpu.memory_space<vmem>>, vector<16xi32>,
        %get3A_1122 = vector.shape_cast %get3A_1121 : vector<16xi32> to vector<16xi32>
        %dma_start3A_1123 = arith.constant 1 : i32
        %dma_start3A_1124 = arith.constant 192 : i32
        %dma_start3A_1125 = arith.constant 0 : i32
        %dma_start3A_1126 = tpu.memref_slice %arg6[%dma_start3A_1123, %dma_start3A_1124, %dma_start3A_1125] : memref<4x256x64xf32, #tpu.memory_space<vmem>> -> memref<1x16x64xf32, #tpu.memory_space<vmem>>
        %dma_start3A_1127 = tpu.memref_squeeze %dma_start3A_1126 : memref<1x16x64xf32, #tpu.memory_space<vmem>> -> memref<16x64xf32, #tpu.memory_space<vmem>>
        %dma_start3A_1128 = arith.constant 0 : i32
        %dma_start3A_1129 = arith.constant 0 : i32
        %dma_start3A_1130 = tpu.memref_slice %arg3[%dma_start3A_1128, %dma_start3A_1129] : memref<1000000x64xf32, #tpu.memory_space<hbm>> -> memref<1000000x64xf32, #tpu.memory_space<hbm>>
        tpu.enqueue_indirect_dma source(%dma_start3A_1130 : memref<1000000x64xf32, #tpu.memory_space<hbm>>) target(%dma_start3A_1127 : memref<16x64xf32, #tpu.memory_space<vmem>>) offsets(%get3A_1122 : vector<16xi32>) semaphore(%arg8 : memref<!tpu.dma_semaphore, #tpu.memory_space<semaphore_mem>>)
        %mul3A_1131 = arith.constant 256 : i32
        %mul3A_1132 = arith.muli %add3A_935, %mul3A_1131 : i32
        %add3A_1133 = arith.constant 208 : i32
        %add3A_1134 = arith.addi %mul3A_1132, %add3A_1133 : i32
        %get3A_1135 = arith.index_cast %add3A_1134 : i32 to index
        %get3A_1136 = tpu.vector_load %arg5[%get3A_1135] {strides = array<i32>} : memref<10240xi32, #tpu.memory_space<vmem>>, vector<16xi32>,
        %get3A_1137 = vector.shape_cast %get3A_1136 : vector<16xi32> to vector<16xi32>
        %dma_start3A_1138 = arith.constant 1 : i32
        %dma_start3A_1139 = arith.constant 208 : i32
        %dma_start3A_1140 = arith.constant 0 : i32
        %dma_start3A_1141 = tpu.memref_slice %arg6[%dma_start3A_1138, %dma_start3A_1139, %dma_start3A_1140] : memref<4x256x64xf32, #tpu.memory_space<vmem>> -> memref<1x16x64xf32, #tpu.memory_space<vmem>>
        %dma_start3A_1142 = tpu.memref_squeeze %dma_start3A_1141 : memref<1x16x64xf32, #tpu.memory_space<vmem>> -> memref<16x64xf32, #tpu.memory_space<vmem>>
        %dma_start3A_1143 = arith.constant 0 : i32
        %dma_start3A_1144 = arith.constant 0 : i32
        %dma_start3A_1145 = tpu.memref_slice %arg3[%dma_start3A_1143, %dma_start3A_1144] : memref<1000000x64xf32, #tpu.memory_space<hbm>> -> memref<1000000x64xf32, #tpu.memory_space<hbm>>
        tpu.enqueue_indirect_dma source(%dma_start3A_1145 : memref<1000000x64xf32, #tpu.memory_space<hbm>>) target(%dma_start3A_1142 : memref<16x64xf32, #tpu.memory_space<vmem>>) offsets(%get3A_1137 : vector<16xi32>) semaphore(%arg8 : memref<!tpu.dma_semaphore, #tpu.memory_space<semaphore_mem>>)
        %mul3A_1146 = arith.constant 256 : i32
        %mul3A_1147 = arith.muli %add3A_935, %mul3A_1146 : i32
        %add3A_1148 = arith.constant 224 : i32
        %add3A_1149 = arith.addi %mul3A_1147, %add3A_1148 : i32
        %get3A_1150 = arith.index_cast %add3A_1149 : i32 to index
        %get3A_1151 = tpu.vector_load %arg5[%get3A_1150] {strides = array<i32>} : memref<10240xi32, #tpu.memory_space<vmem>>, vector<16xi32>,
        %get3A_1152 = vector.shape_cast %get3A_1151 : vector<16xi32> to vector<16xi32>
        %dma_start3A_1153 = arith.constant 1 : i32
        %dma_start3A_1154 = arith.constant 224 : i32
        %dma_start3A_1155 = arith.constant 0 : i32
        %dma_start3A_1156 = tpu.memref_slice %arg6[%dma_start3A_1153, %dma_start3A_1154, %dma_start3A_1155] : memref<4x256x64xf32, #tpu.memory_space<vmem>> -> memref<1x16x64xf32, #tpu.memory_space<vmem>>
        %dma_start3A_1157 = tpu.memref_squeeze %dma_start3A_1156 : memref<1x16x64xf32, #tpu.memory_space<vmem>> -> memref<16x64xf32, #tpu.memory_space<vmem>>
        %dma_start3A_1158 = arith.constant 0 : i32
        %dma_start3A_1159 = arith.constant 0 : i32
        %dma_start3A_1160 = tpu.memref_slice %arg3[%dma_start3A_1158, %dma_start3A_1159] : memref<1000000x64xf32, #tpu.memory_space<hbm>> -> memref<1000000x64xf32, #tpu.memory_space<hbm>>
        tpu.enqueue_indirect_dma source(%dma_start3A_1160 : memref<1000000x64xf32, #tpu.memory_space<hbm>>) target(%dma_start3A_1157 : memref<16x64xf32, #tpu.memory_space<vmem>>) offsets(%get3A_1152 : vector<16xi32>) semaphore(%arg8 : memref<!tpu.dma_semaphore, #tpu.memory_space<semaphore_mem>>)
        %mul3A_1161 = arith.constant 256 : i32
        %mul3A_1162 = arith.muli %add3A_935, %mul3A_1161 : i32
        %add3A_1163 = arith.constant 240 : i32
        %add3A_1164 = arith.addi %mul3A_1162, %add3A_1163 : i32
        %get3A_1165 = arith.index_cast %add3A_1164 : i32 to index
        %get3A_1166 = tpu.vector_load %arg5[%get3A_1165] {strides = array<i32>} : memref<10240xi32, #tpu.memory_space<vmem>>, vector<16xi32>,
        %get3A_1167 = vector.shape_cast %get3A_1166 : vector<16xi32> to vector<16xi32>
        %dma_start3A_1168 = arith.constant 1 : i32
        %dma_start3A_1169 = arith.constant 240 : i32
        %dma_start3A_1170 = arith.constant 0 : i32
        %dma_start3A_1171 = tpu.memref_slice %arg6[%dma_start3A_1168, %dma_start3A_1169, %dma_start3A_1170] : memref<4x256x64xf32, #tpu.memory_space<vmem>> -> memref<1x16x64xf32, #tpu.memory_space<vmem>>
        %dma_start3A_1172 = tpu.memref_squeeze %dma_start3A_1171 : memref<1x16x64xf32, #tpu.memory_space<vmem>> -> memref<16x64xf32, #tpu.memory_space<vmem>>
        %dma_start3A_1173 = arith.constant 0 : i32
        %dma_start3A_1174 = arith.constant 0 : i32
        %dma_start3A_1175 = tpu.memref_slice %arg3[%dma_start3A_1173, %dma_start3A_1174] : memref<1000000x64xf32, #tpu.memory_space<hbm>> -> memref<1000000x64xf32, #tpu.memory_space<hbm>>
        tpu.enqueue_indirect_dma source(%dma_start3A_1175 : memref<1000000x64xf32, #tpu.memory_space<hbm>>) target(%dma_start3A_1172 : memref<16x64xf32, #tpu.memory_space<vmem>>) offsets(%get3A_1167 : vector<16xi32>) semaphore(%arg8 : memref<!tpu.dma_semaphore, #tpu.memory_space<semaphore_mem>>)
      } else {
      }
      %add3A_845 = arith.constant 2 : i32
      %add3A_846 = arith.addi %mul3A_771, %add3A_845 : i32
      %mul3A_847 = arith.constant 256 : i32
      %mul3A_848 = arith.muli %add3A_846, %mul3A_847 : i32
      %get3A_849 = arith.index_cast %mul3A_848 : i32 to index
      %get3A_850 = tpu.vector_load %arg5[%get3A_849] {strides = array<i32>} : memref<10240xi32, #tpu.memory_space<vmem>>, vector<256xi32>,
      %get3A_851 = vector.shape_cast %get3A_850 : vector<256xi32> to vector<256xi32>
      %dma_wait3A_852 = arith.constant 2 : i32
      %dma_wait3A_853 = arith.constant 0 : i32
      %dma_wait3A_854 = arith.constant 0 : i32
      %dma_wait3A_855 = tpu.memref_slice %arg6[%dma_wait3A_852, %dma_wait3A_853, %dma_wait3A_854] : memref<4x256x64xf32, #tpu.memory_space<vmem>> -> memref<1x256x64xf32, #tpu.memory_space<vmem>>
      %dma_wait3A_856 = tpu.memref_squeeze %dma_wait3A_855 : memref<1x256x64xf32, #tpu.memory_space<vmem>> -> memref<256x64xf32, #tpu.memory_space<vmem>>
      %dma_wait3A_857 = arith.constant 0 : i32
      %dma_wait3A_858 = arith.constant 0 : i32
      %dma_wait3A_859 = tpu.memref_slice %arg3[%dma_wait3A_857, %dma_wait3A_858] : memref<1000000x64xf32, #tpu.memory_space<hbm>> -> memref<1000000x64xf32, #tpu.memory_space<hbm>>
      tpu.wait_indirect_dma semaphore(%arg9 : memref<!tpu.dma_semaphore, #tpu.memory_space<semaphore_mem>>) src(%dma_wait3A_859 : memref<1000000x64xf32, #tpu.memory_space<hbm>>) dst(%dma_wait3A_856 : memref<256x64xf32, #tpu.memory_space<vmem>>)
      %mul3A_860 = arith.constant 256 : i32
      %mul3A_861 = arith.muli %add3A_846, %mul3A_860 : i32
      %add3A_862 = arith.addi %mul3A_2, %mul3A_861 : i32
      %dma_start3A_863 = arith.constant 2 : i32
      %dma_start3A_864 = arith.constant 0 : i32
      %dma_start3A_865 = arith.constant 0 : i32
      %dma_start3A_866 = tpu.memref_slice %arg6[%dma_start3A_863, %dma_start3A_864, %dma_start3A_865] : memref<4x256x64xf32, #tpu.memory_space<vmem>> -> memref<1x256x64xf32, #tpu.memory_space<vmem>>
      %dma_start3A_867 = tpu.memref_squeeze %dma_start3A_866 : memref<1x256x64xf32, #tpu.memory_space<vmem>> -> memref<256x64xf32, #tpu.memory_space<vmem>>
      %dma_start3A_868 = arith.constant 0 : i32
      %dma_start3A_869 = tpu.memref_slice %arg4[%add3A_862, %dma_start3A_868] : memref<327680x64xf32, #tpu.memory_space<hbm>> -> memref<256x64xf32, #tpu.memory_space<hbm>>
      %dma_start3A_870 = arith.constant 0 : i32
      %dma_start3A_871 = tpu.memref_slice %arg4[%add3A_862, %dma_start3A_870] : memref<327680x64xf32, #tpu.memory_space<hbm>> -> memref<256x64xf32, #tpu.memory_space<hbm>>
      %dma_start3A_872 = arith.constant 0 : i32
      %dma_start3A_873 = arith.constant 0 : i32
      %dma_start3A_874 = tpu.memref_slice %arg6[%dma_start3A_863, %dma_start3A_872, %dma_start3A_873] : memref<4x256x64xf32, #tpu.memory_space<vmem>> -> memref<1x256x64xf32, #tpu.memory_space<vmem>>
      %dma_start3A_875 = tpu.memref_squeeze %dma_start3A_874 : memref<1x256x64xf32, #tpu.memory_space<vmem>> -> memref<256x64xf32, #tpu.memory_space<vmem>>
      tpu.enqueue_dma source(%dma_start3A_875 : memref<256x64xf32, #tpu.memory_space<vmem>>) target(%dma_start3A_871 : memref<256x64xf32, #tpu.memory_space<hbm>>) target_semaphore(%arg13 : memref<!tpu.dma_semaphore, #tpu.memory_space<semaphore_mem>>)
      %add3A_876 = arith.constant 4 : i32
      %add3A_877 = arith.addi %add3A_846, %add3A_876 : i32
      %lt3A_878 = arith.constant 40 : i32
      %lt3A_879 = arith.cmpi slt, %add3A_877, %lt3A_878 : i32
      %convert_element_type3A_880 = arith.extui %lt3A_879 : i1 to i32
      %cond3A_881 = arith.constant 0 : i32
      %cond3A_882 = arith.cmpi ne, %convert_element_type3A_880, %cond3A_881 : i32
      scf.if %cond3A_882 {
        %dma_wait3A_921 = arith.constant 2 : i32
        %dma_wait3A_922 = arith.constant 0 : i32
        %dma_wait3A_923 = arith.constant 0 : i32
        %dma_wait3A_924 = tpu.memref_slice %arg6[%dma_wait3A_921, %dma_wait3A_922, %dma_wait3A_923] : memref<4x256x64xf32, #tpu.memory_space<vmem>> -> memref<1x256x64xf32, #tpu.memory_space<vmem>>
        %dma_wait3A_925 = tpu.memref_squeeze %dma_wait3A_924 : memref<1x256x64xf32, #tpu.memory_space<vmem>> -> memref<256x64xf32, #tpu.memory_space<vmem>>
        %dma_wait3A_926 = arith.constant 0 : i32
        %dma_wait3A_927 = tpu.memref_slice %arg4[%add3A_862, %dma_wait3A_926] : memref<327680x64xf32, #tpu.memory_space<hbm>> -> memref<256x64xf32, #tpu.memory_space<hbm>>
        %dma_wait3A_928 = arith.constant 0 : i32
        %dma_wait3A_929 = tpu.memref_slice %arg4[%add3A_862, %dma_wait3A_928] : memref<327680x64xf32, #tpu.memory_space<hbm>> -> memref<256x64xf32, #tpu.memory_space<hbm>>
        %dma_wait3A_930 = arith.constant 0 : i32
        %dma_wait3A_931 = arith.constant 0 : i32
        %dma_wait3A_932 = tpu.memref_slice %arg6[%dma_wait3A_921, %dma_wait3A_930, %dma_wait3A_931] : memref<4x256x64xf32, #tpu.memory_space<vmem>> -> memref<1x256x64xf32, #tpu.memory_space<vmem>>
        %dma_wait3A_933 = tpu.memref_squeeze %dma_wait3A_932 : memref<1x256x64xf32, #tpu.memory_space<vmem>> -> memref<256x64xf32, #tpu.memory_space<vmem>>
        tpu.wait_dma2 semaphore(%arg13 : memref<!tpu.dma_semaphore, #tpu.memory_space<semaphore_mem>>) src(%dma_wait3A_933 : memref<256x64xf32, #tpu.memory_space<vmem>>) dst(%dma_wait3A_929 : memref<256x64xf32, #tpu.memory_space<hbm>>)
        %add3A_934 = arith.constant 4 : i32
        %add3A_935 = arith.addi %add3A_846, %add3A_934 : i32
        %mul3A_936 = arith.constant 256 : i32
        %mul3A_937 = arith.muli %add3A_935, %mul3A_936 : i32
        %add3A_938 = arith.constant 0 : i32
        %add3A_939 = arith.addi %mul3A_937, %add3A_938 : i32
        %get3A_940 = arith.index_cast %add3A_939 : i32 to index
        %get3A_941 = tpu.vector_load %arg5[%get3A_940] {strides = array<i32>} : memref<10240xi32, #tpu.memory_space<vmem>>, vector<16xi32>,
        %get3A_942 = vector.shape_cast %get3A_941 : vector<16xi32> to vector<16xi32>
        %dma_start3A_943 = arith.constant 2 : i32
        %dma_start3A_944 = arith.constant 0 : i32
        %dma_start3A_945 = arith.constant 0 : i32
        %dma_start3A_946 = tpu.memref_slice %arg6[%dma_start3A_943, %dma_start3A_944, %dma_start3A_945] : memref<4x256x64xf32, #tpu.memory_space<vmem>> -> memref<1x16x64xf32, #tpu.memory_space<vmem>>
        %dma_start3A_947 = tpu.memref_squeeze %dma_start3A_946 : memref<1x16x64xf32, #tpu.memory_space<vmem>> -> memref<16x64xf32, #tpu.memory_space<vmem>>
        %dma_start3A_948 = arith.constant 0 : i32
        %dma_start3A_949 = arith.constant 0 : i32
        %dma_start3A_950 = tpu.memref_slice %arg3[%dma_start3A_948, %dma_start3A_949] : memref<1000000x64xf32, #tpu.memory_space<hbm>> -> memref<1000000x64xf32, #tpu.memory_space<hbm>>
        tpu.enqueue_indirect_dma source(%dma_start3A_950 : memref<1000000x64xf32, #tpu.memory_space<hbm>>) target(%dma_start3A_947 : memref<16x64xf32, #tpu.memory_space<vmem>>) offsets(%get3A_942 : vector<16xi32>) semaphore(%arg9 : memref<!tpu.dma_semaphore, #tpu.memory_space<semaphore_mem>>)
        %mul3A_951 = arith.constant 256 : i32
        %mul3A_952 = arith.muli %add3A_935, %mul3A_951 : i32
        %add3A_953 = arith.constant 16 : i32
        %add3A_954 = arith.addi %mul3A_952, %add3A_953 : i32
        %get3A_955 = arith.index_cast %add3A_954 : i32 to index
        %get3A_956 = tpu.vector_load %arg5[%get3A_955] {strides = array<i32>} : memref<10240xi32, #tpu.memory_space<vmem>>, vector<16xi32>,
        %get3A_957 = vector.shape_cast %get3A_956 : vector<16xi32> to vector<16xi32>
        %dma_start3A_958 = arith.constant 2 : i32
        %dma_start3A_959 = arith.constant 16 : i32
        %dma_start3A_960 = arith.constant 0 : i32
        %dma_start3A_961 = tpu.memref_slice %arg6[%dma_start3A_958, %dma_start3A_959, %dma_start3A_960] : memref<4x256x64xf32, #tpu.memory_space<vmem>> -> memref<1x16x64xf32, #tpu.memory_space<vmem>>
        %dma_start3A_962 = tpu.memref_squeeze %dma_start3A_961 : memref<1x16x64xf32, #tpu.memory_space<vmem>> -> memref<16x64xf32, #tpu.memory_space<vmem>>
        %dma_start3A_963 = arith.constant 0 : i32
        %dma_start3A_964 = arith.constant 0 : i32
        %dma_start3A_965 = tpu.memref_slice %arg3[%dma_start3A_963, %dma_start3A_964] : memref<1000000x64xf32, #tpu.memory_space<hbm>> -> memref<1000000x64xf32, #tpu.memory_space<hbm>>
        tpu.enqueue_indirect_dma source(%dma_start3A_965 : memref<1000000x64xf32, #tpu.memory_space<hbm>>) target(%dma_start3A_962 : memref<16x64xf32, #tpu.memory_space<vmem>>) offsets(%get3A_957 : vector<16xi32>) semaphore(%arg9 : memref<!tpu.dma_semaphore, #tpu.memory_space<semaphore_mem>>)
        %mul3A_966 = arith.constant 256 : i32
        %mul3A_967 = arith.muli %add3A_935, %mul3A_966 : i32
        %add3A_968 = arith.constant 32 : i32
        %add3A_969 = arith.addi %mul3A_967, %add3A_968 : i32
        %get3A_970 = arith.index_cast %add3A_969 : i32 to index
        %get3A_971 = tpu.vector_load %arg5[%get3A_970] {strides = array<i32>} : memref<10240xi32, #tpu.memory_space<vmem>>, vector<16xi32>,
        %get3A_972 = vector.shape_cast %get3A_971 : vector<16xi32> to vector<16xi32>
        %dma_start3A_973 = arith.constant 2 : i32
        %dma_start3A_974 = arith.constant 32 : i32
        %dma_start3A_975 = arith.constant 0 : i32
        %dma_start3A_976 = tpu.memref_slice %arg6[%dma_start3A_973, %dma_start3A_974, %dma_start3A_975] : memref<4x256x64xf32, #tpu.memory_space<vmem>> -> memref<1x16x64xf32, #tpu.memory_space<vmem>>
        %dma_start3A_977 = tpu.memref_squeeze %dma_start3A_976 : memref<1x16x64xf32, #tpu.memory_space<vmem>> -> memref<16x64xf32, #tpu.memory_space<vmem>>
        %dma_start3A_978 = arith.constant 0 : i32
        %dma_start3A_979 = arith.constant 0 : i32
        %dma_start3A_980 = tpu.memref_slice %arg3[%dma_start3A_978, %dma_start3A_979] : memref<1000000x64xf32, #tpu.memory_space<hbm>> -> memref<1000000x64xf32, #tpu.memory_space<hbm>>
        tpu.enqueue_indirect_dma source(%dma_start3A_980 : memref<1000000x64xf32, #tpu.memory_space<hbm>>) target(%dma_start3A_977 : memref<16x64xf32, #tpu.memory_space<vmem>>) offsets(%get3A_972 : vector<16xi32>) semaphore(%arg9 : memref<!tpu.dma_semaphore, #tpu.memory_space<semaphore_mem>>)
        %mul3A_981 = arith.constant 256 : i32
        %mul3A_982 = arith.muli %add3A_935, %mul3A_981 : i32
        %add3A_983 = arith.constant 48 : i32
        %add3A_984 = arith.addi %mul3A_982, %add3A_983 : i32
        %get3A_985 = arith.index_cast %add3A_984 : i32 to index
        %get3A_986 = tpu.vector_load %arg5[%get3A_985] {strides = array<i32>} : memref<10240xi32, #tpu.memory_space<vmem>>, vector<16xi32>,
        %get3A_987 = vector.shape_cast %get3A_986 : vector<16xi32> to vector<16xi32>
        %dma_start3A_988 = arith.constant 2 : i32
        %dma_start3A_989 = arith.constant 48 : i32
        %dma_start3A_990 = arith.constant 0 : i32
        %dma_start3A_991 = tpu.memref_slice %arg6[%dma_start3A_988, %dma_start3A_989, %dma_start3A_990] : memref<4x256x64xf32, #tpu.memory_space<vmem>> -> memref<1x16x64xf32, #tpu.memory_space<vmem>>
        %dma_start3A_992 = tpu.memref_squeeze %dma_start3A_991 : memref<1x16x64xf32, #tpu.memory_space<vmem>> -> memref<16x64xf32, #tpu.memory_space<vmem>>
        %dma_start3A_993 = arith.constant 0 : i32
        %dma_start3A_994 = arith.constant 0 : i32
        %dma_start3A_995 = tpu.memref_slice %arg3[%dma_start3A_993, %dma_start3A_994] : memref<1000000x64xf32, #tpu.memory_space<hbm>> -> memref<1000000x64xf32, #tpu.memory_space<hbm>>
        tpu.enqueue_indirect_dma source(%dma_start3A_995 : memref<1000000x64xf32, #tpu.memory_space<hbm>>) target(%dma_start3A_992 : memref<16x64xf32, #tpu.memory_space<vmem>>) offsets(%get3A_987 : vector<16xi32>) semaphore(%arg9 : memref<!tpu.dma_semaphore, #tpu.memory_space<semaphore_mem>>)
        %mul3A_996 = arith.constant 256 : i32
        %mul3A_997 = arith.muli %add3A_935, %mul3A_996 : i32
        %add3A_998 = arith.constant 64 : i32
        %add3A_999 = arith.addi %mul3A_997, %add3A_998 : i32
        %get3A_1000 = arith.index_cast %add3A_999 : i32 to index
        %get3A_1001 = tpu.vector_load %arg5[%get3A_1000] {strides = array<i32>} : memref<10240xi32, #tpu.memory_space<vmem>>, vector<16xi32>,
        %get3A_1002 = vector.shape_cast %get3A_1001 : vector<16xi32> to vector<16xi32>
        %dma_start3A_1003 = arith.constant 2 : i32
        %dma_start3A_1004 = arith.constant 64 : i32
        %dma_start3A_1005 = arith.constant 0 : i32
        %dma_start3A_1006 = tpu.memref_slice %arg6[%dma_start3A_1003, %dma_start3A_1004, %dma_start3A_1005] : memref<4x256x64xf32, #tpu.memory_space<vmem>> -> memref<1x16x64xf32, #tpu.memory_space<vmem>>
        %dma_start3A_1007 = tpu.memref_squeeze %dma_start3A_1006 : memref<1x16x64xf32, #tpu.memory_space<vmem>> -> memref<16x64xf32, #tpu.memory_space<vmem>>
        %dma_start3A_1008 = arith.constant 0 : i32
        %dma_start3A_1009 = arith.constant 0 : i32
        %dma_start3A_1010 = tpu.memref_slice %arg3[%dma_start3A_1008, %dma_start3A_1009] : memref<1000000x64xf32, #tpu.memory_space<hbm>> -> memref<1000000x64xf32, #tpu.memory_space<hbm>>
        tpu.enqueue_indirect_dma source(%dma_start3A_1010 : memref<1000000x64xf32, #tpu.memory_space<hbm>>) target(%dma_start3A_1007 : memref<16x64xf32, #tpu.memory_space<vmem>>) offsets(%get3A_1002 : vector<16xi32>) semaphore(%arg9 : memref<!tpu.dma_semaphore, #tpu.memory_space<semaphore_mem>>)
        %mul3A_1011 = arith.constant 256 : i32
        %mul3A_1012 = arith.muli %add3A_935, %mul3A_1011 : i32
        %add3A_1013 = arith.constant 80 : i32
        %add3A_1014 = arith.addi %mul3A_1012, %add3A_1013 : i32
        %get3A_1015 = arith.index_cast %add3A_1014 : i32 to index
        %get3A_1016 = tpu.vector_load %arg5[%get3A_1015] {strides = array<i32>} : memref<10240xi32, #tpu.memory_space<vmem>>, vector<16xi32>,
        %get3A_1017 = vector.shape_cast %get3A_1016 : vector<16xi32> to vector<16xi32>
        %dma_start3A_1018 = arith.constant 2 : i32
        %dma_start3A_1019 = arith.constant 80 : i32
        %dma_start3A_1020 = arith.constant 0 : i32
        %dma_start3A_1021 = tpu.memref_slice %arg6[%dma_start3A_1018, %dma_start3A_1019, %dma_start3A_1020] : memref<4x256x64xf32, #tpu.memory_space<vmem>> -> memref<1x16x64xf32, #tpu.memory_space<vmem>>
        %dma_start3A_1022 = tpu.memref_squeeze %dma_start3A_1021 : memref<1x16x64xf32, #tpu.memory_space<vmem>> -> memref<16x64xf32, #tpu.memory_space<vmem>>
        %dma_start3A_1023 = arith.constant 0 : i32
        %dma_start3A_1024 = arith.constant 0 : i32
        %dma_start3A_1025 = tpu.memref_slice %arg3[%dma_start3A_1023, %dma_start3A_1024] : memref<1000000x64xf32, #tpu.memory_space<hbm>> -> memref<1000000x64xf32, #tpu.memory_space<hbm>>
        tpu.enqueue_indirect_dma source(%dma_start3A_1025 : memref<1000000x64xf32, #tpu.memory_space<hbm>>) target(%dma_start3A_1022 : memref<16x64xf32, #tpu.memory_space<vmem>>) offsets(%get3A_1017 : vector<16xi32>) semaphore(%arg9 : memref<!tpu.dma_semaphore, #tpu.memory_space<semaphore_mem>>)
        %mul3A_1026 = arith.constant 256 : i32
        %mul3A_1027 = arith.muli %add3A_935, %mul3A_1026 : i32
        %add3A_1028 = arith.constant 96 : i32
        %add3A_1029 = arith.addi %mul3A_1027, %add3A_1028 : i32
        %get3A_1030 = arith.index_cast %add3A_1029 : i32 to index
        %get3A_1031 = tpu.vector_load %arg5[%get3A_1030] {strides = array<i32>} : memref<10240xi32, #tpu.memory_space<vmem>>, vector<16xi32>,
        %get3A_1032 = vector.shape_cast %get3A_1031 : vector<16xi32> to vector<16xi32>
        %dma_start3A_1033 = arith.constant 2 : i32
        %dma_start3A_1034 = arith.constant 96 : i32
        %dma_start3A_1035 = arith.constant 0 : i32
        %dma_start3A_1036 = tpu.memref_slice %arg6[%dma_start3A_1033, %dma_start3A_1034, %dma_start3A_1035] : memref<4x256x64xf32, #tpu.memory_space<vmem>> -> memref<1x16x64xf32, #tpu.memory_space<vmem>>
        %dma_start3A_1037 = tpu.memref_squeeze %dma_start3A_1036 : memref<1x16x64xf32, #tpu.memory_space<vmem>> -> memref<16x64xf32, #tpu.memory_space<vmem>>
        %dma_start3A_1038 = arith.constant 0 : i32
        %dma_start3A_1039 = arith.constant 0 : i32
        %dma_start3A_1040 = tpu.memref_slice %arg3[%dma_start3A_1038, %dma_start3A_1039] : memref<1000000x64xf32, #tpu.memory_space<hbm>> -> memref<1000000x64xf32, #tpu.memory_space<hbm>>
        tpu.enqueue_indirect_dma source(%dma_start3A_1040 : memref<1000000x64xf32, #tpu.memory_space<hbm>>) target(%dma_start3A_1037 : memref<16x64xf32, #tpu.memory_space<vmem>>) offsets(%get3A_1032 : vector<16xi32>) semaphore(%arg9 : memref<!tpu.dma_semaphore, #tpu.memory_space<semaphore_mem>>)
        %mul3A_1041 = arith.constant 256 : i32
        %mul3A_1042 = arith.muli %add3A_935, %mul3A_1041 : i32
        %add3A_1043 = arith.constant 112 : i32
        %add3A_1044 = arith.addi %mul3A_1042, %add3A_1043 : i32
        %get3A_1045 = arith.index_cast %add3A_1044 : i32 to index
        %get3A_1046 = tpu.vector_load %arg5[%get3A_1045] {strides = array<i32>} : memref<10240xi32, #tpu.memory_space<vmem>>, vector<16xi32>,
        %get3A_1047 = vector.shape_cast %get3A_1046 : vector<16xi32> to vector<16xi32>
        %dma_start3A_1048 = arith.constant 2 : i32
        %dma_start3A_1049 = arith.constant 112 : i32
        %dma_start3A_1050 = arith.constant 0 : i32
        %dma_start3A_1051 = tpu.memref_slice %arg6[%dma_start3A_1048, %dma_start3A_1049, %dma_start3A_1050] : memref<4x256x64xf32, #tpu.memory_space<vmem>> -> memref<1x16x64xf32, #tpu.memory_space<vmem>>
        %dma_start3A_1052 = tpu.memref_squeeze %dma_start3A_1051 : memref<1x16x64xf32, #tpu.memory_space<vmem>> -> memref<16x64xf32, #tpu.memory_space<vmem>>
        %dma_start3A_1053 = arith.constant 0 : i32
        %dma_start3A_1054 = arith.constant 0 : i32
        %dma_start3A_1055 = tpu.memref_slice %arg3[%dma_start3A_1053, %dma_start3A_1054] : memref<1000000x64xf32, #tpu.memory_space<hbm>> -> memref<1000000x64xf32, #tpu.memory_space<hbm>>
        tpu.enqueue_indirect_dma source(%dma_start3A_1055 : memref<1000000x64xf32, #tpu.memory_space<hbm>>) target(%dma_start3A_1052 : memref<16x64xf32, #tpu.memory_space<vmem>>) offsets(%get3A_1047 : vector<16xi32>) semaphore(%arg9 : memref<!tpu.dma_semaphore, #tpu.memory_space<semaphore_mem>>)
        %mul3A_1056 = arith.constant 256 : i32
        %mul3A_1057 = arith.muli %add3A_935, %mul3A_1056 : i32
        %add3A_1058 = arith.constant 128 : i32
        %add3A_1059 = arith.addi %mul3A_1057, %add3A_1058 : i32
        %get3A_1060 = arith.index_cast %add3A_1059 : i32 to index
        %get3A_1061 = tpu.vector_load %arg5[%get3A_1060] {strides = array<i32>} : memref<10240xi32, #tpu.memory_space<vmem>>, vector<16xi32>,
        %get3A_1062 = vector.shape_cast %get3A_1061 : vector<16xi32> to vector<16xi32>
        %dma_start3A_1063 = arith.constant 2 : i32
        %dma_start3A_1064 = arith.constant 128 : i32
        %dma_start3A_1065 = arith.constant 0 : i32
        %dma_start3A_1066 = tpu.memref_slice %arg6[%dma_start3A_1063, %dma_start3A_1064, %dma_start3A_1065] : memref<4x256x64xf32, #tpu.memory_space<vmem>> -> memref<1x16x64xf32, #tpu.memory_space<vmem>>
        %dma_start3A_1067 = tpu.memref_squeeze %dma_start3A_1066 : memref<1x16x64xf32, #tpu.memory_space<vmem>> -> memref<16x64xf32, #tpu.memory_space<vmem>>
        %dma_start3A_1068 = arith.constant 0 : i32
        %dma_start3A_1069 = arith.constant 0 : i32
        %dma_start3A_1070 = tpu.memref_slice %arg3[%dma_start3A_1068, %dma_start3A_1069] : memref<1000000x64xf32, #tpu.memory_space<hbm>> -> memref<1000000x64xf32, #tpu.memory_space<hbm>>
        tpu.enqueue_indirect_dma source(%dma_start3A_1070 : memref<1000000x64xf32, #tpu.memory_space<hbm>>) target(%dma_start3A_1067 : memref<16x64xf32, #tpu.memory_space<vmem>>) offsets(%get3A_1062 : vector<16xi32>) semaphore(%arg9 : memref<!tpu.dma_semaphore, #tpu.memory_space<semaphore_mem>>)
        %mul3A_1071 = arith.constant 256 : i32
        %mul3A_1072 = arith.muli %add3A_935, %mul3A_1071 : i32
        %add3A_1073 = arith.constant 144 : i32
        %add3A_1074 = arith.addi %mul3A_1072, %add3A_1073 : i32
        %get3A_1075 = arith.index_cast %add3A_1074 : i32 to index
        %get3A_1076 = tpu.vector_load %arg5[%get3A_1075] {strides = array<i32>} : memref<10240xi32, #tpu.memory_space<vmem>>, vector<16xi32>,
        %get3A_1077 = vector.shape_cast %get3A_1076 : vector<16xi32> to vector<16xi32>
        %dma_start3A_1078 = arith.constant 2 : i32
        %dma_start3A_1079 = arith.constant 144 : i32
        %dma_start3A_1080 = arith.constant 0 : i32
        %dma_start3A_1081 = tpu.memref_slice %arg6[%dma_start3A_1078, %dma_start3A_1079, %dma_start3A_1080] : memref<4x256x64xf32, #tpu.memory_space<vmem>> -> memref<1x16x64xf32, #tpu.memory_space<vmem>>
        %dma_start3A_1082 = tpu.memref_squeeze %dma_start3A_1081 : memref<1x16x64xf32, #tpu.memory_space<vmem>> -> memref<16x64xf32, #tpu.memory_space<vmem>>
        %dma_start3A_1083 = arith.constant 0 : i32
        %dma_start3A_1084 = arith.constant 0 : i32
        %dma_start3A_1085 = tpu.memref_slice %arg3[%dma_start3A_1083, %dma_start3A_1084] : memref<1000000x64xf32, #tpu.memory_space<hbm>> -> memref<1000000x64xf32, #tpu.memory_space<hbm>>
        tpu.enqueue_indirect_dma source(%dma_start3A_1085 : memref<1000000x64xf32, #tpu.memory_space<hbm>>) target(%dma_start3A_1082 : memref<16x64xf32, #tpu.memory_space<vmem>>) offsets(%get3A_1077 : vector<16xi32>) semaphore(%arg9 : memref<!tpu.dma_semaphore, #tpu.memory_space<semaphore_mem>>)
        %mul3A_1086 = arith.constant 256 : i32
        %mul3A_1087 = arith.muli %add3A_935, %mul3A_1086 : i32
        %add3A_1088 = arith.constant 160 : i32
        %add3A_1089 = arith.addi %mul3A_1087, %add3A_1088 : i32
        %get3A_1090 = arith.index_cast %add3A_1089 : i32 to index
        %get3A_1091 = tpu.vector_load %arg5[%get3A_1090] {strides = array<i32>} : memref<10240xi32, #tpu.memory_space<vmem>>, vector<16xi32>,
        %get3A_1092 = vector.shape_cast %get3A_1091 : vector<16xi32> to vector<16xi32>
        %dma_start3A_1093 = arith.constant 2 : i32
        %dma_start3A_1094 = arith.constant 160 : i32
        %dma_start3A_1095 = arith.constant 0 : i32
        %dma_start3A_1096 = tpu.memref_slice %arg6[%dma_start3A_1093, %dma_start3A_1094, %dma_start3A_1095] : memref<4x256x64xf32, #tpu.memory_space<vmem>> -> memref<1x16x64xf32, #tpu.memory_space<vmem>>
        %dma_start3A_1097 = tpu.memref_squeeze %dma_start3A_1096 : memref<1x16x64xf32, #tpu.memory_space<vmem>> -> memref<16x64xf32, #tpu.memory_space<vmem>>
        %dma_start3A_1098 = arith.constant 0 : i32
        %dma_start3A_1099 = arith.constant 0 : i32
        %dma_start3A_1100 = tpu.memref_slice %arg3[%dma_start3A_1098, %dma_start3A_1099] : memref<1000000x64xf32, #tpu.memory_space<hbm>> -> memref<1000000x64xf32, #tpu.memory_space<hbm>>
        tpu.enqueue_indirect_dma source(%dma_start3A_1100 : memref<1000000x64xf32, #tpu.memory_space<hbm>>) target(%dma_start3A_1097 : memref<16x64xf32, #tpu.memory_space<vmem>>) offsets(%get3A_1092 : vector<16xi32>) semaphore(%arg9 : memref<!tpu.dma_semaphore, #tpu.memory_space<semaphore_mem>>)
        %mul3A_1101 = arith.constant 256 : i32
        %mul3A_1102 = arith.muli %add3A_935, %mul3A_1101 : i32
        %add3A_1103 = arith.constant 176 : i32
        %add3A_1104 = arith.addi %mul3A_1102, %add3A_1103 : i32
        %get3A_1105 = arith.index_cast %add3A_1104 : i32 to index
        %get3A_1106 = tpu.vector_load %arg5[%get3A_1105] {strides = array<i32>} : memref<10240xi32, #tpu.memory_space<vmem>>, vector<16xi32>,
        %get3A_1107 = vector.shape_cast %get3A_1106 : vector<16xi32> to vector<16xi32>
        %dma_start3A_1108 = arith.constant 2 : i32
        %dma_start3A_1109 = arith.constant 176 : i32
        %dma_start3A_1110 = arith.constant 0 : i32
        %dma_start3A_1111 = tpu.memref_slice %arg6[%dma_start3A_1108, %dma_start3A_1109, %dma_start3A_1110] : memref<4x256x64xf32, #tpu.memory_space<vmem>> -> memref<1x16x64xf32, #tpu.memory_space<vmem>>
        %dma_start3A_1112 = tpu.memref_squeeze %dma_start3A_1111 : memref<1x16x64xf32, #tpu.memory_space<vmem>> -> memref<16x64xf32, #tpu.memory_space<vmem>>
        %dma_start3A_1113 = arith.constant 0 : i32
        %dma_start3A_1114 = arith.constant 0 : i32
        %dma_start3A_1115 = tpu.memref_slice %arg3[%dma_start3A_1113, %dma_start3A_1114] : memref<1000000x64xf32, #tpu.memory_space<hbm>> -> memref<1000000x64xf32, #tpu.memory_space<hbm>>
        tpu.enqueue_indirect_dma source(%dma_start3A_1115 : memref<1000000x64xf32, #tpu.memory_space<hbm>>) target(%dma_start3A_1112 : memref<16x64xf32, #tpu.memory_space<vmem>>) offsets(%get3A_1107 : vector<16xi32>) semaphore(%arg9 : memref<!tpu.dma_semaphore, #tpu.memory_space<semaphore_mem>>)
        %mul3A_1116 = arith.constant 256 : i32
        %mul3A_1117 = arith.muli %add3A_935, %mul3A_1116 : i32
        %add3A_1118 = arith.constant 192 : i32
        %add3A_1119 = arith.addi %mul3A_1117, %add3A_1118 : i32
        %get3A_1120 = arith.index_cast %add3A_1119 : i32 to index
        %get3A_1121 = tpu.vector_load %arg5[%get3A_1120] {strides = array<i32>} : memref<10240xi32, #tpu.memory_space<vmem>>, vector<16xi32>,
        %get3A_1122 = vector.shape_cast %get3A_1121 : vector<16xi32> to vector<16xi32>
        %dma_start3A_1123 = arith.constant 2 : i32
        %dma_start3A_1124 = arith.constant 192 : i32
        %dma_start3A_1125 = arith.constant 0 : i32
        %dma_start3A_1126 = tpu.memref_slice %arg6[%dma_start3A_1123, %dma_start3A_1124, %dma_start3A_1125] : memref<4x256x64xf32, #tpu.memory_space<vmem>> -> memref<1x16x64xf32, #tpu.memory_space<vmem>>
        %dma_start3A_1127 = tpu.memref_squeeze %dma_start3A_1126 : memref<1x16x64xf32, #tpu.memory_space<vmem>> -> memref<16x64xf32, #tpu.memory_space<vmem>>
        %dma_start3A_1128 = arith.constant 0 : i32
        %dma_start3A_1129 = arith.constant 0 : i32
        %dma_start3A_1130 = tpu.memref_slice %arg3[%dma_start3A_1128, %dma_start3A_1129] : memref<1000000x64xf32, #tpu.memory_space<hbm>> -> memref<1000000x64xf32, #tpu.memory_space<hbm>>
        tpu.enqueue_indirect_dma source(%dma_start3A_1130 : memref<1000000x64xf32, #tpu.memory_space<hbm>>) target(%dma_start3A_1127 : memref<16x64xf32, #tpu.memory_space<vmem>>) offsets(%get3A_1122 : vector<16xi32>) semaphore(%arg9 : memref<!tpu.dma_semaphore, #tpu.memory_space<semaphore_mem>>)
        %mul3A_1131 = arith.constant 256 : i32
        %mul3A_1132 = arith.muli %add3A_935, %mul3A_1131 : i32
        %add3A_1133 = arith.constant 208 : i32
        %add3A_1134 = arith.addi %mul3A_1132, %add3A_1133 : i32
        %get3A_1135 = arith.index_cast %add3A_1134 : i32 to index
        %get3A_1136 = tpu.vector_load %arg5[%get3A_1135] {strides = array<i32>} : memref<10240xi32, #tpu.memory_space<vmem>>, vector<16xi32>,
        %get3A_1137 = vector.shape_cast %get3A_1136 : vector<16xi32> to vector<16xi32>
        %dma_start3A_1138 = arith.constant 2 : i32
        %dma_start3A_1139 = arith.constant 208 : i32
        %dma_start3A_1140 = arith.constant 0 : i32
        %dma_start3A_1141 = tpu.memref_slice %arg6[%dma_start3A_1138, %dma_start3A_1139, %dma_start3A_1140] : memref<4x256x64xf32, #tpu.memory_space<vmem>> -> memref<1x16x64xf32, #tpu.memory_space<vmem>>
        %dma_start3A_1142 = tpu.memref_squeeze %dma_start3A_1141 : memref<1x16x64xf32, #tpu.memory_space<vmem>> -> memref<16x64xf32, #tpu.memory_space<vmem>>
        %dma_start3A_1143 = arith.constant 0 : i32
        %dma_start3A_1144 = arith.constant 0 : i32
        %dma_start3A_1145 = tpu.memref_slice %arg3[%dma_start3A_1143, %dma_start3A_1144] : memref<1000000x64xf32, #tpu.memory_space<hbm>> -> memref<1000000x64xf32, #tpu.memory_space<hbm>>
        tpu.enqueue_indirect_dma source(%dma_start3A_1145 : memref<1000000x64xf32, #tpu.memory_space<hbm>>) target(%dma_start3A_1142 : memref<16x64xf32, #tpu.memory_space<vmem>>) offsets(%get3A_1137 : vector<16xi32>) semaphore(%arg9 : memref<!tpu.dma_semaphore, #tpu.memory_space<semaphore_mem>>)
        %mul3A_1146 = arith.constant 256 : i32
        %mul3A_1147 = arith.muli %add3A_935, %mul3A_1146 : i32
        %add3A_1148 = arith.constant 224 : i32
        %add3A_1149 = arith.addi %mul3A_1147, %add3A_1148 : i32
        %get3A_1150 = arith.index_cast %add3A_1149 : i32 to index
        %get3A_1151 = tpu.vector_load %arg5[%get3A_1150] {strides = array<i32>} : memref<10240xi32, #tpu.memory_space<vmem>>, vector<16xi32>,
        %get3A_1152 = vector.shape_cast %get3A_1151 : vector<16xi32> to vector<16xi32>
        %dma_start3A_1153 = arith.constant 2 : i32
        %dma_start3A_1154 = arith.constant 224 : i32
        %dma_start3A_1155 = arith.constant 0 : i32
        %dma_start3A_1156 = tpu.memref_slice %arg6[%dma_start3A_1153, %dma_start3A_1154, %dma_start3A_1155] : memref<4x256x64xf32, #tpu.memory_space<vmem>> -> memref<1x16x64xf32, #tpu.memory_space<vmem>>
        %dma_start3A_1157 = tpu.memref_squeeze %dma_start3A_1156 : memref<1x16x64xf32, #tpu.memory_space<vmem>> -> memref<16x64xf32, #tpu.memory_space<vmem>>
        %dma_start3A_1158 = arith.constant 0 : i32
        %dma_start3A_1159 = arith.constant 0 : i32
        %dma_start3A_1160 = tpu.memref_slice %arg3[%dma_start3A_1158, %dma_start3A_1159] : memref<1000000x64xf32, #tpu.memory_space<hbm>> -> memref<1000000x64xf32, #tpu.memory_space<hbm>>
        tpu.enqueue_indirect_dma source(%dma_start3A_1160 : memref<1000000x64xf32, #tpu.memory_space<hbm>>) target(%dma_start3A_1157 : memref<16x64xf32, #tpu.memory_space<vmem>>) offsets(%get3A_1152 : vector<16xi32>) semaphore(%arg9 : memref<!tpu.dma_semaphore, #tpu.memory_space<semaphore_mem>>)
        %mul3A_1161 = arith.constant 256 : i32
        %mul3A_1162 = arith.muli %add3A_935, %mul3A_1161 : i32
        %add3A_1163 = arith.constant 240 : i32
        %add3A_1164 = arith.addi %mul3A_1162, %add3A_1163 : i32
        %get3A_1165 = arith.index_cast %add3A_1164 : i32 to index
        %get3A_1166 = tpu.vector_load %arg5[%get3A_1165] {strides = array<i32>} : memref<10240xi32, #tpu.memory_space<vmem>>, vector<16xi32>,
        %get3A_1167 = vector.shape_cast %get3A_1166 : vector<16xi32> to vector<16xi32>
        %dma_start3A_1168 = arith.constant 2 : i32
        %dma_start3A_1169 = arith.constant 240 : i32
        %dma_start3A_1170 = arith.constant 0 : i32
        %dma_start3A_1171 = tpu.memref_slice %arg6[%dma_start3A_1168, %dma_start3A_1169, %dma_start3A_1170] : memref<4x256x64xf32, #tpu.memory_space<vmem>> -> memref<1x16x64xf32, #tpu.memory_space<vmem>>
        %dma_start3A_1172 = tpu.memref_squeeze %dma_start3A_1171 : memref<1x16x64xf32, #tpu.memory_space<vmem>> -> memref<16x64xf32, #tpu.memory_space<vmem>>
        %dma_start3A_1173 = arith.constant 0 : i32
        %dma_start3A_1174 = arith.constant 0 : i32
        %dma_start3A_1175 = tpu.memref_slice %arg3[%dma_start3A_1173, %dma_start3A_1174] : memref<1000000x64xf32, #tpu.memory_space<hbm>> -> memref<1000000x64xf32, #tpu.memory_space<hbm>>
        tpu.enqueue_indirect_dma source(%dma_start3A_1175 : memref<1000000x64xf32, #tpu.memory_space<hbm>>) target(%dma_start3A_1172 : memref<16x64xf32, #tpu.memory_space<vmem>>) offsets(%get3A_1167 : vector<16xi32>) semaphore(%arg9 : memref<!tpu.dma_semaphore, #tpu.memory_space<semaphore_mem>>)
      } else {
      }
      %add3A_883 = arith.constant 3 : i32
      %add3A_884 = arith.addi %mul3A_771, %add3A_883 : i32
      %mul3A_885 = arith.constant 256 : i32
      %mul3A_886 = arith.muli %add3A_884, %mul3A_885 : i32
      %get3A_887 = arith.index_cast %mul3A_886 : i32 to index
      %get3A_888 = tpu.vector_load %arg5[%get3A_887] {strides = array<i32>} : memref<10240xi32, #tpu.memory_space<vmem>>, vector<256xi32>,
      %get3A_889 = vector.shape_cast %get3A_888 : vector<256xi32> to vector<256xi32>
      %dma_wait3A_890 = arith.constant 3 : i32
      %dma_wait3A_891 = arith.constant 0 : i32
      %dma_wait3A_892 = arith.constant 0 : i32
      %dma_wait3A_893 = tpu.memref_slice %arg6[%dma_wait3A_890, %dma_wait3A_891, %dma_wait3A_892] : memref<4x256x64xf32, #tpu.memory_space<vmem>> -> memref<1x256x64xf32, #tpu.memory_space<vmem>>
      %dma_wait3A_894 = tpu.memref_squeeze %dma_wait3A_893 : memref<1x256x64xf32, #tpu.memory_space<vmem>> -> memref<256x64xf32, #tpu.memory_space<vmem>>
      %dma_wait3A_895 = arith.constant 0 : i32
      %dma_wait3A_896 = arith.constant 0 : i32
      %dma_wait3A_897 = tpu.memref_slice %arg3[%dma_wait3A_895, %dma_wait3A_896] : memref<1000000x64xf32, #tpu.memory_space<hbm>> -> memref<1000000x64xf32, #tpu.memory_space<hbm>>
      tpu.wait_indirect_dma semaphore(%arg10 : memref<!tpu.dma_semaphore, #tpu.memory_space<semaphore_mem>>) src(%dma_wait3A_897 : memref<1000000x64xf32, #tpu.memory_space<hbm>>) dst(%dma_wait3A_894 : memref<256x64xf32, #tpu.memory_space<vmem>>)
      %mul3A_898 = arith.constant 256 : i32
      %mul3A_899 = arith.muli %add3A_884, %mul3A_898 : i32
      %add3A_900 = arith.addi %mul3A_2, %mul3A_899 : i32
      %dma_start3A_901 = arith.constant 3 : i32
      %dma_start3A_902 = arith.constant 0 : i32
      %dma_start3A_903 = arith.constant 0 : i32
      %dma_start3A_904 = tpu.memref_slice %arg6[%dma_start3A_901, %dma_start3A_902, %dma_start3A_903] : memref<4x256x64xf32, #tpu.memory_space<vmem>> -> memref<1x256x64xf32, #tpu.memory_space<vmem>>
      %dma_start3A_905 = tpu.memref_squeeze %dma_start3A_904 : memref<1x256x64xf32, #tpu.memory_space<vmem>> -> memref<256x64xf32, #tpu.memory_space<vmem>>
      %dma_start3A_906 = arith.constant 0 : i32
      %dma_start3A_907 = tpu.memref_slice %arg4[%add3A_900, %dma_start3A_906] : memref<327680x64xf32, #tpu.memory_space<hbm>> -> memref<256x64xf32, #tpu.memory_space<hbm>>
      %dma_start3A_908 = arith.constant 0 : i32
      %dma_start3A_909 = tpu.memref_slice %arg4[%add3A_900, %dma_start3A_908] : memref<327680x64xf32, #tpu.memory_space<hbm>> -> memref<256x64xf32, #tpu.memory_space<hbm>>
      %dma_start3A_910 = arith.constant 0 : i32
      %dma_start3A_911 = arith.constant 0 : i32
      %dma_start3A_912 = tpu.memref_slice %arg6[%dma_start3A_901, %dma_start3A_910, %dma_start3A_911] : memref<4x256x64xf32, #tpu.memory_space<vmem>> -> memref<1x256x64xf32, #tpu.memory_space<vmem>>
      %dma_start3A_913 = tpu.memref_squeeze %dma_start3A_912 : memref<1x256x64xf32, #tpu.memory_space<vmem>> -> memref<256x64xf32, #tpu.memory_space<vmem>>
      tpu.enqueue_dma source(%dma_start3A_913 : memref<256x64xf32, #tpu.memory_space<vmem>>) target(%dma_start3A_909 : memref<256x64xf32, #tpu.memory_space<hbm>>) target_semaphore(%arg14 : memref<!tpu.dma_semaphore, #tpu.memory_space<semaphore_mem>>)
      %add3A_914 = arith.constant 4 : i32
      %add3A_915 = arith.addi %add3A_884, %add3A_914 : i32
      %lt3A_916 = arith.constant 40 : i32
      %lt3A_917 = arith.cmpi slt, %add3A_915, %lt3A_916 : i32
      %convert_element_type3A_918 = arith.extui %lt3A_917 : i1 to i32
      %cond3A_919 = arith.constant 0 : i32
      %cond3A_920 = arith.cmpi ne, %convert_element_type3A_918, %cond3A_919 : i32
      scf.if %cond3A_920 {
        %dma_wait3A_921 = arith.constant 3 : i32
        %dma_wait3A_922 = arith.constant 0 : i32
        %dma_wait3A_923 = arith.constant 0 : i32
        %dma_wait3A_924 = tpu.memref_slice %arg6[%dma_wait3A_921, %dma_wait3A_922, %dma_wait3A_923] : memref<4x256x64xf32, #tpu.memory_space<vmem>> -> memref<1x256x64xf32, #tpu.memory_space<vmem>>
        %dma_wait3A_925 = tpu.memref_squeeze %dma_wait3A_924 : memref<1x256x64xf32, #tpu.memory_space<vmem>> -> memref<256x64xf32, #tpu.memory_space<vmem>>
        %dma_wait3A_926 = arith.constant 0 : i32
        %dma_wait3A_927 = tpu.memref_slice %arg4[%add3A_900, %dma_wait3A_926] : memref<327680x64xf32, #tpu.memory_space<hbm>> -> memref<256x64xf32, #tpu.memory_space<hbm>>
        %dma_wait3A_928 = arith.constant 0 : i32
        %dma_wait3A_929 = tpu.memref_slice %arg4[%add3A_900, %dma_wait3A_928] : memref<327680x64xf32, #tpu.memory_space<hbm>> -> memref<256x64xf32, #tpu.memory_space<hbm>>
        %dma_wait3A_930 = arith.constant 0 : i32
        %dma_wait3A_931 = arith.constant 0 : i32
        %dma_wait3A_932 = tpu.memref_slice %arg6[%dma_wait3A_921, %dma_wait3A_930, %dma_wait3A_931] : memref<4x256x64xf32, #tpu.memory_space<vmem>> -> memref<1x256x64xf32, #tpu.memory_space<vmem>>
        %dma_wait3A_933 = tpu.memref_squeeze %dma_wait3A_932 : memref<1x256x64xf32, #tpu.memory_space<vmem>> -> memref<256x64xf32, #tpu.memory_space<vmem>>
        tpu.wait_dma2 semaphore(%arg14 : memref<!tpu.dma_semaphore, #tpu.memory_space<semaphore_mem>>) src(%dma_wait3A_933 : memref<256x64xf32, #tpu.memory_space<vmem>>) dst(%dma_wait3A_929 : memref<256x64xf32, #tpu.memory_space<hbm>>)
        %add3A_934 = arith.constant 4 : i32
        %add3A_935 = arith.addi %add3A_884, %add3A_934 : i32
        %mul3A_936 = arith.constant 256 : i32
        %mul3A_937 = arith.muli %add3A_935, %mul3A_936 : i32
        %add3A_938 = arith.constant 0 : i32
        %add3A_939 = arith.addi %mul3A_937, %add3A_938 : i32
        %get3A_940 = arith.index_cast %add3A_939 : i32 to index
        %get3A_941 = tpu.vector_load %arg5[%get3A_940] {strides = array<i32>} : memref<10240xi32, #tpu.memory_space<vmem>>, vector<16xi32>,
        %get3A_942 = vector.shape_cast %get3A_941 : vector<16xi32> to vector<16xi32>
        %dma_start3A_943 = arith.constant 3 : i32
        %dma_start3A_944 = arith.constant 0 : i32
        %dma_start3A_945 = arith.constant 0 : i32
        %dma_start3A_946 = tpu.memref_slice %arg6[%dma_start3A_943, %dma_start3A_944, %dma_start3A_945] : memref<4x256x64xf32, #tpu.memory_space<vmem>> -> memref<1x16x64xf32, #tpu.memory_space<vmem>>
        %dma_start3A_947 = tpu.memref_squeeze %dma_start3A_946 : memref<1x16x64xf32, #tpu.memory_space<vmem>> -> memref<16x64xf32, #tpu.memory_space<vmem>>
        %dma_start3A_948 = arith.constant 0 : i32
        %dma_start3A_949 = arith.constant 0 : i32
        %dma_start3A_950 = tpu.memref_slice %arg3[%dma_start3A_948, %dma_start3A_949] : memref<1000000x64xf32, #tpu.memory_space<hbm>> -> memref<1000000x64xf32, #tpu.memory_space<hbm>>
        tpu.enqueue_indirect_dma source(%dma_start3A_950 : memref<1000000x64xf32, #tpu.memory_space<hbm>>) target(%dma_start3A_947 : memref<16x64xf32, #tpu.memory_space<vmem>>) offsets(%get3A_942 : vector<16xi32>) semaphore(%arg10 : memref<!tpu.dma_semaphore, #tpu.memory_space<semaphore_mem>>)
        %mul3A_951 = arith.constant 256 : i32
        %mul3A_952 = arith.muli %add3A_935, %mul3A_951 : i32
        %add3A_953 = arith.constant 16 : i32
        %add3A_954 = arith.addi %mul3A_952, %add3A_953 : i32
        %get3A_955 = arith.index_cast %add3A_954 : i32 to index
        %get3A_956 = tpu.vector_load %arg5[%get3A_955] {strides = array<i32>} : memref<10240xi32, #tpu.memory_space<vmem>>, vector<16xi32>,
        %get3A_957 = vector.shape_cast %get3A_956 : vector<16xi32> to vector<16xi32>
        %dma_start3A_958 = arith.constant 3 : i32
        %dma_start3A_959 = arith.constant 16 : i32
        %dma_start3A_960 = arith.constant 0 : i32
        %dma_start3A_961 = tpu.memref_slice %arg6[%dma_start3A_958, %dma_start3A_959, %dma_start3A_960] : memref<4x256x64xf32, #tpu.memory_space<vmem>> -> memref<1x16x64xf32, #tpu.memory_space<vmem>>
        %dma_start3A_962 = tpu.memref_squeeze %dma_start3A_961 : memref<1x16x64xf32, #tpu.memory_space<vmem>> -> memref<16x64xf32, #tpu.memory_space<vmem>>
        %dma_start3A_963 = arith.constant 0 : i32
        %dma_start3A_964 = arith.constant 0 : i32
        %dma_start3A_965 = tpu.memref_slice %arg3[%dma_start3A_963, %dma_start3A_964] : memref<1000000x64xf32, #tpu.memory_space<hbm>> -> memref<1000000x64xf32, #tpu.memory_space<hbm>>
        tpu.enqueue_indirect_dma source(%dma_start3A_965 : memref<1000000x64xf32, #tpu.memory_space<hbm>>) target(%dma_start3A_962 : memref<16x64xf32, #tpu.memory_space<vmem>>) offsets(%get3A_957 : vector<16xi32>) semaphore(%arg10 : memref<!tpu.dma_semaphore, #tpu.memory_space<semaphore_mem>>)
        %mul3A_966 = arith.constant 256 : i32
        %mul3A_967 = arith.muli %add3A_935, %mul3A_966 : i32
        %add3A_968 = arith.constant 32 : i32
        %add3A_969 = arith.addi %mul3A_967, %add3A_968 : i32
        %get3A_970 = arith.index_cast %add3A_969 : i32 to index
        %get3A_971 = tpu.vector_load %arg5[%get3A_970] {strides = array<i32>} : memref<10240xi32, #tpu.memory_space<vmem>>, vector<16xi32>,
        %get3A_972 = vector.shape_cast %get3A_971 : vector<16xi32> to vector<16xi32>
        %dma_start3A_973 = arith.constant 3 : i32
        %dma_start3A_974 = arith.constant 32 : i32
        %dma_start3A_975 = arith.constant 0 : i32
        %dma_start3A_976 = tpu.memref_slice %arg6[%dma_start3A_973, %dma_start3A_974, %dma_start3A_975] : memref<4x256x64xf32, #tpu.memory_space<vmem>> -> memref<1x16x64xf32, #tpu.memory_space<vmem>>
        %dma_start3A_977 = tpu.memref_squeeze %dma_start3A_976 : memref<1x16x64xf32, #tpu.memory_space<vmem>> -> memref<16x64xf32, #tpu.memory_space<vmem>>
        %dma_start3A_978 = arith.constant 0 : i32
        %dma_start3A_979 = arith.constant 0 : i32
        %dma_start3A_980 = tpu.memref_slice %arg3[%dma_start3A_978, %dma_start3A_979] : memref<1000000x64xf32, #tpu.memory_space<hbm>> -> memref<1000000x64xf32, #tpu.memory_space<hbm>>
        tpu.enqueue_indirect_dma source(%dma_start3A_980 : memref<1000000x64xf32, #tpu.memory_space<hbm>>) target(%dma_start3A_977 : memref<16x64xf32, #tpu.memory_space<vmem>>) offsets(%get3A_972 : vector<16xi32>) semaphore(%arg10 : memref<!tpu.dma_semaphore, #tpu.memory_space<semaphore_mem>>)
        %mul3A_981 = arith.constant 256 : i32
        %mul3A_982 = arith.muli %add3A_935, %mul3A_981 : i32
        %add3A_983 = arith.constant 48 : i32
        %add3A_984 = arith.addi %mul3A_982, %add3A_983 : i32
        %get3A_985 = arith.index_cast %add3A_984 : i32 to index
        %get3A_986 = tpu.vector_load %arg5[%get3A_985] {strides = array<i32>} : memref<10240xi32, #tpu.memory_space<vmem>>, vector<16xi32>,
        %get3A_987 = vector.shape_cast %get3A_986 : vector<16xi32> to vector<16xi32>
        %dma_start3A_988 = arith.constant 3 : i32
        %dma_start3A_989 = arith.constant 48 : i32
        %dma_start3A_990 = arith.constant 0 : i32
        %dma_start3A_991 = tpu.memref_slice %arg6[%dma_start3A_988, %dma_start3A_989, %dma_start3A_990] : memref<4x256x64xf32, #tpu.memory_space<vmem>> -> memref<1x16x64xf32, #tpu.memory_space<vmem>>
        %dma_start3A_992 = tpu.memref_squeeze %dma_start3A_991 : memref<1x16x64xf32, #tpu.memory_space<vmem>> -> memref<16x64xf32, #tpu.memory_space<vmem>>
        %dma_start3A_993 = arith.constant 0 : i32
        %dma_start3A_994 = arith.constant 0 : i32
        %dma_start3A_995 = tpu.memref_slice %arg3[%dma_start3A_993, %dma_start3A_994] : memref<1000000x64xf32, #tpu.memory_space<hbm>> -> memref<1000000x64xf32, #tpu.memory_space<hbm>>
        tpu.enqueue_indirect_dma source(%dma_start3A_995 : memref<1000000x64xf32, #tpu.memory_space<hbm>>) target(%dma_start3A_992 : memref<16x64xf32, #tpu.memory_space<vmem>>) offsets(%get3A_987 : vector<16xi32>) semaphore(%arg10 : memref<!tpu.dma_semaphore, #tpu.memory_space<semaphore_mem>>)
        %mul3A_996 = arith.constant 256 : i32
        %mul3A_997 = arith.muli %add3A_935, %mul3A_996 : i32
        %add3A_998 = arith.constant 64 : i32
        %add3A_999 = arith.addi %mul3A_997, %add3A_998 : i32
        %get3A_1000 = arith.index_cast %add3A_999 : i32 to index
        %get3A_1001 = tpu.vector_load %arg5[%get3A_1000] {strides = array<i32>} : memref<10240xi32, #tpu.memory_space<vmem>>, vector<16xi32>,
        %get3A_1002 = vector.shape_cast %get3A_1001 : vector<16xi32> to vector<16xi32>
        %dma_start3A_1003 = arith.constant 3 : i32
        %dma_start3A_1004 = arith.constant 64 : i32
        %dma_start3A_1005 = arith.constant 0 : i32
        %dma_start3A_1006 = tpu.memref_slice %arg6[%dma_start3A_1003, %dma_start3A_1004, %dma_start3A_1005] : memref<4x256x64xf32, #tpu.memory_space<vmem>> -> memref<1x16x64xf32, #tpu.memory_space<vmem>>
        %dma_start3A_1007 = tpu.memref_squeeze %dma_start3A_1006 : memref<1x16x64xf32, #tpu.memory_space<vmem>> -> memref<16x64xf32, #tpu.memory_space<vmem>>
        %dma_start3A_1008 = arith.constant 0 : i32
        %dma_start3A_1009 = arith.constant 0 : i32
        %dma_start3A_1010 = tpu.memref_slice %arg3[%dma_start3A_1008, %dma_start3A_1009] : memref<1000000x64xf32, #tpu.memory_space<hbm>> -> memref<1000000x64xf32, #tpu.memory_space<hbm>>
        tpu.enqueue_indirect_dma source(%dma_start3A_1010 : memref<1000000x64xf32, #tpu.memory_space<hbm>>) target(%dma_start3A_1007 : memref<16x64xf32, #tpu.memory_space<vmem>>) offsets(%get3A_1002 : vector<16xi32>) semaphore(%arg10 : memref<!tpu.dma_semaphore, #tpu.memory_space<semaphore_mem>>)
        %mul3A_1011 = arith.constant 256 : i32
        %mul3A_1012 = arith.muli %add3A_935, %mul3A_1011 : i32
        %add3A_1013 = arith.constant 80 : i32
        %add3A_1014 = arith.addi %mul3A_1012, %add3A_1013 : i32
        %get3A_1015 = arith.index_cast %add3A_1014 : i32 to index
        %get3A_1016 = tpu.vector_load %arg5[%get3A_1015] {strides = array<i32>} : memref<10240xi32, #tpu.memory_space<vmem>>, vector<16xi32>,
        %get3A_1017 = vector.shape_cast %get3A_1016 : vector<16xi32> to vector<16xi32>
        %dma_start3A_1018 = arith.constant 3 : i32
        %dma_start3A_1019 = arith.constant 80 : i32
        %dma_start3A_1020 = arith.constant 0 : i32
        %dma_start3A_1021 = tpu.memref_slice %arg6[%dma_start3A_1018, %dma_start3A_1019, %dma_start3A_1020] : memref<4x256x64xf32, #tpu.memory_space<vmem>> -> memref<1x16x64xf32, #tpu.memory_space<vmem>>
        %dma_start3A_1022 = tpu.memref_squeeze %dma_start3A_1021 : memref<1x16x64xf32, #tpu.memory_space<vmem>> -> memref<16x64xf32, #tpu.memory_space<vmem>>
        %dma_start3A_1023 = arith.constant 0 : i32
        %dma_start3A_1024 = arith.constant 0 : i32
        %dma_start3A_1025 = tpu.memref_slice %arg3[%dma_start3A_1023, %dma_start3A_1024] : memref<1000000x64xf32, #tpu.memory_space<hbm>> -> memref<1000000x64xf32, #tpu.memory_space<hbm>>
        tpu.enqueue_indirect_dma source(%dma_start3A_1025 : memref<1000000x64xf32, #tpu.memory_space<hbm>>) target(%dma_start3A_1022 : memref<16x64xf32, #tpu.memory_space<vmem>>) offsets(%get3A_1017 : vector<16xi32>) semaphore(%arg10 : memref<!tpu.dma_semaphore, #tpu.memory_space<semaphore_mem>>)
        %mul3A_1026 = arith.constant 256 : i32
        %mul3A_1027 = arith.muli %add3A_935, %mul3A_1026 : i32
        %add3A_1028 = arith.constant 96 : i32
        %add3A_1029 = arith.addi %mul3A_1027, %add3A_1028 : i32
        %get3A_1030 = arith.index_cast %add3A_1029 : i32 to index
        %get3A_1031 = tpu.vector_load %arg5[%get3A_1030] {strides = array<i32>} : memref<10240xi32, #tpu.memory_space<vmem>>, vector<16xi32>,
        %get3A_1032 = vector.shape_cast %get3A_1031 : vector<16xi32> to vector<16xi32>
        %dma_start3A_1033 = arith.constant 3 : i32
        %dma_start3A_1034 = arith.constant 96 : i32
        %dma_start3A_1035 = arith.constant 0 : i32
        %dma_start3A_1036 = tpu.memref_slice %arg6[%dma_start3A_1033, %dma_start3A_1034, %dma_start3A_1035] : memref<4x256x64xf32, #tpu.memory_space<vmem>> -> memref<1x16x64xf32, #tpu.memory_space<vmem>>
        %dma_start3A_1037 = tpu.memref_squeeze %dma_start3A_1036 : memref<1x16x64xf32, #tpu.memory_space<vmem>> -> memref<16x64xf32, #tpu.memory_space<vmem>>
        %dma_start3A_1038 = arith.constant 0 : i32
        %dma_start3A_1039 = arith.constant 0 : i32
        %dma_start3A_1040 = tpu.memref_slice %arg3[%dma_start3A_1038, %dma_start3A_1039] : memref<1000000x64xf32, #tpu.memory_space<hbm>> -> memref<1000000x64xf32, #tpu.memory_space<hbm>>
        tpu.enqueue_indirect_dma source(%dma_start3A_1040 : memref<1000000x64xf32, #tpu.memory_space<hbm>>) target(%dma_start3A_1037 : memref<16x64xf32, #tpu.memory_space<vmem>>) offsets(%get3A_1032 : vector<16xi32>) semaphore(%arg10 : memref<!tpu.dma_semaphore, #tpu.memory_space<semaphore_mem>>)
        %mul3A_1041 = arith.constant 256 : i32
        %mul3A_1042 = arith.muli %add3A_935, %mul3A_1041 : i32
        %add3A_1043 = arith.constant 112 : i32
        %add3A_1044 = arith.addi %mul3A_1042, %add3A_1043 : i32
        %get3A_1045 = arith.index_cast %add3A_1044 : i32 to index
        %get3A_1046 = tpu.vector_load %arg5[%get3A_1045] {strides = array<i32>} : memref<10240xi32, #tpu.memory_space<vmem>>, vector<16xi32>,
        %get3A_1047 = vector.shape_cast %get3A_1046 : vector<16xi32> to vector<16xi32>
        %dma_start3A_1048 = arith.constant 3 : i32
        %dma_start3A_1049 = arith.constant 112 : i32
        %dma_start3A_1050 = arith.constant 0 : i32
        %dma_start3A_1051 = tpu.memref_slice %arg6[%dma_start3A_1048, %dma_start3A_1049, %dma_start3A_1050] : memref<4x256x64xf32, #tpu.memory_space<vmem>> -> memref<1x16x64xf32, #tpu.memory_space<vmem>>
        %dma_start3A_1052 = tpu.memref_squeeze %dma_start3A_1051 : memref<1x16x64xf32, #tpu.memory_space<vmem>> -> memref<16x64xf32, #tpu.memory_space<vmem>>
        %dma_start3A_1053 = arith.constant 0 : i32
        %dma_start3A_1054 = arith.constant 0 : i32
        %dma_start3A_1055 = tpu.memref_slice %arg3[%dma_start3A_1053, %dma_start3A_1054] : memref<1000000x64xf32, #tpu.memory_space<hbm>> -> memref<1000000x64xf32, #tpu.memory_space<hbm>>
        tpu.enqueue_indirect_dma source(%dma_start3A_1055 : memref<1000000x64xf32, #tpu.memory_space<hbm>>) target(%dma_start3A_1052 : memref<16x64xf32, #tpu.memory_space<vmem>>) offsets(%get3A_1047 : vector<16xi32>) semaphore(%arg10 : memref<!tpu.dma_semaphore, #tpu.memory_space<semaphore_mem>>)
        %mul3A_1056 = arith.constant 256 : i32
        %mul3A_1057 = arith.muli %add3A_935, %mul3A_1056 : i32
        %add3A_1058 = arith.constant 128 : i32
        %add3A_1059 = arith.addi %mul3A_1057, %add3A_1058 : i32
        %get3A_1060 = arith.index_cast %add3A_1059 : i32 to index
        %get3A_1061 = tpu.vector_load %arg5[%get3A_1060] {strides = array<i32>} : memref<10240xi32, #tpu.memory_space<vmem>>, vector<16xi32>,
        %get3A_1062 = vector.shape_cast %get3A_1061 : vector<16xi32> to vector<16xi32>
        %dma_start3A_1063 = arith.constant 3 : i32
        %dma_start3A_1064 = arith.constant 128 : i32
        %dma_start3A_1065 = arith.constant 0 : i32
        %dma_start3A_1066 = tpu.memref_slice %arg6[%dma_start3A_1063, %dma_start3A_1064, %dma_start3A_1065] : memref<4x256x64xf32, #tpu.memory_space<vmem>> -> memref<1x16x64xf32, #tpu.memory_space<vmem>>
        %dma_start3A_1067 = tpu.memref_squeeze %dma_start3A_1066 : memref<1x16x64xf32, #tpu.memory_space<vmem>> -> memref<16x64xf32, #tpu.memory_space<vmem>>
        %dma_start3A_1068 = arith.constant 0 : i32
        %dma_start3A_1069 = arith.constant 0 : i32
        %dma_start3A_1070 = tpu.memref_slice %arg3[%dma_start3A_1068, %dma_start3A_1069] : memref<1000000x64xf32, #tpu.memory_space<hbm>> -> memref<1000000x64xf32, #tpu.memory_space<hbm>>
        tpu.enqueue_indirect_dma source(%dma_start3A_1070 : memref<1000000x64xf32, #tpu.memory_space<hbm>>) target(%dma_start3A_1067 : memref<16x64xf32, #tpu.memory_space<vmem>>) offsets(%get3A_1062 : vector<16xi32>) semaphore(%arg10 : memref<!tpu.dma_semaphore, #tpu.memory_space<semaphore_mem>>)
        %mul3A_1071 = arith.constant 256 : i32
        %mul3A_1072 = arith.muli %add3A_935, %mul3A_1071 : i32
        %add3A_1073 = arith.constant 144 : i32
        %add3A_1074 = arith.addi %mul3A_1072, %add3A_1073 : i32
        %get3A_1075 = arith.index_cast %add3A_1074 : i32 to index
        %get3A_1076 = tpu.vector_load %arg5[%get3A_1075] {strides = array<i32>} : memref<10240xi32, #tpu.memory_space<vmem>>, vector<16xi32>,
        %get3A_1077 = vector.shape_cast %get3A_1076 : vector<16xi32> to vector<16xi32>
        %dma_start3A_1078 = arith.constant 3 : i32
        %dma_start3A_1079 = arith.constant 144 : i32
        %dma_start3A_1080 = arith.constant 0 : i32
        %dma_start3A_1081 = tpu.memref_slice %arg6[%dma_start3A_1078, %dma_start3A_1079, %dma_start3A_1080] : memref<4x256x64xf32, #tpu.memory_space<vmem>> -> memref<1x16x64xf32, #tpu.memory_space<vmem>>
        %dma_start3A_1082 = tpu.memref_squeeze %dma_start3A_1081 : memref<1x16x64xf32, #tpu.memory_space<vmem>> -> memref<16x64xf32, #tpu.memory_space<vmem>>
        %dma_start3A_1083 = arith.constant 0 : i32
        %dma_start3A_1084 = arith.constant 0 : i32
        %dma_start3A_1085 = tpu.memref_slice %arg3[%dma_start3A_1083, %dma_start3A_1084] : memref<1000000x64xf32, #tpu.memory_space<hbm>> -> memref<1000000x64xf32, #tpu.memory_space<hbm>>
        tpu.enqueue_indirect_dma source(%dma_start3A_1085 : memref<1000000x64xf32, #tpu.memory_space<hbm>>) target(%dma_start3A_1082 : memref<16x64xf32, #tpu.memory_space<vmem>>) offsets(%get3A_1077 : vector<16xi32>) semaphore(%arg10 : memref<!tpu.dma_semaphore, #tpu.memory_space<semaphore_mem>>)
        %mul3A_1086 = arith.constant 256 : i32
        %mul3A_1087 = arith.muli %add3A_935, %mul3A_1086 : i32
        %add3A_1088 = arith.constant 160 : i32
        %add3A_1089 = arith.addi %mul3A_1087, %add3A_1088 : i32
        %get3A_1090 = arith.index_cast %add3A_1089 : i32 to index
        %get3A_1091 = tpu.vector_load %arg5[%get3A_1090] {strides = array<i32>} : memref<10240xi32, #tpu.memory_space<vmem>>, vector<16xi32>,
        %get3A_1092 = vector.shape_cast %get3A_1091 : vector<16xi32> to vector<16xi32>
        %dma_start3A_1093 = arith.constant 3 : i32
        %dma_start3A_1094 = arith.constant 160 : i32
        %dma_start3A_1095 = arith.constant 0 : i32
        %dma_start3A_1096 = tpu.memref_slice %arg6[%dma_start3A_1093, %dma_start3A_1094, %dma_start3A_1095] : memref<4x256x64xf32, #tpu.memory_space<vmem>> -> memref<1x16x64xf32, #tpu.memory_space<vmem>>
        %dma_start3A_1097 = tpu.memref_squeeze %dma_start3A_1096 : memref<1x16x64xf32, #tpu.memory_space<vmem>> -> memref<16x64xf32, #tpu.memory_space<vmem>>
        %dma_start3A_1098 = arith.constant 0 : i32
        %dma_start3A_1099 = arith.constant 0 : i32
        %dma_start3A_1100 = tpu.memref_slice %arg3[%dma_start3A_1098, %dma_start3A_1099] : memref<1000000x64xf32, #tpu.memory_space<hbm>> -> memref<1000000x64xf32, #tpu.memory_space<hbm>>
        tpu.enqueue_indirect_dma source(%dma_start3A_1100 : memref<1000000x64xf32, #tpu.memory_space<hbm>>) target(%dma_start3A_1097 : memref<16x64xf32, #tpu.memory_space<vmem>>) offsets(%get3A_1092 : vector<16xi32>) semaphore(%arg10 : memref<!tpu.dma_semaphore, #tpu.memory_space<semaphore_mem>>)
        %mul3A_1101 = arith.constant 256 : i32
        %mul3A_1102 = arith.muli %add3A_935, %mul3A_1101 : i32
        %add3A_1103 = arith.constant 176 : i32
        %add3A_1104 = arith.addi %mul3A_1102, %add3A_1103 : i32
        %get3A_1105 = arith.index_cast %add3A_1104 : i32 to index
        %get3A_1106 = tpu.vector_load %arg5[%get3A_1105] {strides = array<i32>} : memref<10240xi32, #tpu.memory_space<vmem>>, vector<16xi32>,
        %get3A_1107 = vector.shape_cast %get3A_1106 : vector<16xi32> to vector<16xi32>
        %dma_start3A_1108 = arith.constant 3 : i32
        %dma_start3A_1109 = arith.constant 176 : i32
        %dma_start3A_1110 = arith.constant 0 : i32
        %dma_start3A_1111 = tpu.memref_slice %arg6[%dma_start3A_1108, %dma_start3A_1109, %dma_start3A_1110] : memref<4x256x64xf32, #tpu.memory_space<vmem>> -> memref<1x16x64xf32, #tpu.memory_space<vmem>>
        %dma_start3A_1112 = tpu.memref_squeeze %dma_start3A_1111 : memref<1x16x64xf32, #tpu.memory_space<vmem>> -> memref<16x64xf32, #tpu.memory_space<vmem>>
        %dma_start3A_1113 = arith.constant 0 : i32
        %dma_start3A_1114 = arith.constant 0 : i32
        %dma_start3A_1115 = tpu.memref_slice %arg3[%dma_start3A_1113, %dma_start3A_1114] : memref<1000000x64xf32, #tpu.memory_space<hbm>> -> memref<1000000x64xf32, #tpu.memory_space<hbm>>
        tpu.enqueue_indirect_dma source(%dma_start3A_1115 : memref<1000000x64xf32, #tpu.memory_space<hbm>>) target(%dma_start3A_1112 : memref<16x64xf32, #tpu.memory_space<vmem>>) offsets(%get3A_1107 : vector<16xi32>) semaphore(%arg10 : memref<!tpu.dma_semaphore, #tpu.memory_space<semaphore_mem>>)
        %mul3A_1116 = arith.constant 256 : i32
        %mul3A_1117 = arith.muli %add3A_935, %mul3A_1116 : i32
        %add3A_1118 = arith.constant 192 : i32
        %add3A_1119 = arith.addi %mul3A_1117, %add3A_1118 : i32
        %get3A_1120 = arith.index_cast %add3A_1119 : i32 to index
        %get3A_1121 = tpu.vector_load %arg5[%get3A_1120] {strides = array<i32>} : memref<10240xi32, #tpu.memory_space<vmem>>, vector<16xi32>,
        %get3A_1122 = vector.shape_cast %get3A_1121 : vector<16xi32> to vector<16xi32>
        %dma_start3A_1123 = arith.constant 3 : i32
        %dma_start3A_1124 = arith.constant 192 : i32
        %dma_start3A_1125 = arith.constant 0 : i32
        %dma_start3A_1126 = tpu.memref_slice %arg6[%dma_start3A_1123, %dma_start3A_1124, %dma_start3A_1125] : memref<4x256x64xf32, #tpu.memory_space<vmem>> -> memref<1x16x64xf32, #tpu.memory_space<vmem>>
        %dma_start3A_1127 = tpu.memref_squeeze %dma_start3A_1126 : memref<1x16x64xf32, #tpu.memory_space<vmem>> -> memref<16x64xf32, #tpu.memory_space<vmem>>
        %dma_start3A_1128 = arith.constant 0 : i32
        %dma_start3A_1129 = arith.constant 0 : i32
        %dma_start3A_1130 = tpu.memref_slice %arg3[%dma_start3A_1128, %dma_start3A_1129] : memref<1000000x64xf32, #tpu.memory_space<hbm>> -> memref<1000000x64xf32, #tpu.memory_space<hbm>>
        tpu.enqueue_indirect_dma source(%dma_start3A_1130 : memref<1000000x64xf32, #tpu.memory_space<hbm>>) target(%dma_start3A_1127 : memref<16x64xf32, #tpu.memory_space<vmem>>) offsets(%get3A_1122 : vector<16xi32>) semaphore(%arg10 : memref<!tpu.dma_semaphore, #tpu.memory_space<semaphore_mem>>)
        %mul3A_1131 = arith.constant 256 : i32
        %mul3A_1132 = arith.muli %add3A_935, %mul3A_1131 : i32
        %add3A_1133 = arith.constant 208 : i32
        %add3A_1134 = arith.addi %mul3A_1132, %add3A_1133 : i32
        %get3A_1135 = arith.index_cast %add3A_1134 : i32 to index
        %get3A_1136 = tpu.vector_load %arg5[%get3A_1135] {strides = array<i32>} : memref<10240xi32, #tpu.memory_space<vmem>>, vector<16xi32>,
        %get3A_1137 = vector.shape_cast %get3A_1136 : vector<16xi32> to vector<16xi32>
        %dma_start3A_1138 = arith.constant 3 : i32
        %dma_start3A_1139 = arith.constant 208 : i32
        %dma_start3A_1140 = arith.constant 0 : i32
        %dma_start3A_1141 = tpu.memref_slice %arg6[%dma_start3A_1138, %dma_start3A_1139, %dma_start3A_1140] : memref<4x256x64xf32, #tpu.memory_space<vmem>> -> memref<1x16x64xf32, #tpu.memory_space<vmem>>
        %dma_start3A_1142 = tpu.memref_squeeze %dma_start3A_1141 : memref<1x16x64xf32, #tpu.memory_space<vmem>> -> memref<16x64xf32, #tpu.memory_space<vmem>>
        %dma_start3A_1143 = arith.constant 0 : i32
        %dma_start3A_1144 = arith.constant 0 : i32
        %dma_start3A_1145 = tpu.memref_slice %arg3[%dma_start3A_1143, %dma_start3A_1144] : memref<1000000x64xf32, #tpu.memory_space<hbm>> -> memref<1000000x64xf32, #tpu.memory_space<hbm>>
        tpu.enqueue_indirect_dma source(%dma_start3A_1145 : memref<1000000x64xf32, #tpu.memory_space<hbm>>) target(%dma_start3A_1142 : memref<16x64xf32, #tpu.memory_space<vmem>>) offsets(%get3A_1137 : vector<16xi32>) semaphore(%arg10 : memref<!tpu.dma_semaphore, #tpu.memory_space<semaphore_mem>>)
        %mul3A_1146 = arith.constant 256 : i32
        %mul3A_1147 = arith.muli %add3A_935, %mul3A_1146 : i32
        %add3A_1148 = arith.constant 224 : i32
        %add3A_1149 = arith.addi %mul3A_1147, %add3A_1148 : i32
        %get3A_1150 = arith.index_cast %add3A_1149 : i32 to index
        %get3A_1151 = tpu.vector_load %arg5[%get3A_1150] {strides = array<i32>} : memref<10240xi32, #tpu.memory_space<vmem>>, vector<16xi32>,
        %get3A_1152 = vector.shape_cast %get3A_1151 : vector<16xi32> to vector<16xi32>
        %dma_start3A_1153 = arith.constant 3 : i32
        %dma_start3A_1154 = arith.constant 224 : i32
        %dma_start3A_1155 = arith.constant 0 : i32
        %dma_start3A_1156 = tpu.memref_slice %arg6[%dma_start3A_1153, %dma_start3A_1154, %dma_start3A_1155] : memref<4x256x64xf32, #tpu.memory_space<vmem>> -> memref<1x16x64xf32, #tpu.memory_space<vmem>>
        %dma_start3A_1157 = tpu.memref_squeeze %dma_start3A_1156 : memref<1x16x64xf32, #tpu.memory_space<vmem>> -> memref<16x64xf32, #tpu.memory_space<vmem>>
        %dma_start3A_1158 = arith.constant 0 : i32
        %dma_start3A_1159 = arith.constant 0 : i32
        %dma_start3A_1160 = tpu.memref_slice %arg3[%dma_start3A_1158, %dma_start3A_1159] : memref<1000000x64xf32, #tpu.memory_space<hbm>> -> memref<1000000x64xf32, #tpu.memory_space<hbm>>
        tpu.enqueue_indirect_dma source(%dma_start3A_1160 : memref<1000000x64xf32, #tpu.memory_space<hbm>>) target(%dma_start3A_1157 : memref<16x64xf32, #tpu.memory_space<vmem>>) offsets(%get3A_1152 : vector<16xi32>) semaphore(%arg10 : memref<!tpu.dma_semaphore, #tpu.memory_space<semaphore_mem>>)
        %mul3A_1161 = arith.constant 256 : i32
        %mul3A_1162 = arith.muli %add3A_935, %mul3A_1161 : i32
        %add3A_1163 = arith.constant 240 : i32
        %add3A_1164 = arith.addi %mul3A_1162, %add3A_1163 : i32
        %get3A_1165 = arith.index_cast %add3A_1164 : i32 to index
        %get3A_1166 = tpu.vector_load %arg5[%get3A_1165] {strides = array<i32>} : memref<10240xi32, #tpu.memory_space<vmem>>, vector<16xi32>,
        %get3A_1167 = vector.shape_cast %get3A_1166 : vector<16xi32> to vector<16xi32>
        %dma_start3A_1168 = arith.constant 3 : i32
        %dma_start3A_1169 = arith.constant 240 : i32
        %dma_start3A_1170 = arith.constant 0 : i32
        %dma_start3A_1171 = tpu.memref_slice %arg6[%dma_start3A_1168, %dma_start3A_1169, %dma_start3A_1170] : memref<4x256x64xf32, #tpu.memory_space<vmem>> -> memref<1x16x64xf32, #tpu.memory_space<vmem>>
        %dma_start3A_1172 = tpu.memref_squeeze %dma_start3A_1171 : memref<1x16x64xf32, #tpu.memory_space<vmem>> -> memref<16x64xf32, #tpu.memory_space<vmem>>
        %dma_start3A_1173 = arith.constant 0 : i32
        %dma_start3A_1174 = arith.constant 0 : i32
        %dma_start3A_1175 = tpu.memref_slice %arg3[%dma_start3A_1173, %dma_start3A_1174] : memref<1000000x64xf32, #tpu.memory_space<hbm>> -> memref<1000000x64xf32, #tpu.memory_space<hbm>>
        tpu.enqueue_indirect_dma source(%dma_start3A_1175 : memref<1000000x64xf32, #tpu.memory_space<hbm>>) target(%dma_start3A_1172 : memref<16x64xf32, #tpu.memory_space<vmem>>) offsets(%get3A_1167 : vector<16xi32>) semaphore(%arg10 : memref<!tpu.dma_semaphore, #tpu.memory_space<semaphore_mem>>)
      } else {
      }
    }
    %scan3A_709 = arith.constant 10 : i32
    %add3A_710 = arith.constant 9216 : i32
    %add3A_711 = arith.addi %mul3A_2, %add3A_710 : i32
    %dma_wait3A = arith.constant 0 : i32
    %dma_wait3A_712 = arith.constant 0 : i32
    %dma_wait3A_713 = arith.constant 0 : i32
    %dma_wait3A_714 = tpu.memref_slice %arg6[%dma_wait3A, %dma_wait3A_712, %dma_wait3A_713] : memref<4x256x64xf32, #tpu.memory_space<vmem>> -> memref<1x256x64xf32, #tpu.memory_space<vmem>>
    %dma_wait3A_715 = tpu.memref_squeeze %dma_wait3A_714 : memref<1x256x64xf32, #tpu.memory_space<vmem>> -> memref<256x64xf32, #tpu.memory_space<vmem>>
    %dma_wait3A_716 = arith.constant 0 : i32
    %dma_wait3A_717 = tpu.memref_slice %arg4[%add3A_711, %dma_wait3A_716] : memref<327680x64xf32, #tpu.memory_space<hbm>> -> memref<256x64xf32, #tpu.memory_space<hbm>>
    %dma_wait3A_718 = arith.constant 0 : i32
    %dma_wait3A_719 = tpu.memref_slice %arg4[%add3A_711, %dma_wait3A_718] : memref<327680x64xf32, #tpu.memory_space<hbm>> -> memref<256x64xf32, #tpu.memory_space<hbm>>
    %dma_wait3A_720 = arith.constant 0 : i32
    %dma_wait3A_721 = arith.constant 0 : i32
    %dma_wait3A_722 = tpu.memref_slice %arg6[%dma_wait3A, %dma_wait3A_720, %dma_wait3A_721] : memref<4x256x64xf32, #tpu.memory_space<vmem>> -> memref<1x256x64xf32, #tpu.memory_space<vmem>>
    %dma_wait3A_723 = tpu.memref_squeeze %dma_wait3A_722 : memref<1x256x64xf32, #tpu.memory_space<vmem>> -> memref<256x64xf32, #tpu.memory_space<vmem>>
    tpu.wait_dma2 semaphore(%arg11 : memref<!tpu.dma_semaphore, #tpu.memory_space<semaphore_mem>>) src(%dma_wait3A_723 : memref<256x64xf32, #tpu.memory_space<vmem>>) dst(%dma_wait3A_719 : memref<256x64xf32, #tpu.memory_space<hbm>>)
    %add3A_724 = arith.constant 9472 : i32
    %add3A_725 = arith.addi %mul3A_2, %add3A_724 : i32
    %dma_wait3A_726 = arith.constant 1 : i32
    %dma_wait3A_727 = arith.constant 0 : i32
    %dma_wait3A_728 = arith.constant 0 : i32
    %dma_wait3A_729 = tpu.memref_slice %arg6[%dma_wait3A_726, %dma_wait3A_727, %dma_wait3A_728] : memref<4x256x64xf32, #tpu.memory_space<vmem>> -> memref<1x256x64xf32, #tpu.memory_space<vmem>>
    %dma_wait3A_730 = tpu.memref_squeeze %dma_wait3A_729 : memref<1x256x64xf32, #tpu.memory_space<vmem>> -> memref<256x64xf32, #tpu.memory_space<vmem>>
    %dma_wait3A_731 = arith.constant 0 : i32
    %dma_wait3A_732 = tpu.memref_slice %arg4[%add3A_725, %dma_wait3A_731] : memref<327680x64xf32, #tpu.memory_space<hbm>> -> memref<256x64xf32, #tpu.memory_space<hbm>>
    %dma_wait3A_733 = arith.constant 0 : i32
    %dma_wait3A_734 = tpu.memref_slice %arg4[%add3A_725, %dma_wait3A_733] : memref<327680x64xf32, #tpu.memory_space<hbm>> -> memref<256x64xf32, #tpu.memory_space<hbm>>
    %dma_wait3A_735 = arith.constant 0 : i32
    %dma_wait3A_736 = arith.constant 0 : i32
    %dma_wait3A_737 = tpu.memref_slice %arg6[%dma_wait3A_726, %dma_wait3A_735, %dma_wait3A_736] : memref<4x256x64xf32, #tpu.memory_space<vmem>> -> memref<1x256x64xf32, #tpu.memory_space<vmem>>
    %dma_wait3A_738 = tpu.memref_squeeze %dma_wait3A_737 : memref<1x256x64xf32, #tpu.memory_space<vmem>> -> memref<256x64xf32, #tpu.memory_space<vmem>>
    tpu.wait_dma2 semaphore(%arg12 : memref<!tpu.dma_semaphore, #tpu.memory_space<semaphore_mem>>) src(%dma_wait3A_738 : memref<256x64xf32, #tpu.memory_space<vmem>>) dst(%dma_wait3A_734 : memref<256x64xf32, #tpu.memory_space<hbm>>)
    %add3A_739 = arith.constant 9728 : i32
    %add3A_740 = arith.addi %mul3A_2, %add3A_739 : i32
    %dma_wait3A_741 = arith.constant 2 : i32
    %dma_wait3A_742 = arith.constant 0 : i32
    %dma_wait3A_743 = arith.constant 0 : i32
    %dma_wait3A_744 = tpu.memref_slice %arg6[%dma_wait3A_741, %dma_wait3A_742, %dma_wait3A_743] : memref<4x256x64xf32, #tpu.memory_space<vmem>> -> memref<1x256x64xf32, #tpu.memory_space<vmem>>
    %dma_wait3A_745 = tpu.memref_squeeze %dma_wait3A_744 : memref<1x256x64xf32, #tpu.memory_space<vmem>> -> memref<256x64xf32, #tpu.memory_space<vmem>>
    %dma_wait3A_746 = arith.constant 0 : i32
    %dma_wait3A_747 = tpu.memref_slice %arg4[%add3A_740, %dma_wait3A_746] : memref<327680x64xf32, #tpu.memory_space<hbm>> -> memref<256x64xf32, #tpu.memory_space<hbm>>
    %dma_wait3A_748 = arith.constant 0 : i32
    %dma_wait3A_749 = tpu.memref_slice %arg4[%add3A_740, %dma_wait3A_748] : memref<327680x64xf32, #tpu.memory_space<hbm>> -> memref<256x64xf32, #tpu.memory_space<hbm>>
    %dma_wait3A_750 = arith.constant 0 : i32
    %dma_wait3A_751 = arith.constant 0 : i32
    %dma_wait3A_752 = tpu.memref_slice %arg6[%dma_wait3A_741, %dma_wait3A_750, %dma_wait3A_751] : memref<4x256x64xf32, #tpu.memory_space<vmem>> -> memref<1x256x64xf32, #tpu.memory_space<vmem>>
    %dma_wait3A_753 = tpu.memref_squeeze %dma_wait3A_752 : memref<1x256x64xf32, #tpu.memory_space<vmem>> -> memref<256x64xf32, #tpu.memory_space<vmem>>
    tpu.wait_dma2 semaphore(%arg13 : memref<!tpu.dma_semaphore, #tpu.memory_space<semaphore_mem>>) src(%dma_wait3A_753 : memref<256x64xf32, #tpu.memory_space<vmem>>) dst(%dma_wait3A_749 : memref<256x64xf32, #tpu.memory_space<hbm>>)
    %add3A_754 = arith.constant 9984 : i32
    %add3A_755 = arith.addi %mul3A_2, %add3A_754 : i32
    %dma_wait3A_756 = arith.constant 3 : i32
    %dma_wait3A_757 = arith.constant 0 : i32
    %dma_wait3A_758 = arith.constant 0 : i32
    %dma_wait3A_759 = tpu.memref_slice %arg6[%dma_wait3A_756, %dma_wait3A_757, %dma_wait3A_758] : memref<4x256x64xf32, #tpu.memory_space<vmem>> -> memref<1x256x64xf32, #tpu.memory_space<vmem>>
    %dma_wait3A_760 = tpu.memref_squeeze %dma_wait3A_759 : memref<1x256x64xf32, #tpu.memory_space<vmem>> -> memref<256x64xf32, #tpu.memory_space<vmem>>
    %dma_wait3A_761 = arith.constant 0 : i32
    %dma_wait3A_762 = tpu.memref_slice %arg4[%add3A_755, %dma_wait3A_761] : memref<327680x64xf32, #tpu.memory_space<hbm>> -> memref<256x64xf32, #tpu.memory_space<hbm>>
    %dma_wait3A_763 = arith.constant 0 : i32
    %dma_wait3A_764 = tpu.memref_slice %arg4[%add3A_755, %dma_wait3A_763] : memref<327680x64xf32, #tpu.memory_space<hbm>> -> memref<256x64xf32, #tpu.memory_space<hbm>>
    %dma_wait3A_765 = arith.constant 0 : i32
    %dma_wait3A_766 = arith.constant 0 : i32
    %dma_wait3A_767 = tpu.memref_slice %arg6[%dma_wait3A_756, %dma_wait3A_765, %dma_wait3A_766] : memref<4x256x64xf32, #tpu.memory_space<vmem>> -> memref<1x256x64xf32, #tpu.memory_space<vmem>>
    %dma_wait3A_768 = tpu.memref_squeeze %dma_wait3A_767 : memref<1x256x64xf32, #tpu.memory_space<vmem>> -> memref<256x64xf32, #tpu.memory_space<vmem>>
    tpu.wait_dma2 semaphore(%arg14 : memref<!tpu.dma_semaphore, #tpu.memory_space<semaphore_mem>>) src(%dma_wait3A_768 : memref<256x64xf32, #tpu.memory_space<vmem>>) dst(%dma_wait3A_764 : memref<256x64xf32, #tpu.memory_space<hbm>>)
    return
  }
}

</mosaic_0001>

<sc_bundles>
// kernel: kernel.3.cloned.1.call-start
scs
__scs_entry_jumppad:
0x0: {  	(pc) =	sbr.rel $0x88, $3  }
0x1: {  	(tag) =	ssettag $0x0;
	lr =	simm.s32 $0x1  }
0x2: {  	[smem:$0x3F9F] =	sst lr;
	_ =	strace $0xD0000000  }
0x3: {  	_ = 	snop  }
0x4: {  	_ = 	snop  }
0x5: {  	_ = 	snop  }
0x6: {  	_ = 	snop  }
0x7: {  	_ = 	snop  }
__scs_overlays_trampoline_lowered:
0x8: {  	[smem:$0x3FAE] =	sst s0  }
0x9: {  	[smem:$0x3FAF] =	sst s1  }
0xa: {  	[smem:$0x3FB0] =	sst s2  }
0xb: {  	[smem:$0x3FB1] =	sst s3  }
0xc: {  	[smem:$0x3FB2] =	sst s4  }
0xd: {  	[smem:$0x3FB3] =	sst s5  }
0xe: {  	[smem:$0x3FB4] =	sst s6  }
0xf: {  	[smem:$0x3FB5] =	sst s7  }
0x10: {  	[smem:$0x3FB6] =	sst s8  }
0x11: {  	[smem:$0x3FB7] =	sst s9;
	s0 =	simm.s32 @!p0 $0x0  }
0x12: {  	s1 =	sld [smem:$0x3F9D];
	s0 =	simm.s32 @p0 $0x1  }
0x13: {  	[smem:$0x3FB8] =	sst s0;
	s0 =	simm.s32 @!p1 $0x0  }
0x14: {  	s2 =	sld [smem:$0x3F9C];
	s0 =	simm.s32 @p1 $0x1  }
0x15: {  	[smem:$0x3FB9] =	sst s0;
	s0 =	simm.s32 @!p2 $0x0  }
0x16: {  	s3 =	sld [smem:$0x3FDB];
	s0 =	simm.s32 @p2 $0x1  }
0x17: {  	s4 =	simm.s32 $0x1BF5;
	[smem:$0x3FBB] =	sst s0  }
0x18: {  	s0 =	sld [smem:$0x3F9E];
	_ =	swait.ge [sflag:s4], $0x0  }
0x19: {  	s7 =	sld [smem:$0x3F9F]  }
0x1a: {  	s8 =	sadd.s32 $0xFFFFE003, lr  }
0x1b: {  	s9 =	sadd.s32 $0xFFFFFEF7, lr;
	s5 =	simm.s32 $0xFFFFFFFF;
	p2 =	slt.u32 s8, $0xFFFFF086  }
0x1c: {  	p1 =	slt.u32 s9, $0xF7A;
	s5 =	simm.s32 @!p2 $0x0  }
0x1d: {  	s5 =	simm.s32 @p1 $0x1;
	p0 =	seq.s32 s7, s2  }
0x1e: {  	s7 =	smul.u32 @!p0 $0xF7A, s2;
	p2 =	seq.s32 @!p0 s5, $0x0  }
0x1f: {  	s9 =	smul.u32 $0xF7A, s1;
	s8 =	simm.s32 @!p0 $0x1BF5;
	p2 =	por !p2, p0  }
0x20: {  	[sflag:s8] =	ssyncset.s32 @!p0 $0xFFFFF086;
	s6 =	sadd.s32 @!p0 s3, s7;
	s7 =	simm.s32 @!p0 $0x108  }
0x21: {  	s3 =	sadd.s32 s3, s9;
	s6 =	sadd.s32 @!p0 $0x88, s6;
	s7 =	simm.s32 @p2 $0x1082  }
0x22: {  	[simem:s7], [sflag:s8] =	dma.local @!p0 [hbm:s6], $0xF7A  }
0x23: {  	s9 =	sor.u32 $0xD0000000, s2;
	s6 =	simm.s32 $0x108;
	_ =	swait.ge @!p0 [sflag:s8], $0x0  }
0x24: {  	s3 =	sadd.s32 $0x88, s3;
	s6 =	simm.s32 @!p1 $0x1082;
	[sflag:s4] =	ssyncset.s32 $0xFFFFF086  }
0x25: {  	[simem:s6], [sflag:s4] =	dma.local [hbm:s3], $0xF7A  }
0x26: {  	[smem:$0x3F9F] =	sst s1;
	(tag) =	ssettag s2;
	_ =	strace s9  }
0x27: {  	s1 =	sld [smem:$0x3FAF]  }
0x28: {  	s2 =	sld [smem:$0x3FB0]  }
0x29: {  	s4 =	sld [smem:$0x3FB2]  }
0x2a: {  	p0 =	seq.s32 s5, $0x0;
	s5 =	sld [smem:$0x3FB3]  }
0x2b: {  	s6 =	sld [smem:$0x3FB4]  }
0x2c: {  	s7 =	sld [smem:$0x3FB5]  }
0x2d: {  	s3 =	simm.s32 $0x108;
	s8 =	sld [smem:$0x3FB6]  }
0x2e: {  	s3 =	simm.s32 @!p0 $0x1082;
	s9 =	sld [smem:$0x3FB7]  }
0x2f: {  	lr =	sadd.s32 s0, s3;
	s0 =	sld [smem:$0x3FAE]  }
0x30: {  	s3 =	sld [smem:$0x3FB1]  }
0x31: {  	[smem:$0x3FBA] =	sst s10  }
0x32: {  	s10 =	sld [smem:$0x3FB8];
	_ =	sdelay $0x3  }
0x33: {  	p0 =	seq.s32 s10, $0x1;
	s10 =	sld [smem:$0x3FBA];
	_ =	sdelay $0x3  }
0x34: {  	[smem:$0x3FBA] =	sst s10  }
0x35: {  	s10 =	sld [smem:$0x3FB9];
	_ =	sdelay $0x3  }
0x36: {  	p1 =	seq.s32 s10, $0x1;
	s10 =	sld [smem:$0x3FBA];
	_ =	sdelay $0x3  }
0x37: {  	[smem:$0x3FBA] =	sst s10  }
0x38: {  	s10 =	sld [smem:$0x3FBB]  }
0x39: {  	_ = 	snop;
	(pc) =	sbr.ind lr, $3  }
0x3a: {  	_ = 	snop  }
0x3b: {  	_ = 	snop  }
0x3c: {  	p2 =	seq.s32 s10, $0x1;
	s10 =	sld [smem:$0x3FBA]  }
0x3d: {  	_ =	shalt  }
0x3e: {  	_ =	shalt  }
0x3f: {  	_ =	shalt  }
0x40: {  	_ =	shalt  }
0x41: {  	_ =	shalt  }
0x42: {  	_ =	shalt  }
0x43: {  	_ =	shalt  }
0x44: {  	_ =	shalt  }
0x45: {  	_ =	shalt  }
0x46: {  	_ =	shalt  }
0x47: {  	_ =	shalt  }
0x48: {  	_ =	shalt  }
0x49: {  	_ =	shalt  }
0x4a: {  	_ =	shalt  }
0x4b: {  	_ =	shalt  }
0x4c: {  	_ =	shalt  }
0x4d: {  	_ =	shalt  }
0x4e: {  	_ =	shalt  }
0x4f: {  	_ =	shalt  }
0x50: {  	_ =	shalt  }
0x51: {  	_ =	shalt  }
0x52: {  	_ =	shalt  }
0x53: {  	_ =	shalt  }
0x54: {  	_ =	shalt  }
0x55: {  	_ =	shalt  }
0x56: {  	_ =	shalt  }
0x57: {  	_ =	shalt  }
0x58: {  	_ =	shalt  }
0x59: {  	_ =	shalt  }
0x5a: {  	_ =	shalt  }
0x5b: {  	_ =	shalt  }
0x5c: {  	_ =	shalt  }
0x5d: {  	_ =	shalt  }
0x5e: {  	_ =	shalt  }
0x5f: {  	_ =	shalt  }
0x60: {  	_ =	shalt  }
0x61: {  	_ =	shalt  }
0x62: {  	_ =	shalt  }
0x63: {  	_ =	shalt  }
0x64: {  	_ =	shalt  }
0x65: {  	_ =	shalt  }
0x66: {  	_ =	shalt  }
0x67: {  	_ =	shalt  }
0x68: {  	_ =	shalt  }
0x69: {  	_ =	shalt  }
0x6a: {  	_ =	shalt  }
0x6b: {  	_ =	shalt  }
0x6c: {  	_ =	shalt  }
0x6d: {  	_ =	shalt  }
0x6e: {  	_ =	shalt  }
0x6f: {  	_ =	shalt  }
0x70: {  	_ =	shalt  }
0x71: {  	_ =	shalt  }
0x72: {  	_ =	shalt  }
0x73: {  	_ =	shalt  }
0x74: {  	_ =	shalt  }
0x75: {  	_ =	shalt  }
0x76: {  	_ =	shalt  }
0x77: {  	_ =	shalt  }
0x78: {  	_ =	shalt  }
0x79: {  	_ =	shalt  }
0x7a: {  	_ =	shalt  }
0x7b: {  	_ =	shalt  }
0x7c: {  	_ =	shalt  }
0x7d: {  	_ =	shalt  }
0x7e: {  	_ =	shalt  }
0x7f: {  	_ =	shalt  }
0x80: {  	_ =	shalt  }
0x81: {  	_ =	shalt  }
0x82: {  	_ =	shalt  }
0x83: {  	_ =	shalt  }
0x84: {  	_ =	shalt  }
0x85: {  	_ =	shalt  }
0x86: {  	_ =	shalt  }
0x87: {  	_ =	shalt  }
.Lfunc_end0:
.L_simem_size_0:
called_computation.1_lowered:
.L_overlay_start_0:
0x88: {  	s2 =	sld [smem:$0x3FD9]  }
0x89: {  	s3 =	sld [smem:$0x3FFE];
	_ =	sdelay $0x1  }
0x8a: {  	s1 =	srdreg.scid  }
0x8b: {  	s0 =	sand.u32 $0x1, s1  }
0x8c: {  	s17 =	sshll.u32 s0, $0xA;
	s2 =	sadd.s32 s3, s2  }
0x8d: {  	s2 =	sadd.s32 s2, s17  }
0x8e: {  	[smem:$0x3FC6] =	sst s2  }
0x8f: {  	_ = 	snop  }
0x90: {  	s2 =	sld [smem:$0x3FD0];
	(tm) =	ssettm $0x1  }
0x91: {  	s18 =	sld [smem:$0x3FFB];
	_ =	sdelay $0x3  }
0x92: {  	_ =	strace s18  }
0x93: {  	s3 =	sld [smem:$0x3FFC];
	_ =	sdelay $0x3  }
0x94: {  	_ =	strace s3  }
0x95: {  	s3 =	sld [smem:$0x3FFD];
	_ =	sdelay $0x3  }
0x96: {  	_ =	strace s3  }
0x97: {  	_ =	strace $0x8FFFFFFF  }
0x98: {  	s19 =	sld [smem:$0x3FDB];
	_ =	sdelay $0x1  }
0x99: {  	s4 =	simm.s32 $_scs_section_size  }
0x9a: {  	s5 =	simm.s32 $_size__tile_overlayer_lowered;
	s6 =	simm.s32 $_tile_overlayer_lowered  }
0x9b: {  	s22 =	simm.s32 $0x1BFF;
	s21 =	sshll.u32 s6, $0x1;
	s3 =	sadd.s32 s4, s19  }
0x9c: {  	s7 =	simm.s32 $0x0;
	s20 =	sshll.u32 s5, $0x1;
	s5 =	sadd.s32 s21, s3  }
0x9d: {  	[timem:s7], [sflag:s22] =	dma.local [hbm:s5], s20  }
0x9e: {  	_ =	swait.ge [sflag:s22], s20  }
0x9f: {  	s4 =	ssub.s32 $0x0, s20;
	[sflag:s22] =	ssyncset.done $0x0  }
0xa0: {  	[sflag:s22] =	ssyncadd.s32 s4;
	_ =	sdelay $0x1  }
0xa1: {  	s23 =	simm.s32 $0x1B8B  }
0xa2: {  	_ =	swait.ge [sflag:s23], $0x1  }
0xa3: {  	[sflag:s23] =	ssyncset.done $0x0  }
0xa4: {  	s25 =	simm.s32 $0x1B8E;
	s24 =	sld [smem:$0x3FFE];
	[sflag:s23] =	ssyncadd.s32 $0xFFFFFFFF  }
0xa5: {  	s26 =	simm.s32 $execute0_lowered;
	[smem:$0x3FD2] =	sst s25  }
0xa6: {  	s5 =	sshll.u32 s26, $0x1;
	_ =	strace $0x80000046;
	[dreg:$0x1] =	wrdreg $0xFFFFFFFF  }
0xa7: {  	s28 =	simm.s32 $_size_execute0_lowered;
	s3 =	sadd.s32 s3, s5;
	[dreg:$0x0] =	wrdreg $0x0  }
0xa8: {  	s5 =	sshll.u32 s28, $0x1;
	[dreg:$0x2] =	wrdreg s3  }
0xa9: {  	[dreg:$0x3] =	wrdreg s5  }
0xaa: {  	[dreg:$0x4] =	wrdreg $0xC0  }
0xab: {  	_ =	task [dreg:s7], $0x5FFFF  }
0xac: {  	[dreg:$0x1] =	wrdreg $0xFFFFFFFF  }
0xad: {  	[dreg:$0x0] =	wrdreg $0x60  }
0xae: {  	[dreg:$0x2] =	wrdreg s24  }
0xaf: {  	[dreg:$0x3] =	wrdreg s2  }
0xb0: {  	[dreg:$0x4] =	wrdreg $0x9  }
0xb1: {  	_ =	task.clear_ibuf [dreg:s7], $0x5FFFF;
	_ =	strace $0x90000046  }
0xb2: {  	s29 =	simm.s32 $0x9;
	_ =	strace $0x80000048  }
0xb3: {  	_ =	swait.ge [sflag:s29], $0x1  }
0xb4: {  	[sflag:s29] =	ssyncadd.s32 $0xFFFFFFFF  }
0xb5: {  	_ =	strace $0x90000048  }
0xb6: {  	_ =	sfence  }
0xb7: {  	s30 =	sld [smem:$0x0];
	_ =	sdelay $0x2  }
0xb8: {  	s31 =	sshll.u32 s1, $0xD;
	s1 =	sshrl.u32 s1, $0x2  }
0xb9: {  	s3 =	sand.u32 $0x4000, s31;
	s1 =	sadd.s32 s1, s30  }
0xba: {  	s0 =	sor.u32 s3, s0;
	s1 =	sshll.u32 s1, $0x11  }
0xbb: {  	s0 =	sor.u32 s1, s0  }
0xbc: {  	s0 =	sadd.s32 $0x8F2B, s0  }
0xbd: {  	[sflag:s0] =	ssyncadd.remote.s32 $0x1  }
0xbe: {  	_ =	sfence.sel $0xFFFF  }
0xbf: {  	[dreg:$0x0] =	wrdreg $0xFFFFFFFF;
	(pc) =	sbr.abs _section_cstart, $3  }
0xc0: {  	[dreg:$0x1] =	wrdreg $0xFFFFFFFF  }
0xc1: {  	_ =	task.clear_ibuf [dreg:s7], $0x2FFFF;
	_ =	strace $0x9FFFFFFF  }
0xc2: {  	(tm) =	ssettm $0x7FFFFFFF  }
0xc3: {  	_ =	shalt  }
tec
execute0_lowered:
.L_overlay_start_1:
0x0: {  	(tag) =	ssettag $0x1  }
0x1: {  	s0 =	srdreg.scid;
	s1 =	rddreg [dreg:$0x0]  }
0x2: {  	s6 =	stileid.u32;
	s4 =	rddreg [dreg:$0x1];
	s18 =	simm.s32 $0xE800  }
0x3: {  	s20 =	simm.s32 $0xF000;
	s21 =	simm.s32 $0xF400;
	s23 =	simm.s32 $0xF800  }
0x4: {  	s29 =	simm.s32 $0x10800;
	s30 =	simm.s32 $0x10C00;
	s31 =	simm.s32 $0x11000  }
0x5: {  	s12 =	simm.s32 $0x11C00;
	s13 =	simm.s32 $0x12000;
	s14 =	simm.s32 $0x12400  }
0x6: {  	s15 =	simm.s32 $0x1;
	s16 =	simm.s32 $0x2;
	s17 =	simm.s32 $0x3  }
0x7: {  	s0 =	sand.u32 $0x1, s0;
	s2 =	sshll.u32 s6, $0x1;
	s5 =	smul.u32 $0x140000, s6  }
0x8: {  	s11 =	simm.s32 $0x0;
	s6 =	smul.u32 $0x5000, s6;
	s3 =	sor.u32 s0, s2  }
0x9: {  	s2 =	simm.s32 $0x0;
	s7 =	ssub.s32 $0x2, s0;
	s8 =	smul.u32 $0x2800, s0  }
0xa: {  	s0 =	smul.u32 $0xA0000, s0;
	[smem:$0x7FF] =	sst s2;
	s10 =	sshrl.u32 s7, $0x1  }
0xb: {  	s3 =	smul.u32 $0x2800, s3;
	_ =	strace $0x80000047;
	s24 =	ssub.s32 s7, s10  }
0xc: {  	s6 =	sadd.s32 s8, s6;
	s0 =	sadd.s32 s0, s5;
	s10 =	simm.s32 $0x8  }
0xd: {  	s3 =	sshrl.u32 s3, $0x3;
	s26 =	sshll.u32 s6, $0x3;
	s0 =	sshrl.u32 s0, $0x3  }
0xe: {  	s9 =	sadd.s32 s3, s1;
	s3 =	sadd.s32 $0xF42E00, s1;
	s1 =	smax.u32 s24, $0x1  }
.Ltmp0:
0xf: {  	s28 =	sadd.s32 s26, s4;
	s6 =	sadd.s32 s0, s4;
	(pc) =	sbr.rel .LBB2_1-.Ltmp0, $4  }
0x10: {  	s24 =	simm.s32 $0xFC00;
	s26 =	simm.s32 $0x10400;
	s0 =	simm.s32 $0x11800  }
0x11: {  	s4 =	simm.s32 $0x4;
	s25 =	sadd.s32 $0xA00, s9;
	[dreg:$0x4] =	wrdreg s1  }
0x12: {  	s7 =	sadd.s32 $0x1800, s28;
	s8 =	sadd.s32 $0x1000, s28;
	s9 =	sadd.s32 $0x800, s28  }
0x13: {  	vm0 =	vmmov $0xffff;
	s1 =	simm.s32 $0x11400;
	[dreg:$0x3] =	wrdreg s25;
	s25 =	simm.s32 $0x10000  }
.LBB2_4:
0x14: {  	s5 =	simm.s32 $0x5  }
0x15: {  	_ =	swait.ge [sflag:s5], $0x4000  }
0x16: {  	[sflag:s5] =	ssyncset.done $0x0  }
0x17: {  	s19 =	simm.s32 $0x6;
	[sflag:s5] =	ssyncadd.s32 $0xFFFFC000  }
0x18: {  	_ =	swait.ge [sflag:s19], $0x4000  }
0x19: {  	[sflag:s19] =	ssyncset.done $0x0  }
0x1a: {  	s22 =	simm.s32 $0x7;
	[sflag:s19] =	ssyncadd.s32 $0xFFFFC000  }
0x1b: {  	_ =	swait.ge [sflag:s22], $0x4000  }
0x1c: {  	[sflag:s22] =	ssyncset.done $0x0  }
0x1d: {  	[sflag:s22] =	ssyncadd.s32 $0xFFFFC000  }
0x1e: {  	_ =	swait.ge [sflag:s10], $0x4000  }
0x1f: {  	s11 =	rddreg [dreg:$0x5]  }
0x20: {  	s28 =	rddreg [dreg:$0x4];
	s11 =	sadd.s32 $0x1, s11  }
0x21: {  	p0 =	sne.s32 s11, s28  }
.Ltmp1:
0x22: {  	_ = 	snop;
	(pc) =	sbr.rel @!p0 .LBB2_5-.Ltmp1, $3  }
0x23: {  	_ =	sdelay $0x1  }
0x24: {  	[sflag:s10] =	ssyncset.done $0x0  }
0x25: {  	[sflag:s10] =	ssyncadd.s32 $0xFFFFC000  }
.LBB2_1:
0x26: {  	[dreg:$0x5] =	wrdreg s11  }
0x27: {  	s5 =	rddreg [dreg:$0x3];
	s22 =	simm.s32 $0x9  }
0x28: {  	[tilespmem:s2], [sflag:$0x9] =	stream.linear.gather [hbm4b:s5+s2], $0x2800, $0x38;
	[tilespmem:$0x12800] =	vst v63  }
0x29: {  	_ =	swait.ge [sflag:s22], $0x2800  }
0x2a: {  	[sflag:s22] =	ssyncset.done $0x0  }
0x2b: {  	[sflag:s22] =	ssyncadd.s32 $0xFFFFD800  }
0x2c: {  	v0 =	vld [tilespmem:$0x0];
	_ =	sdelay $0x6  }
0x2d: {  	s28 =	simm.s32 $0x2800  }
0x2e: {  	[tilespmem:s28], [sflag:$0x1] =	stream.indirect_vreg.gather [hbm4b:s3+s2], $0x40, v0, vm0, $0xb8;
	[tilespmem:$0x12800] =	vst v63  }
0x2f: {  	v0 =	vld [tilespmem:$0x10];
	_ =	sdelay $0x6  }
0x30: {  	s11 =	simm.s32 $0x2C00  }
0x31: {  	[tilespmem:s11], [sflag:$0x1] =	stream.indirect_vreg.gather [hbm4b:s3+s2], $0x40, v0, vm0, $0xb8;
	[tilespmem:$0x12800] =	vst v63  }
0x32: {  	v0 =	vld [tilespmem:$0x20];
	_ =	sdelay $0x6  }
0x33: {  	s19 =	simm.s32 $0x3000  }
0x34: {  	[tilespmem:s19], [sflag:$0x1] =	stream.indirect_vreg.gather [hbm4b:s3+s2], $0x40, v0, vm0, $0xb8;
	[tilespmem:$0x12800] =	vst v63  }
0x35: {  	v0 =	vld [tilespmem:$0x30];
	_ =	sdelay $0x6  }
0x36: {  	s22 =	simm.s32 $0x3400  }
0x37: {  	[tilespmem:s22], [sflag:$0x1] =	stream.indirect_vreg.gather [hbm4b:s3+s2], $0x40, v0, vm0, $0xb8;
	[tilespmem:$0x12800] =	vst v63  }
0x38: {  	v0 =	vld [tilespmem:$0x40];
	_ =	sdelay $0x6  }
0x39: {  	s28 =	simm.s32 $0x3800  }
0x3a: {  	[tilespmem:s28], [sflag:$0x1] =	stream.indirect_vreg.gather [hbm4b:s3+s2], $0x40, v0, vm0, $0xb8;
	[tilespmem:$0x12800] =	vst v63  }
0x3b: {  	v0 =	vld [tilespmem:$0x50];
	_ =	sdelay $0x6  }
0x3c: {  	s11 =	simm.s32 $0x3C00  }
0x3d: {  	[tilespmem:s11], [sflag:$0x1] =	stream.indirect_vreg.gather [hbm4b:s3+s2], $0x40, v0, vm0, $0xb8;
	[tilespmem:$0x12800] =	vst v63  }
0x3e: {  	v0 =	vld [tilespmem:$0x60];
	_ =	sdelay $0x6  }
0x3f: {  	s19 =	simm.s32 $0x4000  }
0x40: {  	[tilespmem:s19], [sflag:$0x1] =	stream.indirect_vreg.gather [hbm4b:s3+s2], $0x40, v0, vm0, $0xb8;
	[tilespmem:$0x12800] =	vst v63  }
0x41: {  	v0 =	vld [tilespmem:$0x70];
	_ =	sdelay $0x6  }
0x42: {  	s22 =	simm.s32 $0x4400  }
0x43: {  	[tilespmem:s22], [sflag:$0x1] =	stream.indirect_vreg.gather [hbm4b:s3+s2], $0x40, v0, vm0, $0xb8;
	[tilespmem:$0x12800] =	vst v63  }
0x44: {  	v0 =	vld [tilespmem:$0x80];
	_ =	sdelay $0x6  }
0x45: {  	s28 =	simm.s32 $0x4800  }
0x46: {  	[tilespmem:s28], [sflag:$0x1] =	stream.indirect_vreg.gather [hbm4b:s3+s2], $0x40, v0, vm0, $0xb8;
	[tilespmem:$0x12800] =	vst v63  }
0x47: {  	v0 =	vld [tilespmem:$0x90];
	_ =	sdelay $0x6  }
0x48: {  	s11 =	simm.s32 $0x4C00  }
0x49: {  	[tilespmem:s11], [sflag:$0x1] =	stream.indirect_vreg.gather [hbm4b:s3+s2], $0x40, v0, vm0, $0xb8;
	[tilespmem:$0x12800] =	vst v63  }
0x4a: {  	v0 =	vld [tilespmem:$0xA0];
	_ =	sdelay $0x6  }
0x4b: {  	s19 =	simm.s32 $0x5000  }
0x4c: {  	[tilespmem:s19], [sflag:$0x1] =	stream.indirect_vreg.gather [hbm4b:s3+s2], $0x40, v0, vm0, $0xb8;
	[tilespmem:$0x12800] =	vst v63  }
0x4d: {  	v0 =	vld [tilespmem:$0xB0];
	_ =	sdelay $0x6  }
0x4e: {  	s22 =	simm.s32 $0x5400  }
0x4f: {  	[tilespmem:s22], [sflag:$0x1] =	stream.indirect_vreg.gather [hbm4b:s3+s2], $0x40, v0, vm0, $0xb8;
	[tilespmem:$0x12800] =	vst v63  }
0x50: {  	v0 =	vld [tilespmem:$0xC0];
	_ =	sdelay $0x6  }
0x51: {  	s28 =	simm.s32 $0x5800  }
0x52: {  	[tilespmem:s28], [sflag:$0x1] =	stream.indirect_vreg.gather [hbm4b:s3+s2], $0x40, v0, vm0, $0xb8;
	[tilespmem:$0x12800] =	vst v63  }
0x53: {  	v0 =	vld [tilespmem:$0xD0];
	_ =	sdelay $0x6  }
0x54: {  	s11 =	simm.s32 $0x5C00  }
0x55: {  	[tilespmem:s11], [sflag:$0x1] =	stream.indirect_vreg.gather [hbm4b:s3+s2], $0x40, v0, vm0, $0xb8;
	[tilespmem:$0x12800] =	vst v63  }
0x56: {  	v0 =	vld [tilespmem:$0xE0];
	_ =	sdelay $0x6  }
0x57: {  	s19 =	simm.s32 $0x6000  }
0x58: {  	[tilespmem:s19], [sflag:$0x1] =	stream.indirect_vreg.gather [hbm4b:s3+s2], $0x40, v0, vm0, $0xb8;
	[tilespmem:$0x12800] =	vst v63  }
0x59: {  	v0 =	vld [tilespmem:$0xF0];
	_ =	sdelay $0x6  }
0x5a: {  	s22 =	simm.s32 $0x6400  }
0x5b: {  	[tilespmem:s22], [sflag:$0x1] =	stream.indirect_vreg.gather [hbm4b:s3+s2], $0x40, v0, vm0, $0xb8;
	[tilespmem:$0x12800] =	vst v63  }
0x5c: {  	v0 =	vld [tilespmem:$0x100];
	_ =	sdelay $0x6  }
0x5d: {  	s28 =	simm.s32 $0x6800  }
0x5e: {  	[tilespmem:s28], [sflag:$0x2] =	stream.indirect_vreg.gather [hbm4b:s3+s2], $0x40, v0, vm0, $0xb8;
	[tilespmem:$0x12800] =	vst v63  }
0x5f: {  	v0 =	vld [tilespmem:$0x110];
	_ =	sdelay $0x6  }
0x60: {  	s11 =	simm.s32 $0x6C00  }
0x61: {  	[tilespmem:s11], [sflag:$0x2] =	stream.indirect_vreg.gather [hbm4b:s3+s2], $0x40, v0, vm0, $0xb8;
	[tilespmem:$0x12800] =	vst v63  }
0x62: {  	v0 =	vld [tilespmem:$0x120];
	_ =	sdelay $0x6  }
0x63: {  	s19 =	simm.s32 $0x7000  }
0x64: {  	[tilespmem:s19], [sflag:$0x2] =	stream.indirect_vreg.gather [hbm4b:s3+s2], $0x40, v0, vm0, $0xb8;
	[tilespmem:$0x12800] =	vst v63  }
0x65: {  	v0 =	vld [tilespmem:$0x130];
	_ =	sdelay $0x6  }
0x66: {  	s22 =	simm.s32 $0x7400  }
0x67: {  	[tilespmem:s22], [sflag:$0x2] =	stream.indirect_vreg.gather [hbm4b:s3+s2], $0x40, v0, vm0, $0xb8;
	[tilespmem:$0x12800] =	vst v63  }
0x68: {  	v0 =	vld [tilespmem:$0x140];
	_ =	sdelay $0x6  }
0x69: {  	s28 =	simm.s32 $0x7800  }
0x6a: {  	[tilespmem:s28], [sflag:$0x2] =	stream.indirect_vreg.gather [hbm4b:s3+s2], $0x40, v0, vm0, $0xb8;
	[tilespmem:$0x12800] =	vst v63  }
0x6b: {  	v0 =	vld [tilespmem:$0x150];
	_ =	sdelay $0x6  }
0x6c: {  	s11 =	simm.s32 $0x7C00  }
0x6d: {  	[tilespmem:s11], [sflag:$0x2] =	stream.indirect_vreg.gather [hbm4b:s3+s2], $0x40, v0, vm0, $0xb8;
	[tilespmem:$0x12800] =	vst v63  }
0x6e: {  	v0 =	vld [tilespmem:$0x160];
	_ =	sdelay $0x6  }
0x6f: {  	s19 =	simm.s32 $0x8000  }
0x70: {  	[tilespmem:s19], [sflag:$0x2] =	stream.indirect_vreg.gather [hbm4b:s3+s2], $0x40, v0, vm0, $0xb8;
	[tilespmem:$0x12800] =	vst v63  }
0x71: {  	v0 =	vld [tilespmem:$0x170];
	_ =	sdelay $0x6  }
0x72: {  	s22 =	simm.s32 $0x8400  }
0x73: {  	[tilespmem:s22], [sflag:$0x2] =	stream.indirect_vreg.gather [hbm4b:s3+s2], $0x40, v0, vm0, $0xb8;
	[tilespmem:$0x12800] =	vst v63  }
0x74: {  	v0 =	vld [tilespmem:$0x180];
	_ =	sdelay $0x6  }
0x75: {  	s28 =	simm.s32 $0x8800  }
0x76: {  	[tilespmem:s28], [sflag:$0x2] =	stream.indirect_vreg.gather [hbm4b:s3+s2], $0x40, v0, vm0, $0xb8;
	[tilespmem:$0x12800] =	vst v63  }
0x77: {  	v0 =	vld [tilespmem:$0x190];
	_ =	sdelay $0x6  }
0x78: {  	s11 =	simm.s32 $0x8C00  }
0x79: {  	[tilespmem:s11], [sflag:$0x2] =	stream.indirect_vreg.gather [hbm4b:s3+s2], $0x40, v0, vm0, $0xb8;
	[tilespmem:$0x12800] =	vst v63  }
0x7a: {  	v0 =	vld [tilespmem:$0x1A0];
	_ =	sdelay $0x6  }
0x7b: {  	s19 =	simm.s32 $0x9000  }
0x7c: {  	[tilespmem:s19], [sflag:$0x2] =	stream.indirect_vreg.gather [hbm4b:s3+s2], $0x40, v0, vm0, $0xb8;
	[tilespmem:$0x12800] =	vst v63  }
0x7d: {  	v0 =	vld [tilespmem:$0x1B0];
	_ =	sdelay $0x6  }
0x7e: {  	s22 =	simm.s32 $0x9400  }
0x7f: {  	[tilespmem:s22], [sflag:$0x2] =	stream.indirect_vreg.gather [hbm4b:s3+s2], $0x40, v0, vm0, $0xb8;
	[tilespmem:$0x12800] =	vst v63  }
0x80: {  	v0 =	vld [tilespmem:$0x1C0];
	_ =	sdelay $0x6  }
0x81: {  	s28 =	simm.s32 $0x9800  }
0x82: {  	[tilespmem:s28], [sflag:$0x2] =	stream.indirect_vreg.gather [hbm4b:s3+s2], $0x40, v0, vm0, $0xb8;
	[tilespmem:$0x12800] =	vst v63  }
0x83: {  	v0 =	vld [tilespmem:$0x1D0];
	_ =	sdelay $0x6  }
0x84: {  	s11 =	simm.s32 $0x9C00  }
0x85: {  	[tilespmem:s11], [sflag:$0x2] =	stream.indirect_vreg.gather [hbm4b:s3+s2], $0x40, v0, vm0, $0xb8;
	[tilespmem:$0x12800] =	vst v63  }
0x86: {  	v0 =	vld [tilespmem:$0x1E0];
	_ =	sdelay $0x6  }
0x87: {  	s19 =	simm.s32 $0xA000  }
0x88: {  	[tilespmem:s19], [sflag:$0x2] =	stream.indirect_vreg.gather [hbm4b:s3+s2], $0x40, v0, vm0, $0xb8;
	[tilespmem:$0x12800] =	vst v63  }
0x89: {  	v0 =	vld [tilespmem:$0x1F0];
	_ =	sdelay $0x6  }
0x8a: {  	s22 =	simm.s32 $0xA400  }
0x8b: {  	[tilespmem:s22], [sflag:$0x2] =	stream.indirect_vreg.gather [hbm4b:s3+s2], $0x40, v0, vm0, $0xb8;
	[tilespmem:$0x12800] =	vst v63  }
0x8c: {  	v0 =	vld [tilespmem:$0x200];
	_ =	sdelay $0x6  }
0x8d: {  	s28 =	simm.s32 $0xA800  }
0x8e: {  	[tilespmem:s28], [sflag:$0x3] =	stream.indirect_vreg.gather [hbm4b:s3+s2], $0x40, v0, vm0, $0xb8;
	[tilespmem:$0x12800] =	vst v63  }
0x8f: {  	v0 =	vld [tilespmem:$0x210];
	_ =	sdelay $0x6  }
0x90: {  	s11 =	simm.s32 $0xAC00  }
0x91: {  	[tilespmem:s11], [sflag:$0x3] =	stream.indirect_vreg.gather [hbm4b:s3+s2], $0x40, v0, vm0, $0xb8;
	[tilespmem:$0x12800] =	vst v63  }
0x92: {  	v0 =	vld [tilespmem:$0x220];
	_ =	sdelay $0x6  }
0x93: {  	s19 =	simm.s32 $0xB000  }
0x94: {  	[tilespmem:s19], [sflag:$0x3] =	stream.indirect_vreg.gather [hbm4b:s3+s2], $0x40, v0, vm0, $0xb8;
	[tilespmem:$0x12800] =	vst v63  }
0x95: {  	v0 =	vld [tilespmem:$0x230];
	_ =	sdelay $0x6  }
0x96: {  	s22 =	simm.s32 $0xB400  }
0x97: {  	[tilespmem:s22], [sflag:$0x3] =	stream.indirect_vreg.gather [hbm4b:s3+s2], $0x40, v0, vm0, $0xb8;
	[tilespmem:$0x12800] =	vst v63  }
0x98: {  	v0 =	vld [tilespmem:$0x240];
	_ =	sdelay $0x6  }
0x99: {  	s28 =	simm.s32 $0xB800  }
0x9a: {  	[tilespmem:s28], [sflag:$0x3] =	stream.indirect_vreg.gather [hbm4b:s3+s2], $0x40, v0, vm0, $0xb8;
	[tilespmem:$0x12800] =	vst v63  }
0x9b: {  	v0 =	vld [tilespmem:$0x250];
	_ =	sdelay $0x6  }
0x9c: {  	s11 =	simm.s32 $0xBC00  }
0x9d: {  	[tilespmem:s11], [sflag:$0x3] =	stream.indirect_vreg.gather [hbm4b:s3+s2], $0x40, v0, vm0, $0xb8;
	[tilespmem:$0x12800] =	vst v63  }
0x9e: {  	v0 =	vld [tilespmem:$0x260];
	_ =	sdelay $0x6  }
0x9f: {  	s19 =	simm.s32 $0xC000  }
0xa0: {  	[tilespmem:s19], [sflag:$0x3] =	stream.indirect_vreg.gather [hbm4b:s3+s2], $0x40, v0, vm0, $0xb8;
	[tilespmem:$0x12800] =	vst v63  }
0xa1: {  	v0 =	vld [tilespmem:$0x270];
	_ =	sdelay $0x6  }
0xa2: {  	s22 =	simm.s32 $0xC400  }
0xa3: {  	[tilespmem:s22], [sflag:$0x3] =	stream.indirect_vreg.gather [hbm4b:s3+s2], $0x40, v0, vm0, $0xb8;
	[tilespmem:$0x12800] =	vst v63  }
0xa4: {  	v0 =	vld [tilespmem:$0x280];
	_ =	sdelay $0x6  }
0xa5: {  	s28 =	simm.s32 $0xC800  }
0xa6: {  	[tilespmem:s28], [sflag:$0x3] =	stream.indirect_vreg.gather [hbm4b:s3+s2], $0x40, v0, vm0, $0xb8;
	[tilespmem:$0x12800] =	vst v63  }
0xa7: {  	v0 =	vld [tilespmem:$0x290];
	_ =	sdelay $0x6  }
0xa8: {  	s11 =	simm.s32 $0xCC00  }
0xa9: {  	[tilespmem:s11], [sflag:$0x3] =	stream.indirect_vreg.gather [hbm4b:s3+s2], $0x40, v0, vm0, $0xb8;
	[tilespmem:$0x12800] =	vst v63  }
0xaa: {  	v0 =	vld [tilespmem:$0x2A0];
	_ =	sdelay $0x6  }
0xab: {  	s19 =	simm.s32 $0xD000  }
0xac: {  	[tilespmem:s19], [sflag:$0x3] =	stream.indirect_vreg.gather [hbm4b:s3+s2], $0x40, v0, vm0, $0xb8;
	[tilespmem:$0x12800] =	vst v63  }
0xad: {  	v0 =	vld [tilespmem:$0x2B0];
	_ =	sdelay $0x6  }
0xae: {  	s22 =	simm.s32 $0xD400  }
0xaf: {  	[tilespmem:s22], [sflag:$0x3] =	stream.indirect_vreg.gather [hbm4b:s3+s2], $0x40, v0, vm0, $0xb8;
	[tilespmem:$0x12800] =	vst v63  }
0xb0: {  	v0 =	vld [tilespmem:$0x2C0];
	_ =	sdelay $0x6  }
0xb1: {  	s28 =	simm.s32 $0xD800  }
0xb2: {  	[tilespmem:s28], [sflag:$0x3] =	stream.indirect_vreg.gather [hbm4b:s3+s2], $0x40, v0, vm0, $0xb8;
	[tilespmem:$0x12800] =	vst v63  }
0xb3: {  	v0 =	vld [tilespmem:$0x2D0];
	_ =	sdelay $0x6  }
0xb4: {  	s11 =	simm.s32 $0xDC00  }
0xb5: {  	[tilespmem:s11], [sflag:$0x3] =	stream.indirect_vreg.gather [hbm4b:s3+s2], $0x40, v0, vm0, $0xb8;
	[tilespmem:$0x12800] =	vst v63  }
0xb6: {  	v0 =	vld [tilespmem:$0x2E0];
	_ =	sdelay $0x6  }
0xb7: {  	s19 =	simm.s32 $0xE000  }
0xb8: {  	[tilespmem:s19], [sflag:$0x3] =	stream.indirect_vreg.gather [hbm4b:s3+s2], $0x40, v0, vm0, $0xb8;
	[tilespmem:$0x12800] =	vst v63  }
0xb9: {  	v0 =	vld [tilespmem:$0x2F0];
	_ =	sdelay $0x6  }
0xba: {  	s22 =	simm.s32 $0xE400  }
0xbb: {  	[tilespmem:s22], [sflag:$0x3] =	stream.indirect_vreg.gather [hbm4b:s3+s2], $0x40, v0, vm0, $0xb8;
	[tilespmem:$0x12800] =	vst v63  }
0xbc: {  	v0 =	vld [tilespmem:$0x300];
	_ =	sdelay $0x7  }
0xbd: {  	[tilespmem:s18], [sflag:$0x4] =	stream.indirect_vreg.gather [hbm4b:s3+s2], $0x40, v0, vm0, $0xb8;
	[tilespmem:$0x12800] =	vst v63  }
0xbe: {  	v0 =	vld [tilespmem:$0x310];
	_ =	sdelay $0x6  }
0xbf: {  	s28 =	simm.s32 $0xEC00  }
0xc0: {  	[tilespmem:s28], [sflag:$0x4] =	stream.indirect_vreg.gather [hbm4b:s3+s2], $0x40, v0, vm0, $0xb8;
	[tilespmem:$0x12800] =	vst v63  }
0xc1: {  	v0 =	vld [tilespmem:$0x320];
	_ =	sdelay $0x7  }
0xc2: {  	[tilespmem:s20], [sflag:$0x4] =	stream.indirect_vreg.gather [hbm4b:s3+s2], $0x40, v0, vm0, $0xb8;
	[tilespmem:$0x12800] =	vst v63  }
0xc3: {  	v0 =	vld [tilespmem:$0x330];
	_ =	sdelay $0x7  }
0xc4: {  	[tilespmem:s21], [sflag:$0x4] =	stream.indirect_vreg.gather [hbm4b:s3+s2], $0x40, v0, vm0, $0xb8;
	[tilespmem:$0x12800] =	vst v63  }
0xc5: {  	v0 =	vld [tilespmem:$0x340];
	_ =	sdelay $0x7  }
0xc6: {  	[tilespmem:s23], [sflag:$0x4] =	stream.indirect_vreg.gather [hbm4b:s3+s2], $0x40, v0, vm0, $0xb8;
	[tilespmem:$0x12800] =	vst v63  }
0xc7: {  	v0 =	vld [tilespmem:$0x350];
	_ =	sdelay $0x7  }
0xc8: {  	[tilespmem:s24], [sflag:$0x4] =	stream.indirect_vreg.gather [hbm4b:s3+s2], $0x40, v0, vm0, $0xb8;
	[tilespmem:$0x12800] =	vst v63  }
0xc9: {  	v0 =	vld [tilespmem:$0x360];
	_ =	sdelay $0x7  }
0xca: {  	[tilespmem:s25], [sflag:$0x4] =	stream.indirect_vreg.gather [hbm4b:s3+s2], $0x40, v0, vm0, $0xb8;
	[tilespmem:$0x12800] =	vst v63  }
0xcb: {  	v0 =	vld [tilespmem:$0x370];
	_ =	sdelay $0x7  }
0xcc: {  	[tilespmem:s26], [sflag:$0x4] =	stream.indirect_vreg.gather [hbm4b:s3+s2], $0x40, v0, vm0, $0xb8;
	[tilespmem:$0x12800] =	vst v63  }
0xcd: {  	v0 =	vld [tilespmem:$0x380];
	_ =	sdelay $0x7  }
0xce: {  	[tilespmem:s29], [sflag:$0x4] =	stream.indirect_vreg.gather [hbm4b:s3+s2], $0x40, v0, vm0, $0xb8;
	[tilespmem:$0x12800] =	vst v63  }
0xcf: {  	v0 =	vld [tilespmem:$0x390];
	_ =	sdelay $0x7  }
0xd0: {  	[tilespmem:s30], [sflag:$0x4] =	stream.indirect_vreg.gather [hbm4b:s3+s2], $0x40, v0, vm0, $0xb8;
	[tilespmem:$0x12800] =	vst v63  }
0xd1: {  	v0 =	vld [tilespmem:$0x3A0];
	_ =	sdelay $0x7  }
0xd2: {  	[tilespmem:s31], [sflag:$0x4] =	stream.indirect_vreg.gather [hbm4b:s3+s2], $0x40, v0, vm0, $0xb8;
	[tilespmem:$0x12800] =	vst v63  }
0xd3: {  	v0 =	vld [tilespmem:$0x3B0];
	_ =	sdelay $0x7  }
0xd4: {  	[tilespmem:s1], [sflag:$0x4] =	stream.indirect_vreg.gather [hbm4b:s3+s2], $0x40, v0, vm0, $0xb8;
	[tilespmem:$0x12800] =	vst v63  }
0xd5: {  	v0 =	vld [tilespmem:$0x3C0];
	_ =	sdelay $0x7  }
0xd6: {  	[tilespmem:s0], [sflag:$0x4] =	stream.indirect_vreg.gather [hbm4b:s3+s2], $0x40, v0, vm0, $0xb8;
	[tilespmem:$0x12800] =	vst v63  }
0xd7: {  	v0 =	vld [tilespmem:$0x3D0];
	_ =	sdelay $0x7  }
0xd8: {  	[tilespmem:s12], [sflag:$0x4] =	stream.indirect_vreg.gather [hbm4b:s3+s2], $0x40, v0, vm0, $0xb8;
	[tilespmem:$0x12800] =	vst v63  }
0xd9: {  	v0 =	vld [tilespmem:$0x3E0];
	_ =	sdelay $0x7  }
0xda: {  	[tilespmem:s13], [sflag:$0x4] =	stream.indirect_vreg.gather [hbm4b:s3+s2], $0x40, v0, vm0, $0xb8;
	[tilespmem:$0x12800] =	vst v63  }
0xdb: {  	v0 =	vld [tilespmem:$0x3F0];
	_ =	sdelay $0x6  }
0xdc: {  	s5 =	simm.s32 $0x7F0;
	s11 =	simm.s32 $0x0  }
0xdd: {  	[tilespmem:s14], [sflag:$0x4] =	stream.indirect_vreg.gather [hbm4b:s3+s2], $0x40, v0, vm0, $0xb8;
	[tilespmem:$0x12800] =	vst v63  }
.LBB2_2:
0xde: {  	_ =	swait.ge [sflag:s15], $0x4000  }
0xdf: {  	s28 =	sadd.s32 s11, s6;
	[sflag:s15] =	ssyncset.done $0x0  }
0xe0: {  	s22 =	simm.s32 $0x2800;
	p0 =	seq.s32 s11, $0x12000;
	[sflag:s15] =	ssyncadd.s32 $0xFFFFC000  }
0xe1: {  	[hbm4b:s28+s2] =	stream.linear.scatter [tilespmem:s22], [sflag:$0x5], $0x4000, $0x38;
	[tilespmem:$0x12800] =	vst v63  }
0xe2: {  	s28 =	simm.s32 @!p0 $0x5  }
0xe3: {  	_ =	swait.ge @!p0 [sflag:s28], $0x4000  }
0xe4: {  	[sflag:s28] =	ssyncset.done @!p0 $0x0  }
0xe5: {  	[sflag:s28] =	ssyncadd.s32 @!p0 $0xFFFFC000  }
0xe6: {  	v0 =	vld @!p0 [tilespmem:s5+$0xFFFFFC10];
	_ =	sdelay $0x6  }
0xe7: {  	vm1 =	vmmov @!p0 $0xffff;
	s22 =	simm.s32 @!p0 $0x2800;
	s28 =	simm.s32 @!p0 $0x0  }
0xe8: {  	[tilespmem:s22], [sflag:$0x1] =	stream.indirect_vreg.gather @!p0 [hbm4b:s3+s28], $0x40, v0, vm1, $0xb8;
	[tilespmem:$0x12800] =	vst v63  }
0xe9: {  	v0 =	vld @!p0 [tilespmem:s5+$0xFFFFFC20];
	_ =	sdelay $0x6  }
0xea: {  	s22 =	simm.s32 @!p0 $0x2C00  }
0xeb: {  	[tilespmem:s22], [sflag:$0x1] =	stream.indirect_vreg.gather @!p0 [hbm4b:s3+s28], $0x40, v0, vm1, $0xb8;
	[tilespmem:$0x12800] =	vst v63  }
0xec: {  	v0 =	vld @!p0 [tilespmem:s5+$0xFFFFFC30];
	_ =	sdelay $0x6  }
0xed: {  	s22 =	simm.s32 @!p0 $0x3000  }
0xee: {  	[tilespmem:s22], [sflag:$0x1] =	stream.indirect_vreg.gather @!p0 [hbm4b:s3+s28], $0x40, v0, vm1, $0xb8;
	[tilespmem:$0x12800] =	vst v63  }
0xef: {  	v0 =	vld @!p0 [tilespmem:s5+$0xFFFFFC40];
	_ =	sdelay $0x6  }
0xf0: {  	s22 =	simm.s32 @!p0 $0x3400  }
0xf1: {  	[tilespmem:s22], [sflag:$0x1] =	stream.indirect_vreg.gather @!p0 [hbm4b:s3+s28], $0x40, v0, vm1, $0xb8;
	[tilespmem:$0x12800] =	vst v63  }
0xf2: {  	v0 =	vld @!p0 [tilespmem:s5+$0xFFFFFC50];
	_ =	sdelay $0x6  }
0xf3: {  	s22 =	simm.s32 @!p0 $0x3800  }
0xf4: {  	[tilespmem:s22], [sflag:$0x1] =	stream.indirect_vreg.gather @!p0 [hbm4b:s3+s28], $0x40, v0, vm1, $0xb8;
	[tilespmem:$0x12800] =	vst v63  }
0xf5: {  	v0 =	vld @!p0 [tilespmem:s5+$0xFFFFFC60];
	_ =	sdelay $0x6  }
0xf6: {  	s22 =	simm.s32 @!p0 $0x3C00  }
0xf7: {  	[tilespmem:s22], [sflag:$0x1] =	stream.indirect_vreg.gather @!p0 [hbm4b:s3+s28], $0x40, v0, vm1, $0xb8;
	[tilespmem:$0x12800] =	vst v63  }
0xf8: {  	v0 =	vld @!p0 [tilespmem:s5+$0xFFFFFC70];
	_ =	sdelay $0x6  }
0xf9: {  	s22 =	simm.s32 @!p0 $0x4000  }
0xfa: {  	[tilespmem:s22], [sflag:$0x1] =	stream.indirect_vreg.gather @!p0 [hbm4b:s3+s28], $0x40, v0, vm1, $0xb8;
	[tilespmem:$0x12800] =	vst v63  }
0xfb: {  	v0 =	vld @!p0 [tilespmem:s5+$0xFFFFFC80];
	_ =	sdelay $0x6  }
0xfc: {  	s22 =	simm.s32 @!p0 $0x4400  }
0xfd: {  	[tilespmem:s22], [sflag:$0x1] =	stream.indirect_vreg.gather @!p0 [hbm4b:s3+s28], $0x40, v0, vm1, $0xb8;
	[tilespmem:$0x12800] =	vst v63  }
0xfe: {  	v0 =	vld @!p0 [tilespmem:s5+$0xFFFFFC90];
	_ =	sdelay $0x6  }
0xff: {  	s22 =	simm.s32 @!p0 $0x4800  }
0x100: {  	[tilespmem:s22], [sflag:$0x1] =	stream.indirect_vreg.gather @!p0 [hbm4b:s3+s28], $0x40, v0, vm1, $0xb8;
	[tilespmem:$0x12800] =	vst v63  }
0x101: {  	v0 =	vld @!p0 [tilespmem:s5+$0xFFFFFCA0];
	_ =	sdelay $0x6  }
0x102: {  	s22 =	simm.s32 @!p0 $0x4C00  }
0x103: {  	[tilespmem:s22], [sflag:$0x1] =	stream.indirect_vreg.gather @!p0 [hbm4b:s3+s28], $0x40, v0, vm1, $0xb8;
	[tilespmem:$0x12800] =	vst v63  }
0x104: {  	v0 =	vld @!p0 [tilespmem:s5+$0xFFFFFCB0];
	_ =	sdelay $0x6  }
0x105: {  	s22 =	simm.s32 @!p0 $0x5000  }
0x106: {  	[tilespmem:s22], [sflag:$0x1] =	stream.indirect_vreg.gather @!p0 [hbm4b:s3+s28], $0x40, v0, vm1, $0xb8;
	[tilespmem:$0x12800] =	vst v63  }
0x107: {  	v0 =	vld @!p0 [tilespmem:s5+$0xFFFFFCC0];
	_ =	sdelay $0x6  }
0x108: {  	s22 =	simm.s32 @!p0 $0x5400  }
0x109: {  	[tilespmem:s22], [sflag:$0x1] =	stream.indirect_vreg.gather @!p0 [hbm4b:s3+s28], $0x40, v0, vm1, $0xb8;
	[tilespmem:$0x12800] =	vst v63  }
0x10a: {  	v0 =	vld @!p0 [tilespmem:s5+$0xFFFFFCD0];
	_ =	sdelay $0x6  }
0x10b: {  	s22 =	simm.s32 @!p0 $0x5800  }
0x10c: {  	[tilespmem:s22], [sflag:$0x1] =	stream.indirect_vreg.gather @!p0 [hbm4b:s3+s28], $0x40, v0, vm1, $0xb8;
	[tilespmem:$0x12800] =	vst v63  }
0x10d: {  	v0 =	vld @!p0 [tilespmem:s5+$0xFFFFFCE0];
	_ =	sdelay $0x6  }
0x10e: {  	s22 =	simm.s32 @!p0 $0x5C00  }
0x10f: {  	[tilespmem:s22], [sflag:$0x1] =	stream.indirect_vreg.gather @!p0 [hbm4b:s3+s28], $0x40, v0, vm1, $0xb8;
	[tilespmem:$0x12800] =	vst v63  }
0x110: {  	v0 =	vld @!p0 [tilespmem:s5+$0xFFFFFCF0];
	_ =	sdelay $0x6  }
0x111: {  	s22 =	simm.s32 @!p0 $0x6000  }
0x112: {  	[tilespmem:s22], [sflag:$0x1] =	stream.indirect_vreg.gather @!p0 [hbm4b:s3+s28], $0x40, v0, vm1, $0xb8;
	[tilespmem:$0x12800] =	vst v63  }
0x113: {  	v0 =	vld @!p0 [tilespmem:s5+$0xFFFFFD00];
	_ =	sdelay $0x6  }
0x114: {  	s22 =	simm.s32 @!p0 $0x6400  }
0x115: {  	[tilespmem:s22], [sflag:$0x1] =	stream.indirect_vreg.gather @!p0 [hbm4b:s3+s28], $0x40, v0, vm1, $0xb8;
	[tilespmem:$0x12800] =	vst v63  }
0x116: {  	_ =	swait.ge [sflag:s16], $0x4000  }
0x117: {  	[sflag:s16] =	ssyncset.done $0x0  }
0x118: {  	s19 =	simm.s32 $0x6800;
	s22 =	sadd.s32 s11, s9;
	[sflag:s16] =	ssyncadd.s32 $0xFFFFC000  }
0x119: {  	[hbm4b:s22+s2] =	stream.linear.scatter [tilespmem:s19], [sflag:$0x6], $0x4000, $0x38;
	[tilespmem:$0x12800] =	vst v63  }
0x11a: {  	s22 =	simm.s32 @!p0 $0x6  }
0x11b: {  	_ =	swait.ge @!p0 [sflag:s22], $0x4000  }
0x11c: {  	[sflag:s22] =	ssyncset.done @!p0 $0x0  }
0x11d: {  	[sflag:s22] =	ssyncadd.s32 @!p0 $0xFFFFC000  }
0x11e: {  	v0 =	vld @!p0 [tilespmem:s5+$0xFFFFFD10];
	_ =	sdelay $0x6  }
0x11f: {  	s22 =	simm.s32 @!p0 $0x6800  }
0x120: {  	[tilespmem:s22], [sflag:$0x2] =	stream.indirect_vreg.gather @!p0 [hbm4b:s3+s28], $0x40, v0, vm1, $0xb8;
	[tilespmem:$0x12800] =	vst v63  }
0x121: {  	v0 =	vld @!p0 [tilespmem:s5+$0xFFFFFD20];
	_ =	sdelay $0x6  }
0x122: {  	s22 =	simm.s32 @!p0 $0x6C00  }
0x123: {  	[tilespmem:s22], [sflag:$0x2] =	stream.indirect_vreg.gather @!p0 [hbm4b:s3+s28], $0x40, v0, vm1, $0xb8;
	[tilespmem:$0x12800] =	vst v63  }
0x124: {  	v0 =	vld @!p0 [tilespmem:s5+$0xFFFFFD30];
	_ =	sdelay $0x6  }
0x125: {  	s22 =	simm.s32 @!p0 $0x7000  }
0x126: {  	[tilespmem:s22], [sflag:$0x2] =	stream.indirect_vreg.gather @!p0 [hbm4b:s3+s28], $0x40, v0, vm1, $0xb8;
	[tilespmem:$0x12800] =	vst v63  }
0x127: {  	v0 =	vld @!p0 [tilespmem:s5+$0xFFFFFD40];
	_ =	sdelay $0x6  }
0x128: {  	s22 =	simm.s32 @!p0 $0x7400  }
0x129: {  	[tilespmem:s22], [sflag:$0x2] =	stream.indirect_vreg.gather @!p0 [hbm4b:s3+s28], $0x40, v0, vm1, $0xb8;
	[tilespmem:$0x12800] =	vst v63  }
0x12a: {  	v0 =	vld @!p0 [tilespmem:s5+$0xFFFFFD50];
	_ =	sdelay $0x6  }
0x12b: {  	s22 =	simm.s32 @!p0 $0x7800  }
0x12c: {  	[tilespmem:s22], [sflag:$0x2] =	stream.indirect_vreg.gather @!p0 [hbm4b:s3+s28], $0x40, v0, vm1, $0xb8;
	[tilespmem:$0x12800] =	vst v63  }
0x12d: {  	v0 =	vld @!p0 [tilespmem:s5+$0xFFFFFD60];
	_ =	sdelay $0x6  }
0x12e: {  	s22 =	simm.s32 @!p0 $0x7C00  }
0x12f: {  	[tilespmem:s22], [sflag:$0x2] =	stream.indirect_vreg.gather @!p0 [hbm4b:s3+s28], $0x40, v0, vm1, $0xb8;
	[tilespmem:$0x12800] =	vst v63  }
0x130: {  	v0 =	vld @!p0 [tilespmem:s5+$0xFFFFFD70];
	_ =	sdelay $0x6  }
0x131: {  	s22 =	simm.s32 @!p0 $0x8000  }
0x132: {  	[tilespmem:s22], [sflag:$0x2] =	stream.indirect_vreg.gather @!p0 [hbm4b:s3+s28], $0x40, v0, vm1, $0xb8;
	[tilespmem:$0x12800] =	vst v63  }
0x133: {  	v0 =	vld @!p0 [tilespmem:s5+$0xFFFFFD80];
	_ =	sdelay $0x6  }
0x134: {  	s22 =	simm.s32 @!p0 $0x8400  }
0x135: {  	[tilespmem:s22], [sflag:$0x2] =	stream.indirect_vreg.gather @!p0 [hbm4b:s3+s28], $0x40, v0, vm1, $0xb8;
	[tilespmem:$0x12800] =	vst v63  }
0x136: {  	v0 =	vld @!p0 [tilespmem:s5+$0xFFFFFD90];
	_ =	sdelay $0x6  }
0x137: {  	s22 =	simm.s32 @!p0 $0x8800  }
0x138: {  	[tilespmem:s22], [sflag:$0x2] =	stream.indirect_vreg.gather @!p0 [hbm4b:s3+s28], $0x40, v0, vm1, $0xb8;
	[tilespmem:$0x12800] =	vst v63  }
0x139: {  	v0 =	vld @!p0 [tilespmem:s5+$0xFFFFFDA0];
	_ =	sdelay $0x6  }
0x13a: {  	s22 =	simm.s32 @!p0 $0x8C00  }
0x13b: {  	[tilespmem:s22], [sflag:$0x2] =	stream.indirect_vreg.gather @!p0 [hbm4b:s3+s28], $0x40, v0, vm1, $0xb8;
	[tilespmem:$0x12800] =	vst v63  }
0x13c: {  	v0 =	vld @!p0 [tilespmem:s5+$0xFFFFFDB0];
	_ =	sdelay $0x6  }
0x13d: {  	s22 =	simm.s32 @!p0 $0x9000  }
0x13e: {  	[tilespmem:s22], [sflag:$0x2] =	stream.indirect_vreg.gather @!p0 [hbm4b:s3+s28], $0x40, v0, vm1, $0xb8;
	[tilespmem:$0x12800] =	vst v63  }
0x13f: {  	v0 =	vld @!p0 [tilespmem:s5+$0xFFFFFDC0];
	_ =	sdelay $0x6  }
0x140: {  	s22 =	simm.s32 @!p0 $0x9400  }
0x141: {  	[tilespmem:s22], [sflag:$0x2] =	stream.indirect_vreg.gather @!p0 [hbm4b:s3+s28], $0x40, v0, vm1, $0xb8;
	[tilespmem:$0x12800] =	vst v63  }
0x142: {  	v0 =	vld @!p0 [tilespmem:s5+$0xFFFFFDD0];
	_ =	sdelay $0x6  }
0x143: {  	s22 =	simm.s32 @!p0 $0x9800  }
0x144: {  	[tilespmem:s22], [sflag:$0x2] =	stream.indirect_vreg.gather @!p0 [hbm4b:s3+s28], $0x40, v0, vm1, $0xb8;
	[tilespmem:$0x12800] =	vst v63  }
0x145: {  	v0 =	vld @!p0 [tilespmem:s5+$0xFFFFFDE0];
	_ =	sdelay $0x6  }
0x146: {  	s22 =	simm.s32 @!p0 $0x9C00  }
0x147: {  	[tilespmem:s22], [sflag:$0x2] =	stream.indirect_vreg.gather @!p0 [hbm4b:s3+s28], $0x40, v0, vm1, $0xb8;
	[tilespmem:$0x12800] =	vst v63  }
0x148: {  	v0 =	vld @!p0 [tilespmem:s5+$0xFFFFFDF0];
	_ =	sdelay $0x6  }
0x149: {  	s22 =	simm.s32 @!p0 $0xA000  }
0x14a: {  	[tilespmem:s22], [sflag:$0x2] =	stream.indirect_vreg.gather @!p0 [hbm4b:s3+s28], $0x40, v0, vm1, $0xb8;
	[tilespmem:$0x12800] =	vst v63  }
0x14b: {  	v0 =	vld @!p0 [tilespmem:s5+$0xFFFFFE00];
	_ =	sdelay $0x6  }
0x14c: {  	s22 =	simm.s32 @!p0 $0xA400  }
0x14d: {  	[tilespmem:s22], [sflag:$0x2] =	stream.indirect_vreg.gather @!p0 [hbm4b:s3+s28], $0x40, v0, vm1, $0xb8;
	[tilespmem:$0x12800] =	vst v63  }
0x14e: {  	_ =	swait.ge [sflag:s17], $0x4000  }
0x14f: {  	[sflag:s17] =	ssyncset.done $0x0  }
0x150: {  	s19 =	simm.s32 $0xA800;
	s22 =	sadd.s32 s11, s8;
	[sflag:s17] =	ssyncadd.s32 $0xFFFFC000  }
0x151: {  	[hbm4b:s22+s2] =	stream.linear.scatter [tilespmem:s19], [sflag:$0x7], $0x4000, $0x38;
	[tilespmem:$0x12800] =	vst v63  }
0x152: {  	s22 =	simm.s32 @!p0 $0x7  }
0x153: {  	_ =	swait.ge @!p0 [sflag:s22], $0x4000  }
0x154: {  	[sflag:s22] =	ssyncset.done @!p0 $0x0  }
0x155: {  	[sflag:s22] =	ssyncadd.s32 @!p0 $0xFFFFC000  }
0x156: {  	v0 =	vld @!p0 [tilespmem:s5+$0xFFFFFE10];
	_ =	sdelay $0x6  }
0x157: {  	s22 =	simm.s32 @!p0 $0xA800  }
0x158: {  	[tilespmem:s22], [sflag:$0x3] =	stream.indirect_vreg.gather @!p0 [hbm4b:s3+s28], $0x40, v0, vm1, $0xb8;
	[tilespmem:$0x12800] =	vst v63  }
0x159: {  	v0 =	vld @!p0 [tilespmem:s5+$0xFFFFFE20];
	_ =	sdelay $0x6  }
0x15a: {  	s22 =	simm.s32 @!p0 $0xAC00  }
0x15b: {  	[tilespmem:s22], [sflag:$0x3] =	stream.indirect_vreg.gather @!p0 [hbm4b:s3+s28], $0x40, v0, vm1, $0xb8;
	[tilespmem:$0x12800] =	vst v63  }
0x15c: {  	v0 =	vld @!p0 [tilespmem:s5+$0xFFFFFE30];
	_ =	sdelay $0x6  }
0x15d: {  	s22 =	simm.s32 @!p0 $0xB000  }
0x15e: {  	[tilespmem:s22], [sflag:$0x3] =	stream.indirect_vreg.gather @!p0 [hbm4b:s3+s28], $0x40, v0, vm1, $0xb8;
	[tilespmem:$0x12800] =	vst v63  }
0x15f: {  	v0 =	vld @!p0 [tilespmem:s5+$0xFFFFFE40];
	_ =	sdelay $0x6  }
0x160: {  	s22 =	simm.s32 @!p0 $0xB400  }
0x161: {  	[tilespmem:s22], [sflag:$0x3] =	stream.indirect_vreg.gather @!p0 [hbm4b:s3+s28], $0x40, v0, vm1, $0xb8;
	[tilespmem:$0x12800] =	vst v63  }
0x162: {  	v0 =	vld @!p0 [tilespmem:s5+$0xFFFFFE50];
	_ =	sdelay $0x6  }
0x163: {  	s22 =	simm.s32 @!p0 $0xB800  }
0x164: {  	[tilespmem:s22], [sflag:$0x3] =	stream.indirect_vreg.gather @!p0 [hbm4b:s3+s28], $0x40, v0, vm1, $0xb8;
	[tilespmem:$0x12800] =	vst v63  }
0x165: {  	v0 =	vld @!p0 [tilespmem:s5+$0xFFFFFE60];
	_ =	sdelay $0x6  }
0x166: {  	s22 =	simm.s32 @!p0 $0xBC00  }
0x167: {  	[tilespmem:s22], [sflag:$0x3] =	stream.indirect_vreg.gather @!p0 [hbm4b:s3+s28], $0x40, v0, vm1, $0xb8;
	[tilespmem:$0x12800] =	vst v63  }
0x168: {  	v0 =	vld @!p0 [tilespmem:s5+$0xFFFFFE70];
	_ =	sdelay $0x6  }
0x169: {  	s22 =	simm.s32 @!p0 $0xC000  }
0x16a: {  	[tilespmem:s22], [sflag:$0x3] =	stream.indirect_vreg.gather @!p0 [hbm4b:s3+s28], $0x40, v0, vm1, $0xb8;
	[tilespmem:$0x12800] =	vst v63  }
0x16b: {  	v0 =	vld @!p0 [tilespmem:s5+$0xFFFFFE80];
	_ =	sdelay $0x6  }
0x16c: {  	s22 =	simm.s32 @!p0 $0xC400  }
0x16d: {  	[tilespmem:s22], [sflag:$0x3] =	stream.indirect_vreg.gather @!p0 [hbm4b:s3+s28], $0x40, v0, vm1, $0xb8;
	[tilespmem:$0x12800] =	vst v63  }
0x16e: {  	v0 =	vld @!p0 [tilespmem:s5+$0xFFFFFE90];
	_ =	sdelay $0x6  }
0x16f: {  	s22 =	simm.s32 @!p0 $0xC800  }
0x170: {  	[tilespmem:s22], [sflag:$0x3] =	stream.indirect_vreg.gather @!p0 [hbm4b:s3+s28], $0x40, v0, vm1, $0xb8;
	[tilespmem:$0x12800] =	vst v63  }
0x171: {  	v0 =	vld @!p0 [tilespmem:s5+$0xFFFFFEA0];
	_ =	sdelay $0x6  }
0x172: {  	s22 =	simm.s32 @!p0 $0xCC00  }
0x173: {  	[tilespmem:s22], [sflag:$0x3] =	stream.indirect_vreg.gather @!p0 [hbm4b:s3+s28], $0x40, v0, vm1, $0xb8;
	[tilespmem:$0x12800] =	vst v63  }
0x174: {  	v0 =	vld @!p0 [tilespmem:s5+$0xFFFFFEB0];
	_ =	sdelay $0x6  }
0x175: {  	s22 =	simm.s32 @!p0 $0xD000  }
0x176: {  	[tilespmem:s22], [sflag:$0x3] =	stream.indirect_vreg.gather @!p0 [hbm4b:s3+s28], $0x40, v0, vm1, $0xb8;
	[tilespmem:$0x12800] =	vst v63  }
0x177: {  	v0 =	vld @!p0 [tilespmem:s5+$0xFFFFFEC0];
	_ =	sdelay $0x6  }
0x178: {  	s22 =	simm.s32 @!p0 $0xD400  }
0x179: {  	[tilespmem:s22], [sflag:$0x3] =	stream.indirect_vreg.gather @!p0 [hbm4b:s3+s28], $0x40, v0, vm1, $0xb8;
	[tilespmem:$0x12800] =	vst v63  }
0x17a: {  	v0 =	vld @!p0 [tilespmem:s5+$0xFFFFFED0];
	_ =	sdelay $0x6  }
0x17b: {  	s22 =	simm.s32 @!p0 $0xD800  }
0x17c: {  	[tilespmem:s22], [sflag:$0x3] =	stream.indirect_vreg.gather @!p0 [hbm4b:s3+s28], $0x40, v0, vm1, $0xb8;
	[tilespmem:$0x12800] =	vst v63  }
0x17d: {  	v0 =	vld @!p0 [tilespmem:s5+$0xFFFFFEE0];
	_ =	sdelay $0x6  }
0x17e: {  	s22 =	simm.s32 @!p0 $0xDC00  }
0x17f: {  	[tilespmem:s22], [sflag:$0x3] =	stream.indirect_vreg.gather @!p0 [hbm4b:s3+s28], $0x40, v0, vm1, $0xb8;
	[tilespmem:$0x12800] =	vst v63  }
0x180: {  	v0 =	vld @!p0 [tilespmem:s5+$0xFFFFFEF0];
	_ =	sdelay $0x6  }
0x181: {  	s22 =	simm.s32 @!p0 $0xE000  }
0x182: {  	[tilespmem:s22], [sflag:$0x3] =	stream.indirect_vreg.gather @!p0 [hbm4b:s3+s28], $0x40, v0, vm1, $0xb8;
	[tilespmem:$0x12800] =	vst v63  }
0x183: {  	v0 =	vld @!p0 [tilespmem:s5+$0xFFFFFF00];
	_ =	sdelay $0x6  }
0x184: {  	s22 =	simm.s32 @!p0 $0xE400  }
0x185: {  	[tilespmem:s22], [sflag:$0x3] =	stream.indirect_vreg.gather @!p0 [hbm4b:s3+s28], $0x40, v0, vm1, $0xb8;
	[tilespmem:$0x12800] =	vst v63  }
.Ltmp2:
0x186: {  	_ = 	snop;
	(pc) =	sbr.rel @p0 .LBB2_4-.Ltmp2, $4  }
0x187: {  	_ =	swait.ge [sflag:s4], $0x4000  }
0x188: {  	[sflag:s4] =	ssyncset.done $0x0  }
0x189: {  	s28 =	sadd.s32 s11, s7;
	[sflag:s4] =	ssyncadd.s32 $0xFFFFC000  }
0x18a: {  	[hbm4b:s28+s2] =	stream.linear.scatter [tilespmem:s18], [sflag:$0x8], $0x4000, $0x38;
	[tilespmem:$0x12800] =	vst v63  }
0x18b: {  	_ =	swait.ge [sflag:s10], $0x4000  }
0x18c: {  	[sflag:s10] =	ssyncset.done $0x0  }
0x18d: {  	[sflag:s10] =	ssyncadd.s32 $0xFFFFC000  }
0x18e: {  	v0 =	vld [tilespmem:s5+$0xFFFFFF10];
	_ =	sdelay $0x7  }
0x18f: {  	[tilespmem:s18], [sflag:$0x4] =	stream.indirect_vreg.gather [hbm4b:s3+s2], $0x40, v0, vm0, $0xb8;
	[tilespmem:$0x12800] =	vst v63  }
0x190: {  	v0 =	vld [tilespmem:s5+$0xFFFFFF20];
	_ =	sdelay $0x6  }
0x191: {  	s19 =	simm.s32 $0xEC00  }
0x192: {  	[tilespmem:s19], [sflag:$0x4] =	stream.indirect_vreg.gather [hbm4b:s3+s2], $0x40, v0, vm0, $0xb8;
	[tilespmem:$0x12800] =	vst v63  }
0x193: {  	v0 =	vld [tilespmem:s5+$0xFFFFFF30];
	_ =	sdelay $0x7  }
0x194: {  	[tilespmem:s20], [sflag:$0x4] =	stream.indirect_vreg.gather [hbm4b:s3+s2], $0x40, v0, vm0, $0xb8;
	[tilespmem:$0x12800] =	vst v63  }
0x195: {  	v0 =	vld [tilespmem:s5+$0xFFFFFF40];
	_ =	sdelay $0x7  }
0x196: {  	[tilespmem:s21], [sflag:$0x4] =	stream.indirect_vreg.gather [hbm4b:s3+s2], $0x40, v0, vm0, $0xb8;
	[tilespmem:$0x12800] =	vst v63  }
0x197: {  	v0 =	vld [tilespmem:s5+$0xFFFFFF50];
	_ =	sdelay $0x7  }
0x198: {  	[tilespmem:s23], [sflag:$0x4] =	stream.indirect_vreg.gather [hbm4b:s3+s2], $0x40, v0, vm0, $0xb8;
	[tilespmem:$0x12800] =	vst v63  }
0x199: {  	v0 =	vld [tilespmem:s5+$0xFFFFFF60];
	_ =	sdelay $0x7  }
0x19a: {  	[tilespmem:s24], [sflag:$0x4] =	stream.indirect_vreg.gather [hbm4b:s3+s2], $0x40, v0, vm0, $0xb8;
	[tilespmem:$0x12800] =	vst v63  }
0x19b: {  	v0 =	vld [tilespmem:s5+$0xFFFFFF70];
	_ =	sdelay $0x7  }
0x19c: {  	[tilespmem:s25], [sflag:$0x4] =	stream.indirect_vreg.gather [hbm4b:s3+s2], $0x40, v0, vm0, $0xb8;
	[tilespmem:$0x12800] =	vst v63  }
0x19d: {  	v0 =	vld [tilespmem:s5+$0xFFFFFF80];
	_ =	sdelay $0x7  }
0x19e: {  	[tilespmem:s26], [sflag:$0x4] =	stream.indirect_vreg.gather [hbm4b:s3+s2], $0x40, v0, vm0, $0xb8;
	[tilespmem:$0x12800] =	vst v63  }
0x19f: {  	v0 =	vld [tilespmem:s5+$0xFFFFFF90];
	_ =	sdelay $0x7  }
0x1a0: {  	[tilespmem:s29], [sflag:$0x4] =	stream.indirect_vreg.gather [hbm4b:s3+s2], $0x40, v0, vm0, $0xb8;
	[tilespmem:$0x12800] =	vst v63  }
0x1a1: {  	v0 =	vld [tilespmem:s5+$0xFFFFFFA0];
	_ =	sdelay $0x7  }
0x1a2: {  	[tilespmem:s30], [sflag:$0x4] =	stream.indirect_vreg.gather [hbm4b:s3+s2], $0x40, v0, vm0, $0xb8;
	[tilespmem:$0x12800] =	vst v63  }
0x1a3: {  	v0 =	vld [tilespmem:s5+$0xFFFFFFB0];
	_ =	sdelay $0x7  }
0x1a4: {  	[tilespmem:s31], [sflag:$0x4] =	stream.indirect_vreg.gather [hbm4b:s3+s2], $0x40, v0, vm0, $0xb8;
	[tilespmem:$0x12800] =	vst v63  }
0x1a5: {  	v0 =	vld [tilespmem:s5+$0xFFFFFFC0];
	_ =	sdelay $0x7  }
0x1a6: {  	[tilespmem:s1], [sflag:$0x4] =	stream.indirect_vreg.gather [hbm4b:s3+s2], $0x40, v0, vm0, $0xb8;
	[tilespmem:$0x12800] =	vst v63  }
0x1a7: {  	v0 =	vld [tilespmem:s5+$0xFFFFFFD0];
	_ =	sdelay $0x7  }
0x1a8: {  	[tilespmem:s0], [sflag:$0x4] =	stream.indirect_vreg.gather [hbm4b:s3+s2], $0x40, v0, vm0, $0xb8;
	[tilespmem:$0x12800] =	vst v63  }
0x1a9: {  	v0 =	vld [tilespmem:s5+$0xFFFFFFE0];
	_ =	sdelay $0x7  }
0x1aa: {  	[tilespmem:s12], [sflag:$0x4] =	stream.indirect_vreg.gather [hbm4b:s3+s2], $0x40, v0, vm0, $0xb8;
	[tilespmem:$0x12800] =	vst v63  }
0x1ab: {  	v0 =	vld [tilespmem:s5+$0xFFFFFFF0];
	_ =	sdelay $0x7  }
0x1ac: {  	[tilespmem:s13], [sflag:$0x4] =	stream.indirect_vreg.gather [hbm4b:s3+s2], $0x40, v0, vm0, $0xb8;
	[tilespmem:$0x12800] =	vst v63  }
0x1ad: {  	v0 =	vld [tilespmem:s5+$0x0];
	_ =	sdelay $0x3  }
.Ltmp3:
0x1ae: {  	_ = 	snop;
	(pc) =	sbr.rel .LBB2_2-.Ltmp3, $3  }
0x1af: {  	_ =	sdelay $0x1  }
0x1b0: {  	s11 =	sadd.s32 $0x2000, s11;
	s5 =	sadd.s32 $0x400, s5  }
0x1b1: {  	[tilespmem:s14], [sflag:$0x4] =	stream.indirect_vreg.gather [hbm4b:s3+s2], $0x40, v0, vm0, $0xb8;
	[tilespmem:$0x12800] =	vst v63  }
.LBB2_5:
0x1b2: {  	_ =	sfence.sel $0x180000  }
0x1b3: {  	[bflag:$0x0] =	sbarrier.arrive $0xFFFF  }
0x1b4: {  	_ =	strace $0x90000047  }
0x1b5: {  	s0 =	stileid.u32;
	[bflag:$0x2] =	sbarrier.arrive $0xFFFF  }
0x1b6: {  	p0 =	sne.s32 s0, $0x0;
	s0 =	rddreg [dreg:$0x2]  }
0x1b7: {  	s0 =	sadd.s32 @!p0 $0x100000, s0  }
0x1b8: {  	[sflag:s0] =	ssyncadd.tile.s32 @!p0 $0x1;
	_ =	shalt  }
.Lfunc_end2:
_tile_overlayer_lowered:
.L_overlay_start_2:
0x1b9: {  	(tag) =	ssettag $0x2  }
0x1ba: {  	s0 =	rddreg [dreg:$0x0];
	s2 =	stileid.u32  }
0x1bb: {  	s1 =	rddreg [dreg:$0x1];
	p0 =	sne.s32 s2, $0x0  }
0x1bc: {  	s3 =	rddreg [dreg:$0x2];
	[bflag:$0x3] =	sbarrier.arrive $0xFFFF;
	s2 =	simm.s32 @!p0 $0x1C09  }
0x1bd: {  	[timem:s3], [sflag:s2] =	dma.local @!p0 [hbm:s0], s1  }
0x1be: {  	s0 =	simm.s32 @!p0 $0x9  }
0x1bf: {  	_ =	swait.ge @!p0 [sflag:s0], s1  }
0x1c0: {  	s1 =	ssub.s32 @!p0 $0x0, s1;
	[sflag:s0] =	ssyncset.done @!p0 $0x0  }
0x1c1: {  	[sflag:s0] =	ssyncadd.s32 @!p0 s1  }
0x1c2: {  	[bflag:$0x3] =	sbarrier.arrive $0xFFFF  }
0x1c3: {  	_ =	shalt  }

// kernel: sparse-core-data-format-call.cloned.1.call-start
scs
called_computation_lowered:
.L_overlay_start_0:
0x0: {  	s2 =	sld [smem:$0x3FD9]  }
0x1: {  	s3 =	sld [smem:$0x3FFE];
	_ =	sdelay $0x1  }
0x2: {  	s1 =	srdreg.scid  }
0x3: {  	s0 =	sand.u32 $0x1, s1  }
0x4: {  	s18 =	sshll.u32 s0, $0xA;
	s2 =	sadd.s32 s3, s2  }
0x5: {  	s2 =	sadd.s32 s2, s18  }
0x6: {  	[smem:$0x3FC6] =	sst s2  }
0x7: {  	_ = 	snop  }
0x8: {  	s2 =	sld [smem:$0x3FD0];
	(tm) =	ssettm $0x1  }
0x9: {  	s19 =	sld [smem:$0x3FFB];
	_ =	sdelay $0x3  }
0xa: {  	_ =	strace s19  }
0xb: {  	s3 =	sld [smem:$0x3FFC];
	_ =	sdelay $0x3  }
0xc: {  	_ =	strace s3  }
0xd: {  	s3 =	sld [smem:$0x3FFD];
	_ =	sdelay $0x3  }
0xe: {  	_ =	strace s3  }
0xf: {  	_ =	strace $0x8FFFFFFF  }
0x10: {  	s20 =	sld [smem:$0x3FDB];
	_ =	sdelay $0x1  }
0x11: {  	s4 =	simm.s32 $_scs_section_size  }
0x12: {  	s5 =	simm.s32 $_size__tile_overlayer_lowered;
	s6 =	simm.s32 $_tile_overlayer_lowered  }
0x13: {  	s23 =	simm.s32 $0x1BFF;
	s22 =	sshll.u32 s6, $0x1;
	s3 =	sadd.s32 s4, s20  }
0x14: {  	s7 =	simm.s32 $0x0;
	s21 =	sshll.u32 s5, $0x1;
	s5 =	sadd.s32 s22, s3  }
0x15: {  	[timem:s7], [sflag:s23] =	dma.local [hbm:s5], s21  }
0x16: {  	_ =	swait.ge [sflag:s23], s21  }
0x17: {  	s4 =	ssub.s32 $0x0, s21;
	[sflag:s23] =	ssyncset.done $0x0  }
0x18: {  	[sflag:s23] =	ssyncadd.s32 s4;
	_ =	sdelay $0x1  }
0x19: {  	s24 =	simm.s32 $0x1B8B  }
0x1a: {  	_ =	swait.ge [sflag:s24], $0x1  }
0x1b: {  	[sflag:s24] =	ssyncset.done $0x0  }
0x1c: {  	s26 =	simm.s32 $0x1B8E;
	s25 =	sld [smem:$0x3FFE];
	[sflag:s24] =	ssyncadd.s32 $0xFFFFFFFF  }
0x1d: {  	s27 =	simm.s32 $execute0_lowered;
	[smem:$0x3FD2] =	sst s26  }
0x1e: {  	s5 =	sshll.u32 s27, $0x1;
	_ =	strace $0x80000049;
	[dreg:$0x1] =	wrdreg $0xFFFFFFFF  }
0x1f: {  	s28 =	simm.s32 $_size_execute0_lowered;
	s3 =	sadd.s32 s3, s5;
	[dreg:$0x0] =	wrdreg $0x0  }
0x20: {  	s5 =	sshll.u32 s28, $0x1;
	[dreg:$0x2] =	wrdreg s3  }
0x21: {  	[dreg:$0x3] =	wrdreg s5  }
0x22: {  	[dreg:$0x4] =	wrdreg $0xC0  }
0x23: {  	_ =	task [dreg:s7], $0x5FFFF  }
0x24: {  	[dreg:$0x1] =	wrdreg $0xFFFFFFFF  }
0x25: {  	[dreg:$0x0] =	wrdreg $0x60  }
0x26: {  	[dreg:$0x2] =	wrdreg s25  }
0x27: {  	[dreg:$0x3] =	wrdreg s2  }
0x28: {  	[dreg:$0x4] =	wrdreg $0x9  }
0x29: {  	_ =	task.clear_ibuf [dreg:s7], $0x5FFFF;
	_ =	strace $0x90000049  }
0x2a: {  	s29 =	simm.s32 $0x9;
	_ =	strace $0x8000004B  }
0x2b: {  	_ =	swait.ge [sflag:s29], $0x1  }
0x2c: {  	[sflag:s29] =	ssyncadd.s32 $0xFFFFFFFF  }
0x2d: {  	_ =	strace $0x9000004B  }
0x2e: {  	_ =	sfence  }
0x2f: {  	s30 =	sld [smem:$0x0];
	_ =	sdelay $0x2  }
0x30: {  	s31 =	sshll.u32 s1, $0xD;
	s1 =	sshrl.u32 s1, $0x2  }
0x31: {  	s3 =	sand.u32 $0x4000, s31;
	s1 =	sadd.s32 s1, s30  }
0x32: {  	s0 =	sor.u32 s3, s0;
	s1 =	sshll.u32 s1, $0x11  }
0x33: {  	s0 =	sor.u32 s1, s0  }
0x34: {  	s0 =	sadd.s32 $0x8F2B, s0  }
0x35: {  	[sflag:s0] =	ssyncadd.remote.s32 $0x1  }
0x36: {  	_ =	sfence.sel $0xFFFF  }
0x37: {  	[dreg:$0x0] =	wrdreg $0xFFFFFFFF;
	(pc) =	sbr.abs _section_cstart, $3  }
0x38: {  	[dreg:$0x1] =	wrdreg $0xFFFFFFFF  }
0x39: {  	_ =	task.clear_ibuf [dreg:s7], $0x2FFFF;
	_ =	strace $0x9FFFFFFF  }
0x3a: {  	(tm) =	ssettm $0x7FFFFFFF  }
0x3b: {  	_ =	shalt  }
tec
execute0_lowered:
.L_overlay_start_1:
0x0: {  	(tag) =	ssettag $0x1  }
0x1: {  	s0 =	srdreg.scid  }
0x2: {  	s1 =	sshll.u32 s0, $0x4  }
0x3: {  	s0 =	stileid.u32;
	s1 =	sand.u32 $0x10, s1  }
0x4: {  	s1 =	sor.u32 s0, s1  }
0x5: {  	s6 =	rddreg [dreg:$0x0];
	s4 =	simm.s32 $0x1;
	s2 =	sshll.u32 s1, $0x7  }
0x6: {  	s7 =	simm.s32 $0x2;
	s12 =	simm.s32 $0x0;
	s1 =	ssub.s32 $0x4000, s2  }
0x7: {  	s8 =	simm.s32 $0x20000;
	s13 =	simm.s32 $0x0;
	s3 =	sand.u32 $0xF80, s1  }
0x8: {  	s9 =	simm.s32 $0x0;
	s5 =	sshrl.u32 s1, $0xC;
	p0 =	sne.s32 s3, $0x0  }
.Ltmp0:
0x9: {  	s1 =	rddreg [dreg:$0x2];
	s4 =	simm.s32 @!p0 $0x0;
	(pc) =	sbr.rel .LBB1_1-.Ltmp0, $4  }
0xa: {  	s11 =	simm.s32 $0x0;
	s3 =	rddreg [dreg:$0x1];
	s5 =	sadd.s32 s4, s5  }
0xb: {  	_ =	strace $0x8000004A;
	s4 =	simm.s32 $0x1;
	s5 =	smul.u32 $0x14, s5  }
0xc: {  	s6 =	sadd.s32 $0xA00, s6;
	s10 =	smov.u32 s2;
	[sflag:s4] =	ssyncpa.u1 $0x0  }
0xd: {  	p0 =	por $0x0, $0x0;
	[sflag:s7] =	ssyncpa.u1 $0x0;
	s7 =	sor.u32 $0x1, s5  }
.LBB1_4:
0xe: {  	s16 =	sshll.u32 s13, $0x3;
	s17 =	sand.u32 $0x78, s13  }
0xf: {  	s30 =	sand.u32 $0x1F800, s13;
	s12 =	sshll.u32 s12, $0x11;
	s16 =	sand.u32 $0x3C00, s16  }
0x10: {  	[tilespmem:s15+$0x810 ss:$0x81] =	vst.msk $0xffff, v2;
	s31 =	sand.u32 $0x7, s13;
	s16 =	sor.u32 s17, s16;
	s17 =	sadd.s32 s3, s30  }
0x11: {  	[tilespmem:s15+$0x1020 ss:$0x81] =	vst.msk $0xffff, v0;
	s13 =	sshll.u32 s31, $0x12;
	s12 =	sadd.s32 s12, s17;
	s16 =	sshrl.u32 s16, $0x3  }
0x12: {  	[tilespmem:s15+$0x0 ss:$0x81] =	vst.msk $0xffff, v1;
	s13 =	sor.u32 $0x400, s13;
	s12 =	sadd.s32 s16, s12  }
0x13: {  	[hbm4b:s12+s13] =	stream.strided.scatter [tilespmem:s14], [sflag:$0x2], $0x2000, s8, s13, $0x20;
	[tilespmem:$0x8080] =	vst v63  }
.LBB1_5:
0x14: {  	s14 =	sadd.s32 $0x1, s9  }
0x15: {  	s12 =	sadd.s32 $0x1000, s10;
	s16 =	smov.u32 s10;
	p2 =	sgt.s32 s14, $0x13  }
0x16: {  	s16 =	smov.u32 @p2 s12  }
0x17: {  	s14 =	simm.s32 @p2 $0x0;
	p2 =	sgt.s32 s16, $0x3FFF  }
0x18: {  	s16 =	smov.u32 @p2 s2;
	p2 =	sne.s32 s11, s7  }
.Ltmp1:
0x19: {  	p1 =	slt.u32 s11, $0x2;
	(pc) =	sbr.rel @!p2 .LBB1_6-.Ltmp1, $4  }
0x1a: {  	s15 =	simm.s32 @!p1 $0x2  }
0x1b: {  	s13 =	smov.u32 s10;
	p0 =	por !p0, !p0;
	_ =	swait.ge @!p1 [sflag:s15], $0x2000  }
0x1c: {  	s12 =	smov.u32 s9;
	[sflag:s15] =	ssyncset.done @!p1 $0x0;
	s9 =	smov.u32 s14  }
0x1d: {  	s11 =	sadd.s32 $0x1, s11;
	[sflag:s15] =	ssyncadd.s32 @!p1 $0xFFFFE000;
	s10 =	smov.u32 s16  }
.LBB1_1:
0x1e: {  	p1 =	sge.u32 s11, s5  }
0x1f: {  	s14 =	sand.u32 @!p1 $0x1FFFFFF, s9  }
0x20: {  	s15 =	smulhi.u32 @!p1 $0xAAAAAAB, s14;
	_ =	sdelay $0x1  }
0x21: {  	s15 =	smul.u32 @!p1 $0x18, s15  }
0x22: {  	s16 =	sxor.u32 @!p1 $0xFFFFFFFF, s11;
	s17 =	smul.u32 @!p1 $0x180, s10  }
0x23: {  	s31 =	sadd.s32 $0xFFFFFFFF, s11;
	s16 =	sshll.u32 @!p1 s16, $0xD;
	s14 =	ssub.s32 @!p1 s14, s15  }
0x24: {  	s15 =	sand.u32 @!p1 $0x2000, s16;
	s16 =	sadd.s32 @!p1 s6, s17;
	s14 =	sshll.u32 @!p1 s14, $0x4  }
0x25: {  	s17 =	simm.s32 @!p1 $0xC00;
	s14 =	sadd.s32 @!p1 s14, s16;
	s16 =	simm.s32 @!p1 $0x40  }
0x26: {  	[tilespmem:s15], [sflag:$0x1] =	stream.strided.gather @!p1 [hbm4b:s14+s16], $0x2000, s17, s16, $0x38;
	[tilespmem:$0x8080] =	vst v63  }
0x27: {  	p1 =	sge.u32 s31, s5  }
.Ltmp2:
0x28: {  	_ = 	snop;
	(pc) =	sbr.rel @p1 .LBB1_5-.Ltmp2, $1  }
0x29: {  	_ =	sdelay $0x3  }
0x2a: {  	s14 =	simm.s32 $0x1  }
0x2b: {  	_ =	swait.ge [sflag:s4], $0x2000;
	s14 =	simm.s32 @!p0 $0x0  }
0x2c: {  	[sflag:s4] =	ssyncset.done $0x0;
	s15 =	sshll.u32 s14, $0xD  }
0x2d: {  	[sflag:s4] =	ssyncadd.s32 $0xFFFFE000;
	s18 =	sor.u32 $0x20, s15  }
0x2e: {  	s14 =	smul.u32 $0x8100, s14;
	v3 =	vld [tilespmem:s18+$0x10]  }
0x2f: {  	s30 =	sand.u32 $0x1, s11;
	v2 =	vld [tilespmem:s18+$0xFFFFFFF0]  }
0x30: {  	s15 =	smul.u32 $0x8100, s30;
	s14 =	sshrl.u32 s14, $0x2;
	v0 =	vld [tilespmem:s18+$0x0]  }
0x31: {  	v1 =	vld [tilespmem:s18+$0xFFFFFFE0];
	s16 =	sor.u32 $0x4000, s14  }
0x32: {  	s31 =	sshrl.u32 s15, $0x2;
	s15 =	sadd.s32 $0x0, s16  }
0x33: {  	s17 =	simm.s32 $0x4;
	s18 =	sadd.s32 $0x40, s18;
	s14 =	sor.u32 $0x4000, s31;
	[tilespmem:s15+$0x1830 ss:$0x81] =	vst.msk $0xffff, v3  }
.LBB1_3:
0x34: {  	v3 =	vld [tilespmem:s18+$0x10];
	p1 =	sne.s32 s17, $0x1FC;
	[tilespmem:s15+$0x810 ss:$0x81] =	vst.msk $0xffff, v2;
	s19 =	smov.u32 s17;
	s17 =	sadd.s32 $0x4, s17  }
.Ltmp3:
0x35: {  	v2 =	vld [tilespmem:s18+$0xFFFFFFF0];
	[tilespmem:s15+$0x1020 ss:$0x81] =	vst.msk $0xffff, v0;
	(pc) =	sbr.rel @p1 .LBB1_3-.Ltmp3, $4  }
0x36: {  	v0 =	vld [tilespmem:s18+$0x0];
	[tilespmem:s15+$0x0 ss:$0x81] =	vst.msk $0xffff, v1  }
0x37: {  	s15 =	sshra.s32 s19, $0x2;
	v1 =	vld [tilespmem:s18+$0xFFFFFFE0]  }
0x38: {  	s15 =	sadd.s32 s15, s16  }
0x39: {  	s18 =	sadd.s32 $0x40, s18;
	[tilespmem:s15+$0x1830 ss:$0x81] =	vst.msk $0xffff, v3  }
.Ltmp4:
0x3a: {  	_ = 	snop;
	(pc) =	sbr.rel .LBB1_4-.Ltmp4, $1  }
0x3b: {  	_ =	sdelay $0x3  }
.LBB1_6:
0x3c: {  	_ =	sfence.sel $0x180000  }
0x3d: {  	s2 =	simm.s32 $0x1;
	[bflag:$0x0] =	sbarrier.arrive $0xFFFF  }
0x3e: {  	s31 =	simm.s32 $0x2;
	[sflag:s2] =	ssyncpa.u1 $0x1  }
0x3f: {  	[sflag:s31] =	ssyncpa.u1 $0x1  }
0x40: {  	p0 =	sne.s32 s0, $0x0;
	_ =	strace $0x9000004A  }
0x41: {  	s0 =	sadd.s32 @!p0 $0x100000, s1;
	[bflag:$0x2] =	sbarrier.arrive $0xFFFF  }
0x42: {  	[sflag:s0] =	ssyncadd.tile.s32 @!p0 $0x1;
	_ =	shalt  }
.Lfunc_end1:
_tile_overlayer_lowered:
.L_overlay_start_2:
0x43: {  	(tag) =	ssettag $0x2  }
0x44: {  	s0 =	rddreg [dreg:$0x0];
	s2 =	stileid.u32  }
0x45: {  	s1 =	rddreg [dreg:$0x1];
	p0 =	sne.s32 s2, $0x0  }
0x46: {  	s3 =	rddreg [dreg:$0x2];
	[bflag:$0x3] =	sbarrier.arrive $0xFFFF;
	s2 =	simm.s32 @!p0 $0x1C01  }
0x47: {  	[timem:s3], [sflag:s2] =	dma.local @!p0 [hbm:s0], s1  }
0x48: {  	s0 =	simm.s32 @!p0 $0x1  }
0x49: {  	_ =	swait.ge @!p0 [sflag:s0], s1  }
0x4a: {  	s1 =	ssub.s32 @!p0 $0x0, s1;
	[sflag:s0] =	ssyncset.done @!p0 $0x0  }
0x4b: {  	[sflag:s0] =	ssyncadd.s32 @!p0 s1  }
0x4c: {  	[bflag:$0x3] =	sbarrier.arrive $0xFFFF  }
0x4d: {  	_ =	shalt  }

</sc_bundles>
